<compile_context>
chip_gen: v7x
topology: tpu7x:2x2x1
jax: 0.10.2.dev20260603
libtpu: 0.0.44.dev20260713+nightly
codegen_flags: <defaults>
</compile_context>

<pallas_src>
import numpy as np

import jax
import jax.numpy as jnp
from jax import lax
from jax.experimental import pallas as pl
from jax.experimental.pallas import tpu as pltpu
from jax.experimental.pallas import tpu_sc as plsc

N = 10000
E = 320000
D = 128
NC = 2
NS = 16
NW = NC * NS
BLK = 128
NBLK = E // BLK
NBLKP = 2512
BPT = 80
CHK1 = 8
CHK2 = 8
CH = 80
NCH = N // CH
NEG_SLOPE = 0.2

def _tc_prep_body(x_ref, wt_ref, al_ref, ar_ref, h_ref, el_ref, er_ref,
                  mr_ref):
    h = jnp.dot(x_ref[...], wt_ref[...], preferred_element_type=jnp.float32)
    h_ref[...] = h
    el_ref[...] = jnp.dot(h, al_ref[...], preferred_element_type=jnp.float32)
    er = jnp.dot(h, ar_ref[...], preferred_element_type=jnp.float32)
    er_ref[...] = er

    @pl.when(pl.program_id(0) == 0)
    def _():
        mr_ref[0, 0] = -jnp.inf

    mr_ref[0, 0] = jnp.maximum(mr_ref[0, 0], jnp.max(er))


_TCB = 1000

_tc_prep = pl.pallas_call(
    _tc_prep_body,
    grid=(N // _TCB,),
    in_specs=[
        pl.BlockSpec((_TCB, D), lambda i: (i, 0)),
        pl.BlockSpec((D, D), lambda i: (0, 0)),
        pl.BlockSpec((D, 1), lambda i: (0, 0)),
        pl.BlockSpec((D, 1), lambda i: (0, 0)),
    ],
    out_specs=[
        pl.BlockSpec((_TCB, D), lambda i: (i, 0)),
        pl.BlockSpec((_TCB, 1), lambda i: (i, 0)),
        pl.BlockSpec((_TCB, 1), lambda i: (i, 0)),
        pl.BlockSpec((1, 1), lambda i: (0, 0), memory_space=pltpu.SMEM),
    ],
    out_shape=[
        jax.ShapeDtypeStruct((N, D), jnp.float32),
        jax.ShapeDtypeStruct((N, 1), jnp.float32),
        jax.ShapeDtypeStruct((N, 1), jnp.float32),
        jax.ShapeDtypeStruct((1, 1), jnp.float32),
    ],
)


def _lrelu(z):
    return jnp.maximum(z, NEG_SLOPE * z)


def _tile_nb(wid):
    return jnp.where(wid < NW - 1, BPT, NBLKP - (NW - 1) * BPT)


def _sc_attn_body(el_hbm, er_hbm, src_hbm, dst_hbm, mr_hbm,
                  p_out, s_out,
                  el_v, er_v, s_v, srcc, dstc, pc, mr_v):
    c = lax.axis_index("c")
    s = lax.axis_index("s")
    wid = s * NC + c

    pltpu.sync_copy(el_hbm, el_v)
    pltpu.sync_copy(er_hbm, er_v)
    pltpu.sync_copy(mr_hbm, mr_v)

    zero16 = jnp.zeros((16,), jnp.float32)

    def _zero_s(i, carry):
        s_v[pl.ds(i * 16, 16)] = zero16
        return carry

    lax.fori_loop(0, N // 16, _zero_s, 0)

    mr16 = mr_v[...]
    nchunk = _tile_nb(wid) // CHK1

    def _chunk(ci, carry):
        gb = wid * BPT + ci * CHK1
        pltpu.sync_copy(src_hbm.at[pl.ds(gb, CHK1)], srcc)
        pltpu.sync_copy(dst_hbm.at[pl.ds(gb, CHK1)], dstc)

        def _blockp(j, carry2):
            valid = (gb + j) < NBLK
            for g in range(BLK // 16):
                d16 = dstc[j, pl.ds(g * 16, 16)]
                s16 = srcc[j, pl.ds(g * 16, 16)]
                eld = plsc.load_gather(el_v, [d16])
                ers = plsc.load_gather(er_v, [s16])
                t = _lrelu(eld + ers)
                cm = _lrelu(eld + mr16)
                p = jnp.where(valid, jnp.exp(t - cm), zero16)
                pc[j, pl.ds(g * 16, 16)] = p
                plsc.addupdate_scatter(s_v, [d16], p)
            return carry2

        lax.fori_loop(0, CHK1, _blockp, 0)
        pltpu.sync_copy(pc, p_out.at[pl.ds(gb, CHK1)])
        return carry

    lax.fori_loop(0, nchunk, _chunk, 0)
    pltpu.sync_copy(s_v, s_out.at[pl.ds(wid * N, N)])


_sc_attn = pl.kernel(
    _sc_attn_body,
    out_type=[
        jax.ShapeDtypeStruct((NBLKP, BLK), jnp.float32),
        jax.ShapeDtypeStruct((NW * N,), jnp.float32),
    ],
    mesh=plsc.VectorSubcoreMesh(core_axis_name="c", subcore_axis_name="s",
                                num_cores=NC, num_subcores=NS),
    compiler_params=pltpu.CompilerParams(needs_layout_passes=False),
    scratch_types=[
        pltpu.VMEM((N,), jnp.float32),
        pltpu.VMEM((N,), jnp.float32),
        pltpu.VMEM((N,), jnp.float32),
        pltpu.VMEM((CHK1, BLK), jnp.int32),
        pltpu.VMEM((CHK1, BLK), jnp.int32),
        pltpu.VMEM((CHK1, BLK), jnp.float32),
        pltpu.VMEM((16,), jnp.float32),
    ],
)


def _sc_agg_body(h_hbm, src_hbm, dst_hbm, p_hbm,
                 acc_out,
                 srcc, dstc, pc, in_a, in_b,
                 acc_sh, gs_a, gs_b, ss_a, ss_b):
    c = lax.axis_index("c")
    s = lax.axis_index("s")
    wid = s * NC + c

    zero16 = jnp.zeros((16,), jnp.float32)

    def _zero_rows(i, carry):
        for k in range(D // 16):
            in_a[i, pl.ds(k * 16, 16)] = zero16
        return carry

    lax.fori_loop(0, BLK, _zero_rows, 0)

    nct = jnp.where(s < NCH % NS, NCH // NS + 1, NCH // NS)

    def _zero_chunk(i, carry):
        r0 = (s + i * NS) * CH
        pltpu.sync_copy(in_a.at[pl.ds(0, CH)], acc_sh.at[pl.ds(r0, CH)])
        return carry

    lax.fori_loop(0, nct, _zero_chunk, 0)
    plsc.subcore_barrier()

    def _scale(buf, j):
        def _rows(r2, carry):
            for u in range(2):
                r = r2 * 2 + u
                bc = plsc.load_gather(
                    pc, [jnp.full((16,), j, jnp.int32),
                         jnp.full((16,), r, jnp.int32)])
                for k in range(D // 16):
                    buf[r, pl.ds(k * 16, 16)] = buf[r, pl.ds(k * 16, 16)] * bc
            return carry

        lax.fori_loop(0, BLK // 2, _rows, 0)

    def _issue_g(j, buf, sem):
        pltpu.async_copy(h_hbm.at[srcc.at[j]], buf, sem)

    def _wait_g(j, buf, sem):
        pltpu.make_async_copy(h_hbm.at[srcc.at[j]], buf, sem).wait()

    def _issue_s(j, buf, sem):
        pltpu.async_copy(buf, acc_sh.at[dstc.at[j]], sem, add=True)

    def _wait_s(j, buf, sem):
        pltpu.make_async_copy(buf, acc_sh.at[dstc.at[j]], sem).wait()

    nchunk = _tile_nb(wid) // CHK2

    def _chunk(ci, carry):
        gb = wid * BPT + ci * CHK2
        pltpu.sync_copy(src_hbm.at[pl.ds(gb, CHK2)], srcc)
        pltpu.sync_copy(dst_hbm.at[pl.ds(gb, CHK2)], dstc)
        pltpu.sync_copy(p_hbm.at[pl.ds(gb, CHK2)], pc)
        _issue_g(0, in_a, gs_a)

        def _pair(j, carry2):
            b0 = j * 2
            b1 = b0 + 1
            _wait_g(b0, in_a, gs_a)

            @pl.when(j > 0)
            def _():
                _wait_s(b1 - 2, in_b, ss_b)

            _issue_g(b1, in_b, gs_b)
            _scale(in_a, b0)
            _issue_s(b0, in_a, ss_a)
            _wait_g(b1, in_b, gs_b)

            @pl.when(j < CHK2 // 2 - 1)
            def _():
                _wait_s(b0, in_a, ss_a)
                _issue_g(b0 + 2, in_a, gs_a)

            _scale(in_b, b1)
            _issue_s(b1, in_b, ss_b)
            return carry2

        lax.fori_loop(0, CHK2 // 2, _pair, 0)
        _wait_s(CHK2 - 2, in_a, ss_a)
        _wait_s(CHK2 - 1, in_b, ss_b)
        return carry

    lax.fori_loop(0, nchunk, _chunk, 0)
    plsc.subcore_barrier()

    def _wb_chunk(i, carry):
        r0 = (s + i * NS) * CH
        pltpu.sync_copy(acc_sh.at[pl.ds(r0, CH)], in_a.at[pl.ds(0, CH)])
        pltpu.sync_copy(in_a.at[pl.ds(0, CH)],
                        acc_out.at[pl.ds(c * N + r0, CH)])
        return carry

    lax.fori_loop(0, nct, _wb_chunk, 0)


_sc_agg = pl.kernel(
    _sc_agg_body,
    out_type=jax.ShapeDtypeStruct((NC * N, D), jnp.float32),
    mesh=plsc.VectorSubcoreMesh(core_axis_name="c", subcore_axis_name="s",
                                num_cores=NC, num_subcores=NS),
    compiler_params=pltpu.CompilerParams(needs_layout_passes=False),
    scratch_types=[
        pltpu.VMEM((CHK2, BLK), jnp.int32),
        pltpu.VMEM((CHK2, BLK), jnp.int32),
        pltpu.VMEM((CHK2, BLK), jnp.float32),
        pltpu.VMEM((BLK, D), jnp.float32),
        pltpu.VMEM((BLK, D), jnp.float32),
        pltpu.VMEM_SHARED((N, D), jnp.float32),
        pltpu.SemaphoreType.DMA,
        pltpu.SemaphoreType.DMA,
        pltpu.SemaphoreType.DMA,
        pltpu.SemaphoreType.DMA,
    ],
)


def _tc_norm_body(a0_ref, a1_ref, sp_ref, b_ref, o_ref):
    ssum = jnp.sum(sp_ref[...], axis=1)
    o_ref[...] = ((a0_ref[...] + a1_ref[...]) / (ssum + 1e-10)[:, None]
                  + b_ref[...])


_tc_norm = pl.pallas_call(
    _tc_norm_body,
    grid=(10,),
    in_specs=[
        pl.BlockSpec((N // 10, D), lambda i: (i, 0)),
        pl.BlockSpec((N // 10, D), lambda i: (i, 0)),
        pl.BlockSpec((N // 10, NW), lambda i: (i, 0)),
        pl.BlockSpec((1, D), lambda i: (0, 0)),
    ],
    out_specs=pl.BlockSpec((N // 10, D), lambda i: (i, 0)),
    out_shape=jax.ShapeDtypeStruct((N, D), jnp.float32),
)


@jax.jit
def kernel(x, edge_index, W, a_l, a_r, bias):
    h, el, er, mr = _tc_prep(x, W.T, a_l.reshape(D, 1), a_r.reshape(D, 1))
    pad = jnp.zeros(((NBLKP - NBLK) * BLK,), jnp.int32)
    src = jnp.concatenate([edge_index[0], pad]).reshape(NBLKP, BLK)
    dst = jnp.concatenate([edge_index[1], pad]).reshape(NBLKP, BLK)
    mr16 = jnp.broadcast_to(mr.reshape(1), (16,))
    p_all, sp = _sc_attn(el.reshape(-1), er.reshape(-1), src, dst, mr16)
    acc = _sc_agg(h, src, dst, p_all)
    return _tc_norm(acc[:N], acc[N:], sp.reshape(NW, N).T, bias.reshape(1, D))

# --- scband reference (transcript-rebuilt; emitter-appended) ---
"""Pipeline reference for scband-gatconv-82978768158887 (READ-ONLY COPY).

The authoritative reference and input builder live on the scoring server;
editing this copy changes nothing except your own understanding.
"""

import jax, jax.numpy as jnp
import numpy as np

N, E, D_IN, D_OUT = 10000, 320000, 128, 128


def setup_inputs(seed: int = 0) -> dict:
    key = jax.random.key(seed)
    k0, k1, k2, k3, k4 = jax.random.split(key, 5)
    x = jax.random.normal(k0, (N, D_IN), dtype=jnp.float32)
    edge_index = jax.random.randint(k1, (2, E), 0, N, dtype=jnp.int32)
    # learned parameters (nn.Linear stores weight as (out, in))
    W = jax.random.normal(k2, (D_OUT, D_IN), dtype=jnp.float32) * (1.0 / np.sqrt(D_IN))
    a_l = jax.random.normal(k3, (D_OUT,), dtype=jnp.float32) * (1.0 / np.sqrt(D_OUT))
    a_r = jax.random.normal(k4, (D_OUT,), dtype=jnp.float32) * (1.0 / np.sqrt(D_OUT))
    bias = jnp.zeros((D_OUT,), dtype=jnp.float32)
    return {"x": x, "edge_index": edge_index, "W": W, "a_l": a_l, "a_r": a_r, "bias": bias}


def reference(x, edge_index, W, a_l, a_r, bias):
    n = x.shape[0]
    h = x @ W.T                                    # (N, out_ch)
    src = edge_index[0]
    dst = edge_index[1]
    e_l = h @ a_l                                  # (N,)  == a_l(h).squeeze(-1)
    e_r = h @ a_r                                  # (N,)
    edge_attn = jax.nn.leaky_relu(e_l[dst] + e_r[src], negative_slope=0.2)  # (E,)
    # scatter_reduce amax with -inf init == segment_max
    edge_max = jax.ops.segment_max(edge_attn, dst, num_segments=n)          # (N,)
    edge_attn = jnp.exp(edge_attn - edge_max[dst])
    edge_sum = jax.ops.segment_sum(edge_attn, dst, num_segments=n)          # (N,)
    edge_attn = edge_attn / (edge_sum[dst] + 1e-10)
    messages = h[src] * edge_attn[:, None]                                  # (E, out_ch)
    out = jax.ops.segment_sum(messages, dst, num_segments=n)                # (N, out_ch)
    return out + bias

if __name__ == "__main__":
    import jax
    _d = setup_inputs()
    print(jax.jit(kernel)(*tuple(_d.values())))

</pallas_src>

<mosaic_0001>
#map = affine_map<(d0, d1) -> (0)>
#map1 = affine_map<(d0, d1) -> (0, 0)>
module attributes {stable_mosaic.version = 14 : i64} {
  func.func @_sc_attn_body(%arg0: i32, %arg1: i32, %arg2: memref<10000xf32, #tpu.memory_space<hbm>>, %arg3: memref<10000xf32, #tpu.memory_space<hbm>>, %arg4: memref<2512x128xi32, #tpu.memory_space<hbm>>, %arg5: memref<2512x128xi32, #tpu.memory_space<hbm>>, %arg6: memref<16xf32, #tpu.memory_space<hbm>>, %arg7: memref<2512x128xf32, #tpu.memory_space<hbm>>, %arg8: memref<320000xf32, #tpu.memory_space<hbm>>, %arg9: memref<10000xf32, #tpu.memory_space<vmem>>, %arg10: memref<10000xf32, #tpu.memory_space<vmem>>, %arg11: memref<10000xf32, #tpu.memory_space<vmem>>, %arg12: memref<8x128xi32, #tpu.memory_space<vmem>>, %arg13: memref<8x128xi32, #tpu.memory_space<vmem>>, %arg14: memref<8x128xf32, #tpu.memory_space<vmem>>, %arg15: memref<16xf32, #tpu.memory_space<vmem>>) attributes {dimension_semantics = [#tpu.dimension_semantics<core_parallel>, #tpu.dimension_semantics<subcore_parallel>], iteration_bounds = array<i64: 2, 16>, scalar_prefetch = 0 : i64, scratch_operands = 7 : i64, tpu.core_type = #tpu.core_type<sc_vector_subcore>, window_params = [{transform_indices = #map}, {transform_indices = #map}, {transform_indices = #map1}, {transform_indices = #map1}, {transform_indices = #map}, {transform_indices = #map1}, {transform_indices = #map}]} {
    %mul3A = arith.constant 2 : i32
    %mul3A_0 = arith.muli %arg1, %mul3A : i32
    %add3A = arith.addi %mul3A_0, %arg0 : i32
    "tpu.region"() ({
      %run_scoped3A = tpu.sem_alloc : memref<!tpu.dma_semaphore, #tpu.memory_space<semaphore_mem>>
      tpu.enqueue_dma source(%arg2 : memref<10000xf32, #tpu.memory_space<hbm>>) target(%arg9 : memref<10000xf32, #tpu.memory_space<vmem>>) target_semaphore(%run_scoped3A : memref<!tpu.dma_semaphore, #tpu.memory_space<semaphore_mem>>)
      tpu.wait_dma2 semaphore(%run_scoped3A : memref<!tpu.dma_semaphore, #tpu.memory_space<semaphore_mem>>) src(%arg2 : memref<10000xf32, #tpu.memory_space<hbm>>) dst(%arg9 : memref<10000xf32, #tpu.memory_space<vmem>>)
      tpu.yield
    }) : () -> ()
    "tpu.region"() ({
      %run_scoped3A = tpu.sem_alloc : memref<!tpu.dma_semaphore, #tpu.memory_space<semaphore_mem>>
      tpu.enqueue_dma source(%arg3 : memref<10000xf32, #tpu.memory_space<hbm>>) target(%arg10 : memref<10000xf32, #tpu.memory_space<vmem>>) target_semaphore(%run_scoped3A : memref<!tpu.dma_semaphore, #tpu.memory_space<semaphore_mem>>)
      tpu.wait_dma2 semaphore(%run_scoped3A : memref<!tpu.dma_semaphore, #tpu.memory_space<semaphore_mem>>) src(%arg3 : memref<10000xf32, #tpu.memory_space<hbm>>) dst(%arg10 : memref<10000xf32, #tpu.memory_space<vmem>>)
      tpu.yield
    }) : () -> ()
    "tpu.region"() ({
      %run_scoped3A = tpu.sem_alloc : memref<!tpu.dma_semaphore, #tpu.memory_space<semaphore_mem>>
      tpu.enqueue_dma source(%arg6 : memref<16xf32, #tpu.memory_space<hbm>>) target(%arg15 : memref<16xf32, #tpu.memory_space<vmem>>) target_semaphore(%run_scoped3A : memref<!tpu.dma_semaphore, #tpu.memory_space<semaphore_mem>>)
      tpu.wait_dma2 semaphore(%run_scoped3A : memref<!tpu.dma_semaphore, #tpu.memory_space<semaphore_mem>>) src(%arg6 : memref<16xf32, #tpu.memory_space<hbm>>) dst(%arg15 : memref<16xf32, #tpu.memory_space<vmem>>)
      tpu.yield
    }) : () -> ()
    %broadcast_in_dim3A = arith.constant 0.000000e+00 : f32
    %broadcast_in_dim3A_1 = vector.broadcast %broadcast_in_dim3A : f32 to vector<16xf32>
    %scan3A = arith.constant 0 : i32
    %scan3A_2 = arith.constant 0 : i32
    %scan3A_3 = arith.constant 625 : i32
    %scan3A_4 = arith.addi %scan3A_2, %scan3A_3 : i32
    %scan3A_5 = arith.constant 1 : i32
    scf.for %scan3A_39 = %scan3A_2 to %scan3A_4 step %scan3A_5  : i32 {
      %mul3A_40 = arith.constant 16 : i32
      %mul3A_41 = arith.muli %scan3A_39, %mul3A_40 : i32
      %swap3A = arith.index_cast %mul3A_41 : i32 to index
      %swap3A_42 = tpu.vector_load %arg11[%swap3A] {strides = array<i32>} : memref<10000xf32, #tpu.memory_space<vmem>>, vector<16xf32>,
      tpu.vector_store %arg11[%swap3A], %broadcast_in_dim3A_1 {strides = array<i32>} : memref<10000xf32, #tpu.memory_space<vmem>>, vector<16xf32>,
    }
    %scan3A_6 = arith.constant 625 : i32
    %get3A = arith.constant 0 : index
    %get3A_7 = tpu.vector_load %arg15[%get3A] {strides = array<i32>} : memref<16xf32, #tpu.memory_space<vmem>>, vector<16xf32>,
    %lt3A = arith.constant 31 : i32
    %lt3A_8 = arith.cmpi slt, %add3A, %lt3A : i32
    %jit3A = arith.constant 80 : i32
    %jit3A_9 = arith.constant 32 : i32
    %select_n3A = arith.select %lt3A_8, %jit3A, %jit3A_9 : i32
    %jit3A_10 = arith.constant 8 : i32
    %div3A = arith.divsi %select_n3A, %jit3A_10 : i32
    %sign3A = arith.constant 0 : i32
    %sign3A_11 = arith.cmpi sgt, %select_n3A, %sign3A : i32
    %sign3A_12 = arith.extui %sign3A_11 : i1 to i32
    %sign3A_13 = arith.constant 0 : i32
    %sign3A_14 = arith.cmpi slt, %select_n3A, %sign3A_13 : i32
    %sign3A_15 = arith.extui %sign3A_14 : i1 to i32
    %sign3A_16 = arith.subi %sign3A_12, %sign3A_15 : i32
    %sign3A_17 = arith.constant 0 : i32
    %sign3A_18 = arith.cmpi sgt, %jit3A_10, %sign3A_17 : i32
    %sign3A_19 = arith.extui %sign3A_18 : i1 to i32
    %sign3A_20 = arith.constant 0 : i32
    %sign3A_21 = arith.cmpi slt, %jit3A_10, %sign3A_20 : i32
    %sign3A_22 = arith.extui %sign3A_21 : i1 to i32
    %sign3A_23 = arith.subi %sign3A_19, %sign3A_22 : i32
    %ne3A = arith.cmpi ne, %sign3A_16, %sign3A_23 : i32
    %rem3A = arith.remsi %select_n3A, %jit3A_10 : i32
    %ne3A_24 = arith.constant 0 : i32
    %ne3A_25 = arith.cmpi ne, %rem3A, %ne3A_24 : i32
    %and3A = arith.andi %ne3A, %ne3A_25 : i1
    %sub3A = arith.constant 1 : i32
    %sub3A_26 = arith.subi %div3A, %sub3A : i32
    %select_n3A_27 = arith.select %and3A, %sub3A_26, %div3A : i32
    %while3A = arith.constant 0 : i32
    %while3A_28 = arith.constant 0 : i32
    %while3A_29 = arith.subi %select_n3A_27, %while3A_28 : i32
    %while3A_30 = arith.addi %while3A_28, %while3A_29 : i32
    %while3A_31 = arith.constant 1 : i32
    %while3A_32 = arith.divsi %while3A_29, %while3A_31 : i32
    %while3A_33 = arith.muli %while3A_32, %while3A_31 : i32
    %while3A_34 = arith.addi %while3A_28, %while3A_33 : i32
    %while3A_35 = arith.constant 1 : i32
    scf.for %while3A_39 = %while3A_28 to %while3A_34 step %while3A_35  : i32 {
      %mul3A_40 = arith.constant 80 : i32
      %mul3A_41 = arith.muli %add3A, %mul3A_40 : i32
      %mul3A_42 = arith.constant 8 : i32
      %mul3A_43 = arith.muli %while3A_39, %mul3A_42 : i32
      %add3A_44 = arith.addi %mul3A_41, %mul3A_43 : i32
      "tpu.region"() ({
        %run_scoped3A = tpu.sem_alloc : memref<!tpu.dma_semaphore, #tpu.memory_space<semaphore_mem>>
        %dma_start3A = arith.constant 0 : i32
        %dma_start3A_51 = tpu.memref_slice %arg4[%add3A_44, %dma_start3A] : memref<2512x128xi32, #tpu.memory_space<hbm>> -> memref<8x128xi32, #tpu.memory_space<hbm>>
        %dma_start3A_52 = arith.constant 0 : i32
        %dma_start3A_53 = tpu.memref_slice %arg4[%add3A_44, %dma_start3A_52] : memref<2512x128xi32, #tpu.memory_space<hbm>> -> memref<8x128xi32, #tpu.memory_space<hbm>>
        tpu.enqueue_dma source(%dma_start3A_53 : memref<8x128xi32, #tpu.memory_space<hbm>>) target(%arg12 : memref<8x128xi32, #tpu.memory_space<vmem>>) target_semaphore(%run_scoped3A : memref<!tpu.dma_semaphore, #tpu.memory_space<semaphore_mem>>)
        %dma_wait3A = arith.constant 0 : i32
        %dma_wait3A_54 = tpu.memref_slice %arg4[%add3A_44, %dma_wait3A] : memref<2512x128xi32, #tpu.memory_space<hbm>> -> memref<8x128xi32, #tpu.memory_space<hbm>>
        %dma_wait3A_55 = arith.constant 0 : i32
        %dma_wait3A_56 = tpu.memref_slice %arg4[%add3A_44, %dma_wait3A_55] : memref<2512x128xi32, #tpu.memory_space<hbm>> -> memref<8x128xi32, #tpu.memory_space<hbm>>
        tpu.wait_dma2 semaphore(%run_scoped3A : memref<!tpu.dma_semaphore, #tpu.memory_space<semaphore_mem>>) src(%dma_wait3A_56 : memref<8x128xi32, #tpu.memory_space<hbm>>) dst(%arg12 : memref<8x128xi32, #tpu.memory_space<vmem>>)
        tpu.yield
      }) : () -> ()
      "tpu.region"() ({
        %run_scoped3A = tpu.sem_alloc : memref<!tpu.dma_semaphore, #tpu.memory_space<semaphore_mem>>
        %dma_start3A = arith.constant 0 : i32
        %dma_start3A_51 = tpu.memref_slice %arg5[%add3A_44, %dma_start3A] : memref<2512x128xi32, #tpu.memory_space<hbm>> -> memref<8x128xi32, #tpu.memory_space<hbm>>
        %dma_start3A_52 = arith.constant 0 : i32
        %dma_start3A_53 = tpu.memref_slice %arg5[%add3A_44, %dma_start3A_52] : memref<2512x128xi32, #tpu.memory_space<hbm>> -> memref<8x128xi32, #tpu.memory_space<hbm>>
        tpu.enqueue_dma source(%dma_start3A_53 : memref<8x128xi32, #tpu.memory_space<hbm>>) target(%arg13 : memref<8x128xi32, #tpu.memory_space<vmem>>) target_semaphore(%run_scoped3A : memref<!tpu.dma_semaphore, #tpu.memory_space<semaphore_mem>>)
        %dma_wait3A = arith.constant 0 : i32
        %dma_wait3A_54 = tpu.memref_slice %arg5[%add3A_44, %dma_wait3A] : memref<2512x128xi32, #tpu.memory_space<hbm>> -> memref<8x128xi32, #tpu.memory_space<hbm>>
        %dma_wait3A_55 = arith.constant 0 : i32
        %dma_wait3A_56 = tpu.memref_slice %arg5[%add3A_44, %dma_wait3A_55] : memref<2512x128xi32, #tpu.memory_space<hbm>> -> memref<8x128xi32, #tpu.memory_space<hbm>>
        tpu.wait_dma2 semaphore(%run_scoped3A : memref<!tpu.dma_semaphore, #tpu.memory_space<semaphore_mem>>) src(%dma_wait3A_56 : memref<8x128xi32, #tpu.memory_space<hbm>>) dst(%arg13 : memref<8x128xi32, #tpu.memory_space<vmem>>)
        tpu.yield
      }) : () -> ()
      %scan3A_45 = arith.constant 0 : i32
      %scan3A_46 = arith.constant 0 : i32
      %scan3A_47 = arith.constant 8 : i32
      %scan3A_48 = arith.addi %scan3A_46, %scan3A_47 : i32
      %scan3A_49 = arith.constant 1 : i32
      scf.for %scan3A_51 = %scan3A_46 to %scan3A_48 step %scan3A_49  : i32 {
        %add3A_52 = arith.addi %add3A_44, %scan3A_51 : i32
        %lt3A_53 = arith.constant 2500 : i32
        %lt3A_54 = arith.cmpi slt, %add3A_52, %lt3A_53 : i32
        %get3A_55 = arith.index_cast %scan3A_51 : i32 to index
        %get3A_56 = arith.constant 0 : index
        %get3A_57 = tpu.vector_load %arg13[%get3A_55, %get3A_56] {strides = array<i32>} : memref<8x128xi32, #tpu.memory_space<vmem>>, vector<16xi32>,
        %get3A_58 = arith.index_cast %scan3A_51 : i32 to index
        %get3A_59 = arith.constant 0 : index
        %get3A_60 = tpu.vector_load %arg12[%get3A_58, %get3A_59] {strides = array<i32>} : memref<8x128xi32, #tpu.memory_space<vmem>>, vector<16xi32>,
        %gather3A = tpu.vector_load_idx %arg9[%get3A_57] : memref<10000xf32, #tpu.memory_space<vmem>>[vector<16xi32>], vector<16xf32>,
        %gather3A_61 = tpu.vector_load_idx %arg10[%get3A_60] : memref<10000xf32, #tpu.memory_space<vmem>>[vector<16xi32>], vector<16xf32>,
        %add3A_62 = arith.addf %gather3A, %gather3A_61 : vector<16xf32>
        %mul3A_63 = arith.constant 2.000000e-01 : f32
        %mul3A_64 = vector.broadcast %mul3A_63 : f32 to vector<16xf32>
        %mul3A_65 = arith.mulf %mul3A_64, %add3A_62 : vector<16xf32>
        %max3A = arith.maximumf %add3A_62, %mul3A_65 : vector<16xf32>
        %add3A_66 = arith.addf %gather3A, %get3A_7 : vector<16xf32>
        %mul3A_67 = arith.constant 2.000000e-01 : f32
        %mul3A_68 = vector.broadcast %mul3A_67 : f32 to vector<16xf32>
        %mul3A_69 = arith.mulf %mul3A_68, %add3A_66 : vector<16xf32>
        %max3A_70 = arith.maximumf %add3A_66, %mul3A_69 : vector<16xf32>
        %sub3A_71 = arith.subf %max3A, %max3A_70 : vector<16xf32>
        %exp3A = math.exp %sub3A_71 : vector<16xf32>
        %select_n3A_72 = arith.select %lt3A_54, %exp3A, %broadcast_in_dim3A_1 : vector<16xf32>
        %swap3A = arith.index_cast %scan3A_51 : i32 to index
        %swap3A_73 = arith.constant 0 : index
        %swap3A_74 = tpu.vector_load %arg14[%swap3A, %swap3A_73] {strides = array<i32>} : memref<8x128xf32, #tpu.memory_space<vmem>>, vector<16xf32>,
        tpu.vector_store %arg14[%swap3A, %swap3A_73], %select_n3A_72 {strides = array<i32>} : memref<8x128xf32, #tpu.memory_space<vmem>>, vector<16xf32>,
        tpu.vector_store_idx %arg11[%get3A_57], %select_n3A_72 {add = true} : memref<10000xf32, #tpu.memory_space<vmem>>[vector<16xi32>], vector<16xf32>,
        %get3A_75 = arith.index_cast %scan3A_51 : i32 to index
        %get3A_76 = arith.constant 16 : index
        %get3A_77 = tpu.vector_load %arg13[%get3A_75, %get3A_76] {strides = array<i32>} : memref<8x128xi32, #tpu.memory_space<vmem>>, vector<16xi32>,
        %get3A_78 = arith.index_cast %scan3A_51 : i32 to index
        %get3A_79 = arith.constant 16 : index
        %get3A_80 = tpu.vector_load %arg12[%get3A_78, %get3A_79] {strides = array<i32>} : memref<8x128xi32, #tpu.memory_space<vmem>>, vector<16xi32>,
        %gather3A_81 = tpu.vector_load_idx %arg9[%get3A_77] : memref<10000xf32, #tpu.memory_space<vmem>>[vector<16xi32>], vector<16xf32>,
        %gather3A_82 = tpu.vector_load_idx %arg10[%get3A_80] : memref<10000xf32, #tpu.memory_space<vmem>>[vector<16xi32>], vector<16xf32>,
        %add3A_83 = arith.addf %gather3A_81, %gather3A_82 : vector<16xf32>
        %mul3A_84 = arith.constant 2.000000e-01 : f32
        %mul3A_85 = vector.broadcast %mul3A_84 : f32 to vector<16xf32>
        %mul3A_86 = arith.mulf %mul3A_85, %add3A_83 : vector<16xf32>
        %max3A_87 = arith.maximumf %add3A_83, %mul3A_86 : vector<16xf32>
        %add3A_88 = arith.addf %gather3A_81, %get3A_7 : vector<16xf32>
        %mul3A_89 = arith.constant 2.000000e-01 : f32
        %mul3A_90 = vector.broadcast %mul3A_89 : f32 to vector<16xf32>
        %mul3A_91 = arith.mulf %mul3A_90, %add3A_88 : vector<16xf32>
        %max3A_92 = arith.maximumf %add3A_88, %mul3A_91 : vector<16xf32>
        %sub3A_93 = arith.subf %max3A_87, %max3A_92 : vector<16xf32>
        %exp3A_94 = math.exp %sub3A_93 : vector<16xf32>
        %select_n3A_95 = arith.select %lt3A_54, %exp3A_94, %broadcast_in_dim3A_1 : vector<16xf32>
        %swap3A_96 = arith.index_cast %scan3A_51 : i32 to index
        %swap3A_97 = arith.constant 16 : index
        %swap3A_98 = tpu.vector_load %arg14[%swap3A_96, %swap3A_97] {strides = array<i32>} : memref<8x128xf32, #tpu.memory_space<vmem>>, vector<16xf32>,
        tpu.vector_store %arg14[%swap3A_96, %swap3A_97], %select_n3A_95 {strides = array<i32>} : memref<8x128xf32, #tpu.memory_space<vmem>>, vector<16xf32>,
        tpu.vector_store_idx %arg11[%get3A_77], %select_n3A_95 {add = true} : memref<10000xf32, #tpu.memory_space<vmem>>[vector<16xi32>], vector<16xf32>,
        %get3A_99 = arith.index_cast %scan3A_51 : i32 to index
        %get3A_100 = arith.constant 32 : index
        %get3A_101 = tpu.vector_load %arg13[%get3A_99, %get3A_100] {strides = array<i32>} : memref<8x128xi32, #tpu.memory_space<vmem>>, vector<16xi32>,
        %get3A_102 = arith.index_cast %scan3A_51 : i32 to index
        %get3A_103 = arith.constant 32 : index
        %get3A_104 = tpu.vector_load %arg12[%get3A_102, %get3A_103] {strides = array<i32>} : memref<8x128xi32, #tpu.memory_space<vmem>>, vector<16xi32>,
        %gather3A_105 = tpu.vector_load_idx %arg9[%get3A_101] : memref<10000xf32, #tpu.memory_space<vmem>>[vector<16xi32>], vector<16xf32>,
        %gather3A_106 = tpu.vector_load_idx %arg10[%get3A_104] : memref<10000xf32, #tpu.memory_space<vmem>>[vector<16xi32>], vector<16xf32>,
        %add3A_107 = arith.addf %gather3A_105, %gather3A_106 : vector<16xf32>
        %mul3A_108 = arith.constant 2.000000e-01 : f32
        %mul3A_109 = vector.broadcast %mul3A_108 : f32 to vector<16xf32>
        %mul3A_110 = arith.mulf %mul3A_109, %add3A_107 : vector<16xf32>
        %max3A_111 = arith.maximumf %add3A_107, %mul3A_110 : vector<16xf32>
        %add3A_112 = arith.addf %gather3A_105, %get3A_7 : vector<16xf32>
        %mul3A_113 = arith.constant 2.000000e-01 : f32
        %mul3A_114 = vector.broadcast %mul3A_113 : f32 to vector<16xf32>
        %mul3A_115 = arith.mulf %mul3A_114, %add3A_112 : vector<16xf32>
        %max3A_116 = arith.maximumf %add3A_112, %mul3A_115 : vector<16xf32>
        %sub3A_117 = arith.subf %max3A_111, %max3A_116 : vector<16xf32>
        %exp3A_118 = math.exp %sub3A_117 : vector<16xf32>
        %select_n3A_119 = arith.select %lt3A_54, %exp3A_118, %broadcast_in_dim3A_1 : vector<16xf32>
        %swap3A_120 = arith.index_cast %scan3A_51 : i32 to index
        %swap3A_121 = arith.constant 32 : index
        %swap3A_122 = tpu.vector_load %arg14[%swap3A_120, %swap3A_121] {strides = array<i32>} : memref<8x128xf32, #tpu.memory_space<vmem>>, vector<16xf32>,
        tpu.vector_store %arg14[%swap3A_120, %swap3A_121], %select_n3A_119 {strides = array<i32>} : memref<8x128xf32, #tpu.memory_space<vmem>>, vector<16xf32>,
        tpu.vector_store_idx %arg11[%get3A_101], %select_n3A_119 {add = true} : memref<10000xf32, #tpu.memory_space<vmem>>[vector<16xi32>], vector<16xf32>,
        %get3A_123 = arith.index_cast %scan3A_51 : i32 to index
        %get3A_124 = arith.constant 48 : index
        %get3A_125 = tpu.vector_load %arg13[%get3A_123, %get3A_124] {strides = array<i32>} : memref<8x128xi32, #tpu.memory_space<vmem>>, vector<16xi32>,
        %get3A_126 = arith.index_cast %scan3A_51 : i32 to index
        %get3A_127 = arith.constant 48 : index
        %get3A_128 = tpu.vector_load %arg12[%get3A_126, %get3A_127] {strides = array<i32>} : memref<8x128xi32, #tpu.memory_space<vmem>>, vector<16xi32>,
        %gather3A_129 = tpu.vector_load_idx %arg9[%get3A_125] : memref<10000xf32, #tpu.memory_space<vmem>>[vector<16xi32>], vector<16xf32>,
        %gather3A_130 = tpu.vector_load_idx %arg10[%get3A_128] : memref<10000xf32, #tpu.memory_space<vmem>>[vector<16xi32>], vector<16xf32>,
        %add3A_131 = arith.addf %gather3A_129, %gather3A_130 : vector<16xf32>
        %mul3A_132 = arith.constant 2.000000e-01 : f32
        %mul3A_133 = vector.broadcast %mul3A_132 : f32 to vector<16xf32>
        %mul3A_134 = arith.mulf %mul3A_133, %add3A_131 : vector<16xf32>
        %max3A_135 = arith.maximumf %add3A_131, %mul3A_134 : vector<16xf32>
        %add3A_136 = arith.addf %gather3A_129, %get3A_7 : vector<16xf32>
        %mul3A_137 = arith.constant 2.000000e-01 : f32
        %mul3A_138 = vector.broadcast %mul3A_137 : f32 to vector<16xf32>
        %mul3A_139 = arith.mulf %mul3A_138, %add3A_136 : vector<16xf32>
        %max3A_140 = arith.maximumf %add3A_136, %mul3A_139 : vector<16xf32>
        %sub3A_141 = arith.subf %max3A_135, %max3A_140 : vector<16xf32>
        %exp3A_142 = math.exp %sub3A_141 : vector<16xf32>
        %select_n3A_143 = arith.select %lt3A_54, %exp3A_142, %broadcast_in_dim3A_1 : vector<16xf32>
        %swap3A_144 = arith.index_cast %scan3A_51 : i32 to index
        %swap3A_145 = arith.constant 48 : index
        %swap3A_146 = tpu.vector_load %arg14[%swap3A_144, %swap3A_145] {strides = array<i32>} : memref<8x128xf32, #tpu.memory_space<vmem>>, vector<16xf32>,
        tpu.vector_store %arg14[%swap3A_144, %swap3A_145], %select_n3A_143 {strides = array<i32>} : memref<8x128xf32, #tpu.memory_space<vmem>>, vector<16xf32>,
        tpu.vector_store_idx %arg11[%get3A_125], %select_n3A_143 {add = true} : memref<10000xf32, #tpu.memory_space<vmem>>[vector<16xi32>], vector<16xf32>,
        %get3A_147 = arith.index_cast %scan3A_51 : i32 to index
        %get3A_148 = arith.constant 64 : index
        %get3A_149 = tpu.vector_load %arg13[%get3A_147, %get3A_148] {strides = array<i32>} : memref<8x128xi32, #tpu.memory_space<vmem>>, vector<16xi32>,
        %get3A_150 = arith.index_cast %scan3A_51 : i32 to index
        %get3A_151 = arith.constant 64 : index
        %get3A_152 = tpu.vector_load %arg12[%get3A_150, %get3A_151] {strides = array<i32>} : memref<8x128xi32, #tpu.memory_space<vmem>>, vector<16xi32>,
        %gather3A_153 = tpu.vector_load_idx %arg9[%get3A_149] : memref<10000xf32, #tpu.memory_space<vmem>>[vector<16xi32>], vector<16xf32>,
        %gather3A_154 = tpu.vector_load_idx %arg10[%get3A_152] : memref<10000xf32, #tpu.memory_space<vmem>>[vector<16xi32>], vector<16xf32>,
        %add3A_155 = arith.addf %gather3A_153, %gather3A_154 : vector<16xf32>
        %mul3A_156 = arith.constant 2.000000e-01 : f32
        %mul3A_157 = vector.broadcast %mul3A_156 : f32 to vector<16xf32>
        %mul3A_158 = arith.mulf %mul3A_157, %add3A_155 : vector<16xf32>
        %max3A_159 = arith.maximumf %add3A_155, %mul3A_158 : vector<16xf32>
        %add3A_160 = arith.addf %gather3A_153, %get3A_7 : vector<16xf32>
        %mul3A_161 = arith.constant 2.000000e-01 : f32
        %mul3A_162 = vector.broadcast %mul3A_161 : f32 to vector<16xf32>
        %mul3A_163 = arith.mulf %mul3A_162, %add3A_160 : vector<16xf32>
        %max3A_164 = arith.maximumf %add3A_160, %mul3A_163 : vector<16xf32>
        %sub3A_165 = arith.subf %max3A_159, %max3A_164 : vector<16xf32>
        %exp3A_166 = math.exp %sub3A_165 : vector<16xf32>
        %select_n3A_167 = arith.select %lt3A_54, %exp3A_166, %broadcast_in_dim3A_1 : vector<16xf32>
        %swap3A_168 = arith.index_cast %scan3A_51 : i32 to index
        %swap3A_169 = arith.constant 64 : index
        %swap3A_170 = tpu.vector_load %arg14[%swap3A_168, %swap3A_169] {strides = array<i32>} : memref<8x128xf32, #tpu.memory_space<vmem>>, vector<16xf32>,
        tpu.vector_store %arg14[%swap3A_168, %swap3A_169], %select_n3A_167 {strides = array<i32>} : memref<8x128xf32, #tpu.memory_space<vmem>>, vector<16xf32>,
        tpu.vector_store_idx %arg11[%get3A_149], %select_n3A_167 {add = true} : memref<10000xf32, #tpu.memory_space<vmem>>[vector<16xi32>], vector<16xf32>,
        %get3A_171 = arith.index_cast %scan3A_51 : i32 to index
        %get3A_172 = arith.constant 80 : index
        %get3A_173 = tpu.vector_load %arg13[%get3A_171, %get3A_172] {strides = array<i32>} : memref<8x128xi32, #tpu.memory_space<vmem>>, vector<16xi32>,
        %get3A_174 = arith.index_cast %scan3A_51 : i32 to index
        %get3A_175 = arith.constant 80 : index
        %get3A_176 = tpu.vector_load %arg12[%get3A_174, %get3A_175] {strides = array<i32>} : memref<8x128xi32, #tpu.memory_space<vmem>>, vector<16xi32>,
        %gather3A_177 = tpu.vector_load_idx %arg9[%get3A_173] : memref<10000xf32, #tpu.memory_space<vmem>>[vector<16xi32>], vector<16xf32>,
        %gather3A_178 = tpu.vector_load_idx %arg10[%get3A_176] : memref<10000xf32, #tpu.memory_space<vmem>>[vector<16xi32>], vector<16xf32>,
        %add3A_179 = arith.addf %gather3A_177, %gather3A_178 : vector<16xf32>
        %mul3A_180 = arith.constant 2.000000e-01 : f32
        %mul3A_181 = vector.broadcast %mul3A_180 : f32 to vector<16xf32>
        %mul3A_182 = arith.mulf %mul3A_181, %add3A_179 : vector<16xf32>
        %max3A_183 = arith.maximumf %add3A_179, %mul3A_182 : vector<16xf32>
        %add3A_184 = arith.addf %gather3A_177, %get3A_7 : vector<16xf32>
        %mul3A_185 = arith.constant 2.000000e-01 : f32
        %mul3A_186 = vector.broadcast %mul3A_185 : f32 to vector<16xf32>
        %mul3A_187 = arith.mulf %mul3A_186, %add3A_184 : vector<16xf32>
        %max3A_188 = arith.maximumf %add3A_184, %mul3A_187 : vector<16xf32>
        %sub3A_189 = arith.subf %max3A_183, %max3A_188 : vector<16xf32>
        %exp3A_190 = math.exp %sub3A_189 : vector<16xf32>
        %select_n3A_191 = arith.select %lt3A_54, %exp3A_190, %broadcast_in_dim3A_1 : vector<16xf32>
        %swap3A_192 = arith.index_cast %scan3A_51 : i32 to index
        %swap3A_193 = arith.constant 80 : index
        %swap3A_194 = tpu.vector_load %arg14[%swap3A_192, %swap3A_193] {strides = array<i32>} : memref<8x128xf32, #tpu.memory_space<vmem>>, vector<16xf32>,
        tpu.vector_store %arg14[%swap3A_192, %swap3A_193], %select_n3A_191 {strides = array<i32>} : memref<8x128xf32, #tpu.memory_space<vmem>>, vector<16xf32>,
        tpu.vector_store_idx %arg11[%get3A_173], %select_n3A_191 {add = true} : memref<10000xf32, #tpu.memory_space<vmem>>[vector<16xi32>], vector<16xf32>,
        %get3A_195 = arith.index_cast %scan3A_51 : i32 to index
        %get3A_196 = arith.constant 96 : index
        %get3A_197 = tpu.vector_load %arg13[%get3A_195, %get3A_196] {strides = array<i32>} : memref<8x128xi32, #tpu.memory_space<vmem>>, vector<16xi32>,
        %get3A_198 = arith.index_cast %scan3A_51 : i32 to index
        %get3A_199 = arith.constant 96 : index
        %get3A_200 = tpu.vector_load %arg12[%get3A_198, %get3A_199] {strides = array<i32>} : memref<8x128xi32, #tpu.memory_space<vmem>>, vector<16xi32>,
        %gather3A_201 = tpu.vector_load_idx %arg9[%get3A_197] : memref<10000xf32, #tpu.memory_space<vmem>>[vector<16xi32>], vector<16xf32>,
        %gather3A_202 = tpu.vector_load_idx %arg10[%get3A_200] : memref<10000xf32, #tpu.memory_space<vmem>>[vector<16xi32>], vector<16xf32>,
        %add3A_203 = arith.addf %gather3A_201, %gather3A_202 : vector<16xf32>
        %mul3A_204 = arith.constant 2.000000e-01 : f32
        %mul3A_205 = vector.broadcast %mul3A_204 : f32 to vector<16xf32>
        %mul3A_206 = arith.mulf %mul3A_205, %add3A_203 : vector<16xf32>
        %max3A_207 = arith.maximumf %add3A_203, %mul3A_206 : vector<16xf32>
        %add3A_208 = arith.addf %gather3A_201, %get3A_7 : vector<16xf32>
        %mul3A_209 = arith.constant 2.000000e-01 : f32
        %mul3A_210 = vector.broadcast %mul3A_209 : f32 to vector<16xf32>
        %mul3A_211 = arith.mulf %mul3A_210, %add3A_208 : vector<16xf32>
        %max3A_212 = arith.maximumf %add3A_208, %mul3A_211 : vector<16xf32>
        %sub3A_213 = arith.subf %max3A_207, %max3A_212 : vector<16xf32>
        %exp3A_214 = math.exp %sub3A_213 : vector<16xf32>
        %select_n3A_215 = arith.select %lt3A_54, %exp3A_214, %broadcast_in_dim3A_1 : vector<16xf32>
        %swap3A_216 = arith.index_cast %scan3A_51 : i32 to index
        %swap3A_217 = arith.constant 96 : index
        %swap3A_218 = tpu.vector_load %arg14[%swap3A_216, %swap3A_217] {strides = array<i32>} : memref<8x128xf32, #tpu.memory_space<vmem>>, vector<16xf32>,
        tpu.vector_store %arg14[%swap3A_216, %swap3A_217], %select_n3A_215 {strides = array<i32>} : memref<8x128xf32, #tpu.memory_space<vmem>>, vector<16xf32>,
        tpu.vector_store_idx %arg11[%get3A_197], %select_n3A_215 {add = true} : memref<10000xf32, #tpu.memory_space<vmem>>[vector<16xi32>], vector<16xf32>,
        %get3A_219 = arith.index_cast %scan3A_51 : i32 to index
        %get3A_220 = arith.constant 112 : index
        %get3A_221 = tpu.vector_load %arg13[%get3A_219, %get3A_220] {strides = array<i32>} : memref<8x128xi32, #tpu.memory_space<vmem>>, vector<16xi32>,
        %get3A_222 = arith.index_cast %scan3A_51 : i32 to index
        %get3A_223 = arith.constant 112 : index
        %get3A_224 = tpu.vector_load %arg12[%get3A_222, %get3A_223] {strides = array<i32>} : memref<8x128xi32, #tpu.memory_space<vmem>>, vector<16xi32>,
        %gather3A_225 = tpu.vector_load_idx %arg9[%get3A_221] : memref<10000xf32, #tpu.memory_space<vmem>>[vector<16xi32>], vector<16xf32>,
        %gather3A_226 = tpu.vector_load_idx %arg10[%get3A_224] : memref<10000xf32, #tpu.memory_space<vmem>>[vector<16xi32>], vector<16xf32>,
        %add3A_227 = arith.addf %gather3A_225, %gather3A_226 : vector<16xf32>
        %mul3A_228 = arith.constant 2.000000e-01 : f32
        %mul3A_229 = vector.broadcast %mul3A_228 : f32 to vector<16xf32>
        %mul3A_230 = arith.mulf %mul3A_229, %add3A_227 : vector<16xf32>
        %max3A_231 = arith.maximumf %add3A_227, %mul3A_230 : vector<16xf32>
        %add3A_232 = arith.addf %gather3A_225, %get3A_7 : vector<16xf32>
        %mul3A_233 = arith.constant 2.000000e-01 : f32
        %mul3A_234 = vector.broadcast %mul3A_233 : f32 to vector<16xf32>
        %mul3A_235 = arith.mulf %mul3A_234, %add3A_232 : vector<16xf32>
        %max3A_236 = arith.maximumf %add3A_232, %mul3A_235 : vector<16xf32>
        %sub3A_237 = arith.subf %max3A_231, %max3A_236 : vector<16xf32>
        %exp3A_238 = math.exp %sub3A_237 : vector<16xf32>
        %select_n3A_239 = arith.select %lt3A_54, %exp3A_238, %broadcast_in_dim3A_1 : vector<16xf32>
        %swap3A_240 = arith.index_cast %scan3A_51 : i32 to index
        %swap3A_241 = arith.constant 112 : index
        %swap3A_242 = tpu.vector_load %arg14[%swap3A_240, %swap3A_241] {strides = array<i32>} : memref<8x128xf32, #tpu.memory_space<vmem>>, vector<16xf32>,
        tpu.vector_store %arg14[%swap3A_240, %swap3A_241], %select_n3A_239 {strides = array<i32>} : memref<8x128xf32, #tpu.memory_space<vmem>>, vector<16xf32>,
        tpu.vector_store_idx %arg11[%get3A_221], %select_n3A_239 {add = true} : memref<10000xf32, #tpu.memory_space<vmem>>[vector<16xi32>], vector<16xf32>,
      }
      %scan3A_50 = arith.constant 8 : i32
      "tpu.region"() ({
        %run_scoped3A = tpu.sem_alloc : memref<!tpu.dma_semaphore, #tpu.memory_space<semaphore_mem>>
        %dma_start3A = arith.constant 0 : i32
        %dma_start3A_51 = tpu.memref_slice %arg7[%add3A_44, %dma_start3A] : memref<2512x128xf32, #tpu.memory_space<hbm>> -> memref<8x128xf32, #tpu.memory_space<hbm>>
        %dma_start3A_52 = arith.constant 0 : i32
        %dma_start3A_53 = tpu.memref_slice %arg7[%add3A_44, %dma_start3A_52] : memref<2512x128xf32, #tpu.memory_space<hbm>> -> memref<8x128xf32, #tpu.memory_space<hbm>>
        tpu.enqueue_dma source(%arg14 : memref<8x128xf32, #tpu.memory_space<vmem>>) target(%dma_start3A_53 : memref<8x128xf32, #tpu.memory_space<hbm>>) target_semaphore(%run_scoped3A : memref<!tpu.dma_semaphore, #tpu.memory_space<semaphore_mem>>)
        %dma_wait3A = arith.constant 0 : i32
        %dma_wait3A_54 = tpu.memref_slice %arg7[%add3A_44, %dma_wait3A] : memref<2512x128xf32, #tpu.memory_space<hbm>> -> memref<8x128xf32, #tpu.memory_space<hbm>>
        %dma_wait3A_55 = arith.constant 0 : i32
        %dma_wait3A_56 = tpu.memref_slice %arg7[%add3A_44, %dma_wait3A_55] : memref<2512x128xf32, #tpu.memory_space<hbm>> -> memref<8x128xf32, #tpu.memory_space<hbm>>
        tpu.wait_dma2 semaphore(%run_scoped3A : memref<!tpu.dma_semaphore, #tpu.memory_space<semaphore_mem>>) src(%arg14 : memref<8x128xf32, #tpu.memory_space<vmem>>) dst(%dma_wait3A_56 : memref<8x128xf32, #tpu.memory_space<hbm>>)
        tpu.yield
      }) : () -> ()
    }
    %while3A_36 = arith.constant 1 : i32
    scf.for %while3A_39 = %while3A_34 to %while3A_30 step %while3A_36  : i32 {
      %mul3A_40 = arith.constant 80 : i32
      %mul3A_41 = arith.muli %add3A, %mul3A_40 : i32
      %mul3A_42 = arith.constant 8 : i32
      %mul3A_43 = arith.muli %while3A_39, %mul3A_42 : i32
      %add3A_44 = arith.addi %mul3A_41, %mul3A_43 : i32
      "tpu.region"() ({
        %run_scoped3A = tpu.sem_alloc : memref<!tpu.dma_semaphore, #tpu.memory_space<semaphore_mem>>
        %dma_start3A = arith.constant 0 : i32
        %dma_start3A_51 = tpu.memref_slice %arg4[%add3A_44, %dma_start3A] : memref<2512x128xi32, #tpu.memory_space<hbm>> -> memref<8x128xi32, #tpu.memory_space<hbm>>
        %dma_start3A_52 = arith.constant 0 : i32
        %dma_start3A_53 = tpu.memref_slice %arg4[%add3A_44, %dma_start3A_52] : memref<2512x128xi32, #tpu.memory_space<hbm>> -> memref<8x128xi32, #tpu.memory_space<hbm>>
        tpu.enqueue_dma source(%dma_start3A_53 : memref<8x128xi32, #tpu.memory_space<hbm>>) target(%arg12 : memref<8x128xi32, #tpu.memory_space<vmem>>) target_semaphore(%run_scoped3A : memref<!tpu.dma_semaphore, #tpu.memory_space<semaphore_mem>>)
        %dma_wait3A = arith.constant 0 : i32
        %dma_wait3A_54 = tpu.memref_slice %arg4[%add3A_44, %dma_wait3A] : memref<2512x128xi32, #tpu.memory_space<hbm>> -> memref<8x128xi32, #tpu.memory_space<hbm>>
        %dma_wait3A_55 = arith.constant 0 : i32
        %dma_wait3A_56 = tpu.memref_slice %arg4[%add3A_44, %dma_wait3A_55] : memref<2512x128xi32, #tpu.memory_space<hbm>> -> memref<8x128xi32, #tpu.memory_space<hbm>>
        tpu.wait_dma2 semaphore(%run_scoped3A : memref<!tpu.dma_semaphore, #tpu.memory_space<semaphore_mem>>) src(%dma_wait3A_56 : memref<8x128xi32, #tpu.memory_space<hbm>>) dst(%arg12 : memref<8x128xi32, #tpu.memory_space<vmem>>)
        tpu.yield
      }) : () -> ()
      "tpu.region"() ({
        %run_scoped3A = tpu.sem_alloc : memref<!tpu.dma_semaphore, #tpu.memory_space<semaphore_mem>>
        %dma_start3A = arith.constant 0 : i32
        %dma_start3A_51 = tpu.memref_slice %arg5[%add3A_44, %dma_start3A] : memref<2512x128xi32, #tpu.memory_space<hbm>> -> memref<8x128xi32, #tpu.memory_space<hbm>>
        %dma_start3A_52 = arith.constant 0 : i32
        %dma_start3A_53 = tpu.memref_slice %arg5[%add3A_44, %dma_start3A_52] : memref<2512x128xi32, #tpu.memory_space<hbm>> -> memref<8x128xi32, #tpu.memory_space<hbm>>
        tpu.enqueue_dma source(%dma_start3A_53 : memref<8x128xi32, #tpu.memory_space<hbm>>) target(%arg13 : memref<8x128xi32, #tpu.memory_space<vmem>>) target_semaphore(%run_scoped3A : memref<!tpu.dma_semaphore, #tpu.memory_space<semaphore_mem>>)
        %dma_wait3A = arith.constant 0 : i32
        %dma_wait3A_54 = tpu.memref_slice %arg5[%add3A_44, %dma_wait3A] : memref<2512x128xi32, #tpu.memory_space<hbm>> -> memref<8x128xi32, #tpu.memory_space<hbm>>
        %dma_wait3A_55 = arith.constant 0 : i32
        %dma_wait3A_56 = tpu.memref_slice %arg5[%add3A_44, %dma_wait3A_55] : memref<2512x128xi32, #tpu.memory_space<hbm>> -> memref<8x128xi32, #tpu.memory_space<hbm>>
        tpu.wait_dma2 semaphore(%run_scoped3A : memref<!tpu.dma_semaphore, #tpu.memory_space<semaphore_mem>>) src(%dma_wait3A_56 : memref<8x128xi32, #tpu.memory_space<hbm>>) dst(%arg13 : memref<8x128xi32, #tpu.memory_space<vmem>>)
        tpu.yield
      }) : () -> ()
      %scan3A_45 = arith.constant 0 : i32
      %scan3A_46 = arith.constant 0 : i32
      %scan3A_47 = arith.constant 8 : i32
      %scan3A_48 = arith.addi %scan3A_46, %scan3A_47 : i32
      %scan3A_49 = arith.constant 1 : i32
      scf.for %scan3A_51 = %scan3A_46 to %scan3A_48 step %scan3A_49  : i32 {
        %add3A_52 = arith.addi %add3A_44, %scan3A_51 : i32
        %lt3A_53 = arith.constant 2500 : i32
        %lt3A_54 = arith.cmpi slt, %add3A_52, %lt3A_53 : i32
        %get3A_55 = arith.index_cast %scan3A_51 : i32 to index
        %get3A_56 = arith.constant 0 : index
        %get3A_57 = tpu.vector_load %arg13[%get3A_55, %get3A_56] {strides = array<i32>} : memref<8x128xi32, #tpu.memory_space<vmem>>, vector<16xi32>,
        %get3A_58 = arith.index_cast %scan3A_51 : i32 to index
        %get3A_59 = arith.constant 0 : index
        %get3A_60 = tpu.vector_load %arg12[%get3A_58, %get3A_59] {strides = array<i32>} : memref<8x128xi32, #tpu.memory_space<vmem>>, vector<16xi32>,
        %gather3A = tpu.vector_load_idx %arg9[%get3A_57] : memref<10000xf32, #tpu.memory_space<vmem>>[vector<16xi32>], vector<16xf32>,
        %gather3A_61 = tpu.vector_load_idx %arg10[%get3A_60] : memref<10000xf32, #tpu.memory_space<vmem>>[vector<16xi32>], vector<16xf32>,
        %add3A_62 = arith.addf %gather3A, %gather3A_61 : vector<16xf32>
        %mul3A_63 = arith.constant 2.000000e-01 : f32
        %mul3A_64 = vector.broadcast %mul3A_63 : f32 to vector<16xf32>
        %mul3A_65 = arith.mulf %mul3A_64, %add3A_62 : vector<16xf32>
        %max3A = arith.maximumf %add3A_62, %mul3A_65 : vector<16xf32>
        %add3A_66 = arith.addf %gather3A, %get3A_7 : vector<16xf32>
        %mul3A_67 = arith.constant 2.000000e-01 : f32
        %mul3A_68 = vector.broadcast %mul3A_67 : f32 to vector<16xf32>
        %mul3A_69 = arith.mulf %mul3A_68, %add3A_66 : vector<16xf32>
        %max3A_70 = arith.maximumf %add3A_66, %mul3A_69 : vector<16xf32>
        %sub3A_71 = arith.subf %max3A, %max3A_70 : vector<16xf32>
        %exp3A = math.exp %sub3A_71 : vector<16xf32>
        %select_n3A_72 = arith.select %lt3A_54, %exp3A, %broadcast_in_dim3A_1 : vector<16xf32>
        %swap3A = arith.index_cast %scan3A_51 : i32 to index
        %swap3A_73 = arith.constant 0 : index
        %swap3A_74 = tpu.vector_load %arg14[%swap3A, %swap3A_73] {strides = array<i32>} : memref<8x128xf32, #tpu.memory_space<vmem>>, vector<16xf32>,
        tpu.vector_store %arg14[%swap3A, %swap3A_73], %select_n3A_72 {strides = array<i32>} : memref<8x128xf32, #tpu.memory_space<vmem>>, vector<16xf32>,
        tpu.vector_store_idx %arg11[%get3A_57], %select_n3A_72 {add = true} : memref<10000xf32, #tpu.memory_space<vmem>>[vector<16xi32>], vector<16xf32>,
        %get3A_75 = arith.index_cast %scan3A_51 : i32 to index
        %get3A_76 = arith.constant 16 : index
        %get3A_77 = tpu.vector_load %arg13[%get3A_75, %get3A_76] {strides = array<i32>} : memref<8x128xi32, #tpu.memory_space<vmem>>, vector<16xi32>,
        %get3A_78 = arith.index_cast %scan3A_51 : i32 to index
        %get3A_79 = arith.constant 16 : index
        %get3A_80 = tpu.vector_load %arg12[%get3A_78, %get3A_79] {strides = array<i32>} : memref<8x128xi32, #tpu.memory_space<vmem>>, vector<16xi32>,
        %gather3A_81 = tpu.vector_load_idx %arg9[%get3A_77] : memref<10000xf32, #tpu.memory_space<vmem>>[vector<16xi32>], vector<16xf32>,
        %gather3A_82 = tpu.vector_load_idx %arg10[%get3A_80] : memref<10000xf32, #tpu.memory_space<vmem>>[vector<16xi32>], vector<16xf32>,
        %add3A_83 = arith.addf %gather3A_81, %gather3A_82 : vector<16xf32>
        %mul3A_84 = arith.constant 2.000000e-01 : f32
        %mul3A_85 = vector.broadcast %mul3A_84 : f32 to vector<16xf32>
        %mul3A_86 = arith.mulf %mul3A_85, %add3A_83 : vector<16xf32>
        %max3A_87 = arith.maximumf %add3A_83, %mul3A_86 : vector<16xf32>
        %add3A_88 = arith.addf %gather3A_81, %get3A_7 : vector<16xf32>
        %mul3A_89 = arith.constant 2.000000e-01 : f32
        %mul3A_90 = vector.broadcast %mul3A_89 : f32 to vector<16xf32>
        %mul3A_91 = arith.mulf %mul3A_90, %add3A_88 : vector<16xf32>
        %max3A_92 = arith.maximumf %add3A_88, %mul3A_91 : vector<16xf32>
        %sub3A_93 = arith.subf %max3A_87, %max3A_92 : vector<16xf32>
        %exp3A_94 = math.exp %sub3A_93 : vector<16xf32>
        %select_n3A_95 = arith.select %lt3A_54, %exp3A_94, %broadcast_in_dim3A_1 : vector<16xf32>
        %swap3A_96 = arith.index_cast %scan3A_51 : i32 to index
        %swap3A_97 = arith.constant 16 : index
        %swap3A_98 = tpu.vector_load %arg14[%swap3A_96, %swap3A_97] {strides = array<i32>} : memref<8x128xf32, #tpu.memory_space<vmem>>, vector<16xf32>,
        tpu.vector_store %arg14[%swap3A_96, %swap3A_97], %select_n3A_95 {strides = array<i32>} : memref<8x128xf32, #tpu.memory_space<vmem>>, vector<16xf32>,
        tpu.vector_store_idx %arg11[%get3A_77], %select_n3A_95 {add = true} : memref<10000xf32, #tpu.memory_space<vmem>>[vector<16xi32>], vector<16xf32>,
        %get3A_99 = arith.index_cast %scan3A_51 : i32 to index
        %get3A_100 = arith.constant 32 : index
        %get3A_101 = tpu.vector_load %arg13[%get3A_99, %get3A_100] {strides = array<i32>} : memref<8x128xi32, #tpu.memory_space<vmem>>, vector<16xi32>,
        %get3A_102 = arith.index_cast %scan3A_51 : i32 to index
        %get3A_103 = arith.constant 32 : index
        %get3A_104 = tpu.vector_load %arg12[%get3A_102, %get3A_103] {strides = array<i32>} : memref<8x128xi32, #tpu.memory_space<vmem>>, vector<16xi32>,
        %gather3A_105 = tpu.vector_load_idx %arg9[%get3A_101] : memref<10000xf32, #tpu.memory_space<vmem>>[vector<16xi32>], vector<16xf32>,
        %gather3A_106 = tpu.vector_load_idx %arg10[%get3A_104] : memref<10000xf32, #tpu.memory_space<vmem>>[vector<16xi32>], vector<16xf32>,
        %add3A_107 = arith.addf %gather3A_105, %gather3A_106 : vector<16xf32>
        %mul3A_108 = arith.constant 2.000000e-01 : f32
        %mul3A_109 = vector.broadcast %mul3A_108 : f32 to vector<16xf32>
        %mul3A_110 = arith.mulf %mul3A_109, %add3A_107 : vector<16xf32>
        %max3A_111 = arith.maximumf %add3A_107, %mul3A_110 : vector<16xf32>
        %add3A_112 = arith.addf %gather3A_105, %get3A_7 : vector<16xf32>
        %mul3A_113 = arith.constant 2.000000e-01 : f32
        %mul3A_114 = vector.broadcast %mul3A_113 : f32 to vector<16xf32>
        %mul3A_115 = arith.mulf %mul3A_114, %add3A_112 : vector<16xf32>
        %max3A_116 = arith.maximumf %add3A_112, %mul3A_115 : vector<16xf32>
        %sub3A_117 = arith.subf %max3A_111, %max3A_116 : vector<16xf32>
        %exp3A_118 = math.exp %sub3A_117 : vector<16xf32>
        %select_n3A_119 = arith.select %lt3A_54, %exp3A_118, %broadcast_in_dim3A_1 : vector<16xf32>
        %swap3A_120 = arith.index_cast %scan3A_51 : i32 to index
        %swap3A_121 = arith.constant 32 : index
        %swap3A_122 = tpu.vector_load %arg14[%swap3A_120, %swap3A_121] {strides = array<i32>} : memref<8x128xf32, #tpu.memory_space<vmem>>, vector<16xf32>,
        tpu.vector_store %arg14[%swap3A_120, %swap3A_121], %select_n3A_119 {strides = array<i32>} : memref<8x128xf32, #tpu.memory_space<vmem>>, vector<16xf32>,
        tpu.vector_store_idx %arg11[%get3A_101], %select_n3A_119 {add = true} : memref<10000xf32, #tpu.memory_space<vmem>>[vector<16xi32>], vector<16xf32>,
        %get3A_123 = arith.index_cast %scan3A_51 : i32 to index
        %get3A_124 = arith.constant 48 : index
        %get3A_125 = tpu.vector_load %arg13[%get3A_123, %get3A_124] {strides = array<i32>} : memref<8x128xi32, #tpu.memory_space<vmem>>, vector<16xi32>,
        %get3A_126 = arith.index_cast %scan3A_51 : i32 to index
        %get3A_127 = arith.constant 48 : index
        %get3A_128 = tpu.vector_load %arg12[%get3A_126, %get3A_127] {strides = array<i32>} : memref<8x128xi32, #tpu.memory_space<vmem>>, vector<16xi32>,
        %gather3A_129 = tpu.vector_load_idx %arg9[%get3A_125] : memref<10000xf32, #tpu.memory_space<vmem>>[vector<16xi32>], vector<16xf32>,
        %gather3A_130 = tpu.vector_load_idx %arg10[%get3A_128] : memref<10000xf32, #tpu.memory_space<vmem>>[vector<16xi32>], vector<16xf32>,
        %add3A_131 = arith.addf %gather3A_129, %gather3A_130 : vector<16xf32>
        %mul3A_132 = arith.constant 2.000000e-01 : f32
        %mul3A_133 = vector.broadcast %mul3A_132 : f32 to vector<16xf32>
        %mul3A_134 = arith.mulf %mul3A_133, %add3A_131 : vector<16xf32>
        %max3A_135 = arith.maximumf %add3A_131, %mul3A_134 : vector<16xf32>
        %add3A_136 = arith.addf %gather3A_129, %get3A_7 : vector<16xf32>
        %mul3A_137 = arith.constant 2.000000e-01 : f32
        %mul3A_138 = vector.broadcast %mul3A_137 : f32 to vector<16xf32>
        %mul3A_139 = arith.mulf %mul3A_138, %add3A_136 : vector<16xf32>
        %max3A_140 = arith.maximumf %add3A_136, %mul3A_139 : vector<16xf32>
        %sub3A_141 = arith.subf %max3A_135, %max3A_140 : vector<16xf32>
        %exp3A_142 = math.exp %sub3A_141 : vector<16xf32>
        %select_n3A_143 = arith.select %lt3A_54, %exp3A_142, %broadcast_in_dim3A_1 : vector<16xf32>
        %swap3A_144 = arith.index_cast %scan3A_51 : i32 to index
        %swap3A_145 = arith.constant 48 : index
        %swap3A_146 = tpu.vector_load %arg14[%swap3A_144, %swap3A_145] {strides = array<i32>} : memref<8x128xf32, #tpu.memory_space<vmem>>, vector<16xf32>,
        tpu.vector_store %arg14[%swap3A_144, %swap3A_145], %select_n3A_143 {strides = array<i32>} : memref<8x128xf32, #tpu.memory_space<vmem>>, vector<16xf32>,
        tpu.vector_store_idx %arg11[%get3A_125], %select_n3A_143 {add = true} : memref<10000xf32, #tpu.memory_space<vmem>>[vector<16xi32>], vector<16xf32>,
        %get3A_147 = arith.index_cast %scan3A_51 : i32 to index
        %get3A_148 = arith.constant 64 : index
        %get3A_149 = tpu.vector_load %arg13[%get3A_147, %get3A_148] {strides = array<i32>} : memref<8x128xi32, #tpu.memory_space<vmem>>, vector<16xi32>,
        %get3A_150 = arith.index_cast %scan3A_51 : i32 to index
        %get3A_151 = arith.constant 64 : index
        %get3A_152 = tpu.vector_load %arg12[%get3A_150, %get3A_151] {strides = array<i32>} : memref<8x128xi32, #tpu.memory_space<vmem>>, vector<16xi32>,
        %gather3A_153 = tpu.vector_load_idx %arg9[%get3A_149] : memref<10000xf32, #tpu.memory_space<vmem>>[vector<16xi32>], vector<16xf32>,
        %gather3A_154 = tpu.vector_load_idx %arg10[%get3A_152] : memref<10000xf32, #tpu.memory_space<vmem>>[vector<16xi32>], vector<16xf32>,
        %add3A_155 = arith.addf %gather3A_153, %gather3A_154 : vector<16xf32>
        %mul3A_156 = arith.constant 2.000000e-01 : f32
        %mul3A_157 = vector.broadcast %mul3A_156 : f32 to vector<16xf32>
        %mul3A_158 = arith.mulf %mul3A_157, %add3A_155 : vector<16xf32>
        %max3A_159 = arith.maximumf %add3A_155, %mul3A_158 : vector<16xf32>
        %add3A_160 = arith.addf %gather3A_153, %get3A_7 : vector<16xf32>
        %mul3A_161 = arith.constant 2.000000e-01 : f32
        %mul3A_162 = vector.broadcast %mul3A_161 : f32 to vector<16xf32>
        %mul3A_163 = arith.mulf %mul3A_162, %add3A_160 : vector<16xf32>
        %max3A_164 = arith.maximumf %add3A_160, %mul3A_163 : vector<16xf32>
        %sub3A_165 = arith.subf %max3A_159, %max3A_164 : vector<16xf32>
        %exp3A_166 = math.exp %sub3A_165 : vector<16xf32>
        %select_n3A_167 = arith.select %lt3A_54, %exp3A_166, %broadcast_in_dim3A_1 : vector<16xf32>
        %swap3A_168 = arith.index_cast %scan3A_51 : i32 to index
        %swap3A_169 = arith.constant 64 : index
        %swap3A_170 = tpu.vector_load %arg14[%swap3A_168, %swap3A_169] {strides = array<i32>} : memref<8x128xf32, #tpu.memory_space<vmem>>, vector<16xf32>,
        tpu.vector_store %arg14[%swap3A_168, %swap3A_169], %select_n3A_167 {strides = array<i32>} : memref<8x128xf32, #tpu.memory_space<vmem>>, vector<16xf32>,
        tpu.vector_store_idx %arg11[%get3A_149], %select_n3A_167 {add = true} : memref<10000xf32, #tpu.memory_space<vmem>>[vector<16xi32>], vector<16xf32>,
        %get3A_171 = arith.index_cast %scan3A_51 : i32 to index
        %get3A_172 = arith.constant 80 : index
        %get3A_173 = tpu.vector_load %arg13[%get3A_171, %get3A_172] {strides = array<i32>} : memref<8x128xi32, #tpu.memory_space<vmem>>, vector<16xi32>,
        %get3A_174 = arith.index_cast %scan3A_51 : i32 to index
        %get3A_175 = arith.constant 80 : index
        %get3A_176 = tpu.vector_load %arg12[%get3A_174, %get3A_175] {strides = array<i32>} : memref<8x128xi32, #tpu.memory_space<vmem>>, vector<16xi32>,
        %gather3A_177 = tpu.vector_load_idx %arg9[%get3A_173] : memref<10000xf32, #tpu.memory_space<vmem>>[vector<16xi32>], vector<16xf32>,
        %gather3A_178 = tpu.vector_load_idx %arg10[%get3A_176] : memref<10000xf32, #tpu.memory_space<vmem>>[vector<16xi32>], vector<16xf32>,
        %add3A_179 = arith.addf %gather3A_177, %gather3A_178 : vector<16xf32>
        %mul3A_180 = arith.constant 2.000000e-01 : f32
        %mul3A_181 = vector.broadcast %mul3A_180 : f32 to vector<16xf32>
        %mul3A_182 = arith.mulf %mul3A_181, %add3A_179 : vector<16xf32>
        %max3A_183 = arith.maximumf %add3A_179, %mul3A_182 : vector<16xf32>
        %add3A_184 = arith.addf %gather3A_177, %get3A_7 : vector<16xf32>
        %mul3A_185 = arith.constant 2.000000e-01 : f32
        %mul3A_186 = vector.broadcast %mul3A_185 : f32 to vector<16xf32>
        %mul3A_187 = arith.mulf %mul3A_186, %add3A_184 : vector<16xf32>
        %max3A_188 = arith.maximumf %add3A_184, %mul3A_187 : vector<16xf32>
        %sub3A_189 = arith.subf %max3A_183, %max3A_188 : vector<16xf32>
        %exp3A_190 = math.exp %sub3A_189 : vector<16xf32>
        %select_n3A_191 = arith.select %lt3A_54, %exp3A_190, %broadcast_in_dim3A_1 : vector<16xf32>
        %swap3A_192 = arith.index_cast %scan3A_51 : i32 to index
        %swap3A_193 = arith.constant 80 : index
        %swap3A_194 = tpu.vector_load %arg14[%swap3A_192, %swap3A_193] {strides = array<i32>} : memref<8x128xf32, #tpu.memory_space<vmem>>, vector<16xf32>,
        tpu.vector_store %arg14[%swap3A_192, %swap3A_193], %select_n3A_191 {strides = array<i32>} : memref<8x128xf32, #tpu.memory_space<vmem>>, vector<16xf32>,
        tpu.vector_store_idx %arg11[%get3A_173], %select_n3A_191 {add = true} : memref<10000xf32, #tpu.memory_space<vmem>>[vector<16xi32>], vector<16xf32>,
        %get3A_195 = arith.index_cast %scan3A_51 : i32 to index
        %get3A_196 = arith.constant 96 : index
        %get3A_197 = tpu.vector_load %arg13[%get3A_195, %get3A_196] {strides = array<i32>} : memref<8x128xi32, #tpu.memory_space<vmem>>, vector<16xi32>,
        %get3A_198 = arith.index_cast %scan3A_51 : i32 to index
        %get3A_199 = arith.constant 96 : index
        %get3A_200 = tpu.vector_load %arg12[%get3A_198, %get3A_199] {strides = array<i32>} : memref<8x128xi32, #tpu.memory_space<vmem>>, vector<16xi32>,
        %gather3A_201 = tpu.vector_load_idx %arg9[%get3A_197] : memref<10000xf32, #tpu.memory_space<vmem>>[vector<16xi32>], vector<16xf32>,
        %gather3A_202 = tpu.vector_load_idx %arg10[%get3A_200] : memref<10000xf32, #tpu.memory_space<vmem>>[vector<16xi32>], vector<16xf32>,
        %add3A_203 = arith.addf %gather3A_201, %gather3A_202 : vector<16xf32>
        %mul3A_204 = arith.constant 2.000000e-01 : f32
        %mul3A_205 = vector.broadcast %mul3A_204 : f32 to vector<16xf32>
        %mul3A_206 = arith.mulf %mul3A_205, %add3A_203 : vector<16xf32>
        %max3A_207 = arith.maximumf %add3A_203, %mul3A_206 : vector<16xf32>
        %add3A_208 = arith.addf %gather3A_201, %get3A_7 : vector<16xf32>
        %mul3A_209 = arith.constant 2.000000e-01 : f32
        %mul3A_210 = vector.broadcast %mul3A_209 : f32 to vector<16xf32>
        %mul3A_211 = arith.mulf %mul3A_210, %add3A_208 : vector<16xf32>
        %max3A_212 = arith.maximumf %add3A_208, %mul3A_211 : vector<16xf32>
        %sub3A_213 = arith.subf %max3A_207, %max3A_212 : vector<16xf32>
        %exp3A_214 = math.exp %sub3A_213 : vector<16xf32>
        %select_n3A_215 = arith.select %lt3A_54, %exp3A_214, %broadcast_in_dim3A_1 : vector<16xf32>
        %swap3A_216 = arith.index_cast %scan3A_51 : i32 to index
        %swap3A_217 = arith.constant 96 : index
        %swap3A_218 = tpu.vector_load %arg14[%swap3A_216, %swap3A_217] {strides = array<i32>} : memref<8x128xf32, #tpu.memory_space<vmem>>, vector<16xf32>,
        tpu.vector_store %arg14[%swap3A_216, %swap3A_217], %select_n3A_215 {strides = array<i32>} : memref<8x128xf32, #tpu.memory_space<vmem>>, vector<16xf32>,
        tpu.vector_store_idx %arg11[%get3A_197], %select_n3A_215 {add = true} : memref<10000xf32, #tpu.memory_space<vmem>>[vector<16xi32>], vector<16xf32>,
        %get3A_219 = arith.index_cast %scan3A_51 : i32 to index
        %get3A_220 = arith.constant 112 : index
        %get3A_221 = tpu.vector_load %arg13[%get3A_219, %get3A_220] {strides = array<i32>} : memref<8x128xi32, #tpu.memory_space<vmem>>, vector<16xi32>,
        %get3A_222 = arith.index_cast %scan3A_51 : i32 to index
        %get3A_223 = arith.constant 112 : index
        %get3A_224 = tpu.vector_load %arg12[%get3A_222, %get3A_223] {strides = array<i32>} : memref<8x128xi32, #tpu.memory_space<vmem>>, vector<16xi32>,
        %gather3A_225 = tpu.vector_load_idx %arg9[%get3A_221] : memref<10000xf32, #tpu.memory_space<vmem>>[vector<16xi32>], vector<16xf32>,
        %gather3A_226 = tpu.vector_load_idx %arg10[%get3A_224] : memref<10000xf32, #tpu.memory_space<vmem>>[vector<16xi32>], vector<16xf32>,
        %add3A_227 = arith.addf %gather3A_225, %gather3A_226 : vector<16xf32>
        %mul3A_228 = arith.constant 2.000000e-01 : f32
        %mul3A_229 = vector.broadcast %mul3A_228 : f32 to vector<16xf32>
        %mul3A_230 = arith.mulf %mul3A_229, %add3A_227 : vector<16xf32>
        %max3A_231 = arith.maximumf %add3A_227, %mul3A_230 : vector<16xf32>
        %add3A_232 = arith.addf %gather3A_225, %get3A_7 : vector<16xf32>
        %mul3A_233 = arith.constant 2.000000e-01 : f32
        %mul3A_234 = vector.broadcast %mul3A_233 : f32 to vector<16xf32>
        %mul3A_235 = arith.mulf %mul3A_234, %add3A_232 : vector<16xf32>
        %max3A_236 = arith.maximumf %add3A_232, %mul3A_235 : vector<16xf32>
        %sub3A_237 = arith.subf %max3A_231, %max3A_236 : vector<16xf32>
        %exp3A_238 = math.exp %sub3A_237 : vector<16xf32>
        %select_n3A_239 = arith.select %lt3A_54, %exp3A_238, %broadcast_in_dim3A_1 : vector<16xf32>
        %swap3A_240 = arith.index_cast %scan3A_51 : i32 to index
        %swap3A_241 = arith.constant 112 : index
        %swap3A_242 = tpu.vector_load %arg14[%swap3A_240, %swap3A_241] {strides = array<i32>} : memref<8x128xf32, #tpu.memory_space<vmem>>, vector<16xf32>,
        tpu.vector_store %arg14[%swap3A_240, %swap3A_241], %select_n3A_239 {strides = array<i32>} : memref<8x128xf32, #tpu.memory_space<vmem>>, vector<16xf32>,
        tpu.vector_store_idx %arg11[%get3A_221], %select_n3A_239 {add = true} : memref<10000xf32, #tpu.memory_space<vmem>>[vector<16xi32>], vector<16xf32>,
      }
      %scan3A_50 = arith.constant 8 : i32
      "tpu.region"() ({
        %run_scoped3A = tpu.sem_alloc : memref<!tpu.dma_semaphore, #tpu.memory_space<semaphore_mem>>
        %dma_start3A = arith.constant 0 : i32
        %dma_start3A_51 = tpu.memref_slice %arg7[%add3A_44, %dma_start3A] : memref<2512x128xf32, #tpu.memory_space<hbm>> -> memref<8x128xf32, #tpu.memory_space<hbm>>
        %dma_start3A_52 = arith.constant 0 : i32
        %dma_start3A_53 = tpu.memref_slice %arg7[%add3A_44, %dma_start3A_52] : memref<2512x128xf32, #tpu.memory_space<hbm>> -> memref<8x128xf32, #tpu.memory_space<hbm>>
        tpu.enqueue_dma source(%arg14 : memref<8x128xf32, #tpu.memory_space<vmem>>) target(%dma_start3A_53 : memref<8x128xf32, #tpu.memory_space<hbm>>) target_semaphore(%run_scoped3A : memref<!tpu.dma_semaphore, #tpu.memory_space<semaphore_mem>>)
        %dma_wait3A = arith.constant 0 : i32
        %dma_wait3A_54 = tpu.memref_slice %arg7[%add3A_44, %dma_wait3A] : memref<2512x128xf32, #tpu.memory_space<hbm>> -> memref<8x128xf32, #tpu.memory_space<hbm>>
        %dma_wait3A_55 = arith.constant 0 : i32
        %dma_wait3A_56 = tpu.memref_slice %arg7[%add3A_44, %dma_wait3A_55] : memref<2512x128xf32, #tpu.memory_space<hbm>> -> memref<8x128xf32, #tpu.memory_space<hbm>>
        tpu.wait_dma2 semaphore(%run_scoped3A : memref<!tpu.dma_semaphore, #tpu.memory_space<semaphore_mem>>) src(%arg14 : memref<8x128xf32, #tpu.memory_space<vmem>>) dst(%dma_wait3A_56 : memref<8x128xf32, #tpu.memory_space<hbm>>)
        tpu.yield
      }) : () -> ()
    }
    %mul3A_37 = arith.constant 10000 : i32
    %mul3A_38 = arith.muli %add3A, %mul3A_37 : i32
    "tpu.region"() ({
      %run_scoped3A = tpu.sem_alloc : memref<!tpu.dma_semaphore, #tpu.memory_space<semaphore_mem>>
      %dma_start3A = tpu.memref_slice %arg8[%mul3A_38] : memref<320000xf32, #tpu.memory_space<hbm>> -> memref<10000xf32, #tpu.memory_space<hbm>>
      %dma_start3A_39 = tpu.memref_slice %arg8[%mul3A_38] : memref<320000xf32, #tpu.memory_space<hbm>> -> memref<10000xf32, #tpu.memory_space<hbm>>
      tpu.enqueue_dma source(%arg11 : memref<10000xf32, #tpu.memory_space<vmem>>) target(%dma_start3A_39 : memref<10000xf32, #tpu.memory_space<hbm>>) target_semaphore(%run_scoped3A : memref<!tpu.dma_semaphore, #tpu.memory_space<semaphore_mem>>)
      %dma_wait3A = tpu.memref_slice %arg8[%mul3A_38] : memref<320000xf32, #tpu.memory_space<hbm>> -> memref<10000xf32, #tpu.memory_space<hbm>>
      %dma_wait3A_40 = tpu.memref_slice %arg8[%mul3A_38] : memref<320000xf32, #tpu.memory_space<hbm>> -> memref<10000xf32, #tpu.memory_space<hbm>>
      tpu.wait_dma2 semaphore(%run_scoped3A : memref<!tpu.dma_semaphore, #tpu.memory_space<semaphore_mem>>) src(%arg11 : memref<10000xf32, #tpu.memory_space<vmem>>) dst(%dma_wait3A_40 : memref<10000xf32, #tpu.memory_space<hbm>>)
      tpu.yield
    }) : () -> ()
    return
  }
}

#map = affine_map<(d0, d1) -> (0, 0)>
module attributes {stable_mosaic.version = 14 : i64} {
  func.func @_sc_agg_body(%arg0: i32, %arg1: i32, %arg2: memref<10000x128xf32, #tpu.memory_space<hbm>>, %arg3: memref<2512x128xi32, #tpu.memory_space<hbm>>, %arg4: memref<2512x128xi32, #tpu.memory_space<hbm>>, %arg5: memref<2512x128xf32, #tpu.memory_space<hbm>>, %arg6: memref<20000x128xf32, #tpu.memory_space<hbm>>, %arg7: memref<8x128xi32, #tpu.memory_space<vmem>>, %arg8: memref<8x128xi32, #tpu.memory_space<vmem>>, %arg9: memref<8x128xf32, #tpu.memory_space<vmem>>, %arg10: memref<128x128xf32, #tpu.memory_space<vmem>>, %arg11: memref<128x128xf32, #tpu.memory_space<vmem>>, %arg12: memref<10000x128xf32, #tpu.memory_space<vmem_shared>>, %arg13: memref<!tpu.dma_semaphore, #tpu.memory_space<semaphore_mem>>, %arg14: memref<!tpu.dma_semaphore, #tpu.memory_space<semaphore_mem>>, %arg15: memref<!tpu.dma_semaphore, #tpu.memory_space<semaphore_mem>>, %arg16: memref<!tpu.dma_semaphore, #tpu.memory_space<semaphore_mem>>) attributes {dimension_semantics = [#tpu.dimension_semantics<core_parallel>, #tpu.dimension_semantics<subcore_parallel>], iteration_bounds = array<i64: 2, 16>, scalar_prefetch = 0 : i64, scratch_operands = 10 : i64, tpu.core_type = #tpu.core_type<sc_vector_subcore>, window_params = [{transform_indices = #map}, {transform_indices = #map}, {transform_indices = #map}, {transform_indices = #map}, {transform_indices = #map}]} {
    %mul3A = arith.constant 2 : i32
    %mul3A_0 = arith.muli %arg1, %mul3A : i32
    %add3A = arith.addi %mul3A_0, %arg0 : i32
    %broadcast_in_dim3A = arith.constant 0.000000e+00 : f32
    %broadcast_in_dim3A_1 = vector.broadcast %broadcast_in_dim3A : f32 to vector<16xf32>
    %scan3A = arith.constant 0 : i32
    %scan3A_2 = arith.constant 0 : i32
    %scan3A_3 = arith.constant 128 : i32
    %scan3A_4 = arith.addi %scan3A_2, %scan3A_3 : i32
    %scan3A_5 = arith.constant 1 : i32
    scf.for %scan3A_62 = %scan3A_2 to %scan3A_4 step %scan3A_5  : i32 {
      %swap3A = arith.index_cast %scan3A_62 : i32 to index
      %swap3A_63 = arith.constant 0 : index
      %swap3A_64 = tpu.vector_load %arg10[%swap3A, %swap3A_63] {strides = array<i32>} : memref<128x128xf32, #tpu.memory_space<vmem>>, vector<16xf32>,
      tpu.vector_store %arg10[%swap3A, %swap3A_63], %broadcast_in_dim3A_1 {strides = array<i32>} : memref<128x128xf32, #tpu.memory_space<vmem>>, vector<16xf32>,
      %swap3A_65 = arith.index_cast %scan3A_62 : i32 to index
      %swap3A_66 = arith.constant 16 : index
      %swap3A_67 = tpu.vector_load %arg10[%swap3A_65, %swap3A_66] {strides = array<i32>} : memref<128x128xf32, #tpu.memory_space<vmem>>, vector<16xf32>,
      tpu.vector_store %arg10[%swap3A_65, %swap3A_66], %broadcast_in_dim3A_1 {strides = array<i32>} : memref<128x128xf32, #tpu.memory_space<vmem>>, vector<16xf32>,
      %swap3A_68 = arith.index_cast %scan3A_62 : i32 to index
      %swap3A_69 = arith.constant 32 : index
      %swap3A_70 = tpu.vector_load %arg10[%swap3A_68, %swap3A_69] {strides = array<i32>} : memref<128x128xf32, #tpu.memory_space<vmem>>, vector<16xf32>,
      tpu.vector_store %arg10[%swap3A_68, %swap3A_69], %broadcast_in_dim3A_1 {strides = array<i32>} : memref<128x128xf32, #tpu.memory_space<vmem>>, vector<16xf32>,
      %swap3A_71 = arith.index_cast %scan3A_62 : i32 to index
      %swap3A_72 = arith.constant 48 : index
      %swap3A_73 = tpu.vector_load %arg10[%swap3A_71, %swap3A_72] {strides = array<i32>} : memref<128x128xf32, #tpu.memory_space<vmem>>, vector<16xf32>,
      tpu.vector_store %arg10[%swap3A_71, %swap3A_72], %broadcast_in_dim3A_1 {strides = array<i32>} : memref<128x128xf32, #tpu.memory_space<vmem>>, vector<16xf32>,
      %swap3A_74 = arith.index_cast %scan3A_62 : i32 to index
      %swap3A_75 = arith.constant 64 : index
      %swap3A_76 = tpu.vector_load %arg10[%swap3A_74, %swap3A_75] {strides = array<i32>} : memref<128x128xf32, #tpu.memory_space<vmem>>, vector<16xf32>,
      tpu.vector_store %arg10[%swap3A_74, %swap3A_75], %broadcast_in_dim3A_1 {strides = array<i32>} : memref<128x128xf32, #tpu.memory_space<vmem>>, vector<16xf32>,
      %swap3A_77 = arith.index_cast %scan3A_62 : i32 to index
      %swap3A_78 = arith.constant 80 : index
      %swap3A_79 = tpu.vector_load %arg10[%swap3A_77, %swap3A_78] {strides = array<i32>} : memref<128x128xf32, #tpu.memory_space<vmem>>, vector<16xf32>,
      tpu.vector_store %arg10[%swap3A_77, %swap3A_78], %broadcast_in_dim3A_1 {strides = array<i32>} : memref<128x128xf32, #tpu.memory_space<vmem>>, vector<16xf32>,
      %swap3A_80 = arith.index_cast %scan3A_62 : i32 to index
      %swap3A_81 = arith.constant 96 : index
      %swap3A_82 = tpu.vector_load %arg10[%swap3A_80, %swap3A_81] {strides = array<i32>} : memref<128x128xf32, #tpu.memory_space<vmem>>, vector<16xf32>,
      tpu.vector_store %arg10[%swap3A_80, %swap3A_81], %broadcast_in_dim3A_1 {strides = array<i32>} : memref<128x128xf32, #tpu.memory_space<vmem>>, vector<16xf32>,
      %swap3A_83 = arith.index_cast %scan3A_62 : i32 to index
      %swap3A_84 = arith.constant 112 : index
      %swap3A_85 = tpu.vector_load %arg10[%swap3A_83, %swap3A_84] {strides = array<i32>} : memref<128x128xf32, #tpu.memory_space<vmem>>, vector<16xf32>,
      tpu.vector_store %arg10[%swap3A_83, %swap3A_84], %broadcast_in_dim3A_1 {strides = array<i32>} : memref<128x128xf32, #tpu.memory_space<vmem>>, vector<16xf32>,
    }
    %scan3A_6 = arith.constant 128 : i32
    %lt3A = arith.constant 13 : i32
    %lt3A_7 = arith.cmpi slt, %arg1, %lt3A : i32
    %jit3A = arith.constant 8 : i32
    %jit3A_8 = arith.constant 7 : i32
    %select_n3A = arith.select %lt3A_7, %jit3A, %jit3A_8 : i32
    %while3A = arith.constant 0 : i32
    %while3A_9 = arith.constant 0 : i32
    %while3A_10 = arith.subi %select_n3A, %while3A_9 : i32
    %while3A_11 = arith.addi %while3A_9, %while3A_10 : i32
    %while3A_12 = arith.constant 1 : i32
    %while3A_13 = arith.divsi %while3A_10, %while3A_12 : i32
    %while3A_14 = arith.muli %while3A_13, %while3A_12 : i32
    %while3A_15 = arith.addi %while3A_9, %while3A_14 : i32
    %while3A_16 = arith.constant 1 : i32
    scf.for %while3A_62 = %while3A_9 to %while3A_15 step %while3A_16  : i32 {
      %mul3A_63 = arith.constant 16 : i32
      %mul3A_64 = arith.muli %while3A_62, %mul3A_63 : i32
      %add3A_65 = arith.addi %arg1, %mul3A_64 : i32
      %mul3A_66 = arith.constant 80 : i32
      %mul3A_67 = arith.muli %add3A_65, %mul3A_66 : i32
      "tpu.region"() ({
        %run_scoped3A = tpu.sem_alloc : memref<!tpu.dma_semaphore, #tpu.memory_space<semaphore_mem>>
        %dma_start3A = arith.constant 0 : i32
        %dma_start3A_68 = arith.constant 0 : i32
        %dma_start3A_69 = tpu.memref_slice %arg10[%dma_start3A, %dma_start3A_68] : memref<128x128xf32, #tpu.memory_space<vmem>> -> memref<80x128xf32, #tpu.memory_space<vmem>>
        %dma_start3A_70 = arith.constant 0 : i32
        %dma_start3A_71 = tpu.memref_slice %arg12[%mul3A_67, %dma_start3A_70] : memref<10000x128xf32, #tpu.memory_space<vmem_shared>> -> memref<80x128xf32, #tpu.memory_space<vmem_shared>>
        %dma_start3A_72 = arith.constant 0 : i32
        %dma_start3A_73 = tpu.memref_slice %arg12[%mul3A_67, %dma_start3A_72] : memref<10000x128xf32, #tpu.memory_space<vmem_shared>> -> memref<80x128xf32, #tpu.memory_space<vmem_shared>>
        %dma_start3A_74 = arith.constant 0 : i32
        %dma_start3A_75 = arith.constant 0 : i32
        %dma_start3A_76 = tpu.memref_slice %arg10[%dma_start3A_74, %dma_start3A_75] : memref<128x128xf32, #tpu.memory_space<vmem>> -> memref<80x128xf32, #tpu.memory_space<vmem>>
        tpu.enqueue_dma source(%dma_start3A_76 : memref<80x128xf32, #tpu.memory_space<vmem>>) target(%dma_start3A_73 : memref<80x128xf32, #tpu.memory_space<vmem_shared>>) target_semaphore(%run_scoped3A : memref<!tpu.dma_semaphore, #tpu.memory_space<semaphore_mem>>)
        %dma_wait3A = arith.constant 0 : i32
        %dma_wait3A_77 = arith.constant 0 : i32
        %dma_wait3A_78 = tpu.memref_slice %arg10[%dma_wait3A, %dma_wait3A_77] : memref<128x128xf32, #tpu.memory_space<vmem>> -> memref<80x128xf32, #tpu.memory_space<vmem>>
        %dma_wait3A_79 = arith.constant 0 : i32
        %dma_wait3A_80 = tpu.memref_slice %arg12[%mul3A_67, %dma_wait3A_79] : memref<10000x128xf32, #tpu.memory_space<vmem_shared>> -> memref<80x128xf32, #tpu.memory_space<vmem_shared>>
        %dma_wait3A_81 = arith.constant 0 : i32
        %dma_wait3A_82 = tpu.memref_slice %arg12[%mul3A_67, %dma_wait3A_81] : memref<10000x128xf32, #tpu.memory_space<vmem_shared>> -> memref<80x128xf32, #tpu.memory_space<vmem_shared>>
        %dma_wait3A_83 = arith.constant 0 : i32
        %dma_wait3A_84 = arith.constant 0 : i32
        %dma_wait3A_85 = tpu.memref_slice %arg10[%dma_wait3A_83, %dma_wait3A_84] : memref<128x128xf32, #tpu.memory_space<vmem>> -> memref<80x128xf32, #tpu.memory_space<vmem>>
        tpu.wait_dma2 semaphore(%run_scoped3A : memref<!tpu.dma_semaphore, #tpu.memory_space<semaphore_mem>>) src(%dma_wait3A_85 : memref<80x128xf32, #tpu.memory_space<vmem>>) dst(%dma_wait3A_82 : memref<80x128xf32, #tpu.memory_space<vmem_shared>>)
        tpu.yield
      }) : () -> ()
    }
    %while3A_17 = arith.constant 1 : i32
    scf.for %while3A_62 = %while3A_15 to %while3A_11 step %while3A_17  : i32 {
      %mul3A_63 = arith.constant 16 : i32
      %mul3A_64 = arith.muli %while3A_62, %mul3A_63 : i32
      %add3A_65 = arith.addi %arg1, %mul3A_64 : i32
      %mul3A_66 = arith.constant 80 : i32
      %mul3A_67 = arith.muli %add3A_65, %mul3A_66 : i32
      "tpu.region"() ({
        %run_scoped3A = tpu.sem_alloc : memref<!tpu.dma_semaphore, #tpu.memory_space<semaphore_mem>>
        %dma_start3A = arith.constant 0 : i32
        %dma_start3A_68 = arith.constant 0 : i32
        %dma_start3A_69 = tpu.memref_slice %arg10[%dma_start3A, %dma_start3A_68] : memref<128x128xf32, #tpu.memory_space<vmem>> -> memref<80x128xf32, #tpu.memory_space<vmem>>
        %dma_start3A_70 = arith.constant 0 : i32
        %dma_start3A_71 = tpu.memref_slice %arg12[%mul3A_67, %dma_start3A_70] : memref<10000x128xf32, #tpu.memory_space<vmem_shared>> -> memref<80x128xf32, #tpu.memory_space<vmem_shared>>
        %dma_start3A_72 = arith.constant 0 : i32
        %dma_start3A_73 = tpu.memref_slice %arg12[%mul3A_67, %dma_start3A_72] : memref<10000x128xf32, #tpu.memory_space<vmem_shared>> -> memref<80x128xf32, #tpu.memory_space<vmem_shared>>
        %dma_start3A_74 = arith.constant 0 : i32
        %dma_start3A_75 = arith.constant 0 : i32
        %dma_start3A_76 = tpu.memref_slice %arg10[%dma_start3A_74, %dma_start3A_75] : memref<128x128xf32, #tpu.memory_space<vmem>> -> memref<80x128xf32, #tpu.memory_space<vmem>>
        tpu.enqueue_dma source(%dma_start3A_76 : memref<80x128xf32, #tpu.memory_space<vmem>>) target(%dma_start3A_73 : memref<80x128xf32, #tpu.memory_space<vmem_shared>>) target_semaphore(%run_scoped3A : memref<!tpu.dma_semaphore, #tpu.memory_space<semaphore_mem>>)
        %dma_wait3A = arith.constant 0 : i32
        %dma_wait3A_77 = arith.constant 0 : i32
        %dma_wait3A_78 = tpu.memref_slice %arg10[%dma_wait3A, %dma_wait3A_77] : memref<128x128xf32, #tpu.memory_space<vmem>> -> memref<80x128xf32, #tpu.memory_space<vmem>>
        %dma_wait3A_79 = arith.constant 0 : i32
        %dma_wait3A_80 = tpu.memref_slice %arg12[%mul3A_67, %dma_wait3A_79] : memref<10000x128xf32, #tpu.memory_space<vmem_shared>> -> memref<80x128xf32, #tpu.memory_space<vmem_shared>>
        %dma_wait3A_81 = arith.constant 0 : i32
        %dma_wait3A_82 = tpu.memref_slice %arg12[%mul3A_67, %dma_wait3A_81] : memref<10000x128xf32, #tpu.memory_space<vmem_shared>> -> memref<80x128xf32, #tpu.memory_space<vmem_shared>>
        %dma_wait3A_83 = arith.constant 0 : i32
        %dma_wait3A_84 = arith.constant 0 : i32
        %dma_wait3A_85 = tpu.memref_slice %arg10[%dma_wait3A_83, %dma_wait3A_84] : memref<128x128xf32, #tpu.memory_space<vmem>> -> memref<80x128xf32, #tpu.memory_space<vmem>>
        tpu.wait_dma2 semaphore(%run_scoped3A : memref<!tpu.dma_semaphore, #tpu.memory_space<semaphore_mem>>) src(%dma_wait3A_85 : memref<80x128xf32, #tpu.memory_space<vmem>>) dst(%dma_wait3A_82 : memref<80x128xf32, #tpu.memory_space<vmem_shared>>)
        tpu.yield
      }) : () -> ()
    }
    %barrier3A = arith.constant 0 : index
    tpu.barrier barrier_id(%barrier3A)
    %lt3A_18 = arith.constant 31 : i32
    %lt3A_19 = arith.cmpi slt, %add3A, %lt3A_18 : i32
    %jit3A_20 = arith.constant 80 : i32
    %jit3A_21 = arith.constant 32 : i32
    %select_n3A_22 = arith.select %lt3A_19, %jit3A_20, %jit3A_21 : i32
    %jit3A_23 = arith.constant 8 : i32
    %div3A = arith.divsi %select_n3A_22, %jit3A_23 : i32
    %sign3A = arith.constant 0 : i32
    %sign3A_24 = arith.cmpi sgt, %select_n3A_22, %sign3A : i32
    %sign3A_25 = arith.extui %sign3A_24 : i1 to i32
    %sign3A_26 = arith.constant 0 : i32
    %sign3A_27 = arith.cmpi slt, %select_n3A_22, %sign3A_26 : i32
    %sign3A_28 = arith.extui %sign3A_27 : i1 to i32
    %sign3A_29 = arith.subi %sign3A_25, %sign3A_28 : i32
    %sign3A_30 = arith.constant 0 : i32
    %sign3A_31 = arith.cmpi sgt, %jit3A_23, %sign3A_30 : i32
    %sign3A_32 = arith.extui %sign3A_31 : i1 to i32
    %sign3A_33 = arith.constant 0 : i32
    %sign3A_34 = arith.cmpi slt, %jit3A_23, %sign3A_33 : i32
    %sign3A_35 = arith.extui %sign3A_34 : i1 to i32
    %sign3A_36 = arith.subi %sign3A_32, %sign3A_35 : i32
    %ne3A = arith.cmpi ne, %sign3A_29, %sign3A_36 : i32
    %rem3A = arith.remsi %select_n3A_22, %jit3A_23 : i32
    %ne3A_37 = arith.constant 0 : i32
    %ne3A_38 = arith.cmpi ne, %rem3A, %ne3A_37 : i32
    %and3A = arith.andi %ne3A, %ne3A_38 : i1
    %sub3A = arith.constant 1 : i32
    %sub3A_39 = arith.subi %div3A, %sub3A : i32
    %select_n3A_40 = arith.select %and3A, %sub3A_39, %div3A : i32
    %while3A_41 = arith.constant 0 : i32
    %while3A_42 = arith.constant 0 : i32
    %while3A_43 = arith.subi %select_n3A_40, %while3A_42 : i32
    %while3A_44 = arith.addi %while3A_42, %while3A_43 : i32
    %while3A_45 = arith.constant 1 : i32
    %while3A_46 = arith.divsi %while3A_43, %while3A_45 : i32
    %while3A_47 = arith.muli %while3A_46, %while3A_45 : i32
    %while3A_48 = arith.addi %while3A_42, %while3A_47 : i32
    %while3A_49 = arith.constant 1 : i32
    scf.for %while3A_62 = %while3A_42 to %while3A_48 step %while3A_49  : i32 {
      %mul3A_63 = arith.constant 80 : i32
      %mul3A_64 = arith.muli %add3A, %mul3A_63 : i32
      %mul3A_65 = arith.constant 8 : i32
      %mul3A_66 = arith.muli %while3A_62, %mul3A_65 : i32
      %add3A_67 = arith.addi %mul3A_64, %mul3A_66 : i32
      "tpu.region"() ({
        %run_scoped3A = tpu.sem_alloc : memref<!tpu.dma_semaphore, #tpu.memory_space<semaphore_mem>>
        %dma_start3A_93 = arith.constant 0 : i32
        %dma_start3A_94 = tpu.memref_slice %arg3[%add3A_67, %dma_start3A_93] : memref<2512x128xi32, #tpu.memory_space<hbm>> -> memref<8x128xi32, #tpu.memory_space<hbm>>
        %dma_start3A_95 = arith.constant 0 : i32
        %dma_start3A_96 = tpu.memref_slice %arg3[%add3A_67, %dma_start3A_95] : memref<2512x128xi32, #tpu.memory_space<hbm>> -> memref<8x128xi32, #tpu.memory_space<hbm>>
        tpu.enqueue_dma source(%dma_start3A_96 : memref<8x128xi32, #tpu.memory_space<hbm>>) target(%arg7 : memref<8x128xi32, #tpu.memory_space<vmem>>) target_semaphore(%run_scoped3A : memref<!tpu.dma_semaphore, #tpu.memory_space<semaphore_mem>>)
        %dma_wait3A_97 = arith.constant 0 : i32
        %dma_wait3A_98 = tpu.memref_slice %arg3[%add3A_67, %dma_wait3A_97] : memref<2512x128xi32, #tpu.memory_space<hbm>> -> memref<8x128xi32, #tpu.memory_space<hbm>>
        %dma_wait3A_99 = arith.constant 0 : i32
        %dma_wait3A_100 = tpu.memref_slice %arg3[%add3A_67, %dma_wait3A_99] : memref<2512x128xi32, #tpu.memory_space<hbm>> -> memref<8x128xi32, #tpu.memory_space<hbm>>
        tpu.wait_dma2 semaphore(%run_scoped3A : memref<!tpu.dma_semaphore, #tpu.memory_space<semaphore_mem>>) src(%dma_wait3A_100 : memref<8x128xi32, #tpu.memory_space<hbm>>) dst(%arg7 : memref<8x128xi32, #tpu.memory_space<vmem>>)
        tpu.yield
      }) : () -> ()
      "tpu.region"() ({
        %run_scoped3A = tpu.sem_alloc : memref<!tpu.dma_semaphore, #tpu.memory_space<semaphore_mem>>
        %dma_start3A_93 = arith.constant 0 : i32
        %dma_start3A_94 = tpu.memref_slice %arg4[%add3A_67, %dma_start3A_93] : memref<2512x128xi32, #tpu.memory_space<hbm>> -> memref<8x128xi32, #tpu.memory_space<hbm>>
        %dma_start3A_95 = arith.constant 0 : i32
        %dma_start3A_96 = tpu.memref_slice %arg4[%add3A_67, %dma_start3A_95] : memref<2512x128xi32, #tpu.memory_space<hbm>> -> memref<8x128xi32, #tpu.memory_space<hbm>>
        tpu.enqueue_dma source(%dma_start3A_96 : memref<8x128xi32, #tpu.memory_space<hbm>>) target(%arg8 : memref<8x128xi32, #tpu.memory_space<vmem>>) target_semaphore(%run_scoped3A : memref<!tpu.dma_semaphore, #tpu.memory_space<semaphore_mem>>)
        %dma_wait3A_97 = arith.constant 0 : i32
        %dma_wait3A_98 = tpu.memref_slice %arg4[%add3A_67, %dma_wait3A_97] : memref<2512x128xi32, #tpu.memory_space<hbm>> -> memref<8x128xi32, #tpu.memory_space<hbm>>
        %dma_wait3A_99 = arith.constant 0 : i32
        %dma_wait3A_100 = tpu.memref_slice %arg4[%add3A_67, %dma_wait3A_99] : memref<2512x128xi32, #tpu.memory_space<hbm>> -> memref<8x128xi32, #tpu.memory_space<hbm>>
        tpu.wait_dma2 semaphore(%run_scoped3A : memref<!tpu.dma_semaphore, #tpu.memory_space<semaphore_mem>>) src(%dma_wait3A_100 : memref<8x128xi32, #tpu.memory_space<hbm>>) dst(%arg8 : memref<8x128xi32, #tpu.memory_space<vmem>>)
        tpu.yield
      }) : () -> ()
      "tpu.region"() ({
        %run_scoped3A = tpu.sem_alloc : memref<!tpu.dma_semaphore, #tpu.memory_space<semaphore_mem>>
        %dma_start3A_93 = arith.constant 0 : i32
        %dma_start3A_94 = tpu.memref_slice %arg5[%add3A_67, %dma_start3A_93] : memref<2512x128xf32, #tpu.memory_space<hbm>> -> memref<8x128xf32, #tpu.memory_space<hbm>>
        %dma_start3A_95 = arith.constant 0 : i32
        %dma_start3A_96 = tpu.memref_slice %arg5[%add3A_67, %dma_start3A_95] : memref<2512x128xf32, #tpu.memory_space<hbm>> -> memref<8x128xf32, #tpu.memory_space<hbm>>
        tpu.enqueue_dma source(%dma_start3A_96 : memref<8x128xf32, #tpu.memory_space<hbm>>) target(%arg9 : memref<8x128xf32, #tpu.memory_space<vmem>>) target_semaphore(%run_scoped3A : memref<!tpu.dma_semaphore, #tpu.memory_space<semaphore_mem>>)
        %dma_wait3A_97 = arith.constant 0 : i32
        %dma_wait3A_98 = tpu.memref_slice %arg5[%add3A_67, %dma_wait3A_97] : memref<2512x128xf32, #tpu.memory_space<hbm>> -> memref<8x128xf32, #tpu.memory_space<hbm>>
        %dma_wait3A_99 = arith.constant 0 : i32
        %dma_wait3A_100 = tpu.memref_slice %arg5[%add3A_67, %dma_wait3A_99] : memref<2512x128xf32, #tpu.memory_space<hbm>> -> memref<8x128xf32, #tpu.memory_space<hbm>>
        tpu.wait_dma2 semaphore(%run_scoped3A : memref<!tpu.dma_semaphore, #tpu.memory_space<semaphore_mem>>) src(%dma_wait3A_100 : memref<8x128xf32, #tpu.memory_space<hbm>>) dst(%arg9 : memref<8x128xf32, #tpu.memory_space<vmem>>)
        tpu.yield
      }) : () -> ()
      %dma_start3A = arith.constant 0 : i32
      %dma_start3A_68 = arith.constant 0 : i32
      %dma_start3A_69 = tpu.memref_slice %arg7[%dma_start3A, %dma_start3A_68] : memref<8x128xi32, #tpu.memory_space<vmem>> -> memref<1x128xi32, #tpu.memory_space<vmem>>
      %dma_start3A_70 = tpu.memref_squeeze %dma_start3A_69 : memref<1x128xi32, #tpu.memory_space<vmem>> -> memref<128xi32, #tpu.memory_space<vmem>>
      %dma_start3A_71 = arith.constant 0 : i32
      %dma_start3A_72 = arith.constant 0 : i32
      %dma_start3A_73 = tpu.memref_slice %arg2[%dma_start3A_71, %dma_start3A_72] : memref<10000x128xf32, #tpu.memory_space<hbm>> -> memref<10000x128xf32, #tpu.memory_space<hbm>>
      tpu.enqueue_indirect_dma source(%dma_start3A_73 : memref<10000x128xf32, #tpu.memory_space<hbm>>) target(%arg10 : memref<128x128xf32, #tpu.memory_space<vmem>>) offsets(%dma_start3A_70 : memref<128xi32, #tpu.memory_space<vmem>>) semaphore(%arg13 : memref<!tpu.dma_semaphore, #tpu.memory_space<semaphore_mem>>)
      %scan3A_74 = arith.constant 0 : i32
      %scan3A_75 = arith.constant 0 : i32
      %scan3A_76 = arith.constant 4 : i32
      %scan3A_77 = arith.addi %scan3A_75, %scan3A_76 : i32
      %scan3A_78 = arith.constant 1 : i32
      scf.for %scan3A_93 = %scan3A_75 to %scan3A_77 step %scan3A_78  : i32 {
        %mul3A_94 = arith.constant 2 : i32
        %mul3A_95 = arith.muli %scan3A_93, %mul3A_94 : i32
        %add3A_96 = arith.constant 1 : i32
        %add3A_97 = arith.addi %mul3A_95, %add3A_96 : i32
        %dma_wait3A_98 = arith.constant 0 : i32
        %dma_wait3A_99 = tpu.memref_slice %arg7[%mul3A_95, %dma_wait3A_98] : memref<8x128xi32, #tpu.memory_space<vmem>> -> memref<1x128xi32, #tpu.memory_space<vmem>>
        %dma_wait3A_100 = tpu.memref_squeeze %dma_wait3A_99 : memref<1x128xi32, #tpu.memory_space<vmem>> -> memref<128xi32, #tpu.memory_space<vmem>>
        %dma_wait3A_101 = arith.constant 0 : i32
        %dma_wait3A_102 = arith.constant 0 : i32
        %dma_wait3A_103 = tpu.memref_slice %arg2[%dma_wait3A_101, %dma_wait3A_102] : memref<10000x128xf32, #tpu.memory_space<hbm>> -> memref<10000x128xf32, #tpu.memory_space<hbm>>
        tpu.wait_indirect_dma semaphore(%arg13 : memref<!tpu.dma_semaphore, #tpu.memory_space<semaphore_mem>>) src(%dma_wait3A_103 : memref<10000x128xf32, #tpu.memory_space<hbm>>) dst(%arg10 : memref<128x128xf32, #tpu.memory_space<vmem>>)
        %gt3A = arith.constant 0 : i32
        %gt3A_104 = arith.cmpi sgt, %scan3A_93, %gt3A : i32
        %convert_element_type3A = arith.extui %gt3A_104 : i1 to i32
        %cond3A = arith.constant 0 : i32
        %cond3A_105 = arith.cmpi ne, %convert_element_type3A, %cond3A : i32
        scf.if %cond3A_105 {
          %sub3A_147 = arith.constant 2 : i32
          %sub3A_148 = arith.subi %add3A_97, %sub3A_147 : i32
          %dma_wait3A_149 = arith.constant 0 : i32
          %dma_wait3A_150 = tpu.memref_slice %arg8[%sub3A_148, %dma_wait3A_149] : memref<8x128xi32, #tpu.memory_space<vmem>> -> memref<1x128xi32, #tpu.memory_space<vmem>>
          %dma_wait3A_151 = tpu.memref_squeeze %dma_wait3A_150 : memref<1x128xi32, #tpu.memory_space<vmem>> -> memref<128xi32, #tpu.memory_space<vmem>>
          %dma_wait3A_152 = arith.constant 0 : i32
          %dma_wait3A_153 = arith.constant 0 : i32
          %dma_wait3A_154 = tpu.memref_slice %arg12[%dma_wait3A_152, %dma_wait3A_153] : memref<10000x128xf32, #tpu.memory_space<vmem_shared>> -> memref<10000x128xf32, #tpu.memory_space<vmem_shared>>
          tpu.wait_indirect_dma semaphore(%arg16 : memref<!tpu.dma_semaphore, #tpu.memory_space<semaphore_mem>>) src(%arg11 : memref<128x128xf32, #tpu.memory_space<vmem>>) dst(%dma_wait3A_154 : memref<10000x128xf32, #tpu.memory_space<vmem_shared>>)
        } else {
        }
        %dma_start3A_106 = arith.constant 0 : i32
        %dma_start3A_107 = tpu.memref_slice %arg7[%add3A_97, %dma_start3A_106] : memref<8x128xi32, #tpu.memory_space<vmem>> -> memref<1x128xi32, #tpu.memory_space<vmem>>
        %dma_start3A_108 = tpu.memref_squeeze %dma_start3A_107 : memref<1x128xi32, #tpu.memory_space<vmem>> -> memref<128xi32, #tpu.memory_space<vmem>>
        %dma_start3A_109 = arith.constant 0 : i32
        %dma_start3A_110 = arith.constant 0 : i32
        %dma_start3A_111 = tpu.memref_slice %arg2[%dma_start3A_109, %dma_start3A_110] : memref<10000x128xf32, #tpu.memory_space<hbm>> -> memref<10000x128xf32, #tpu.memory_space<hbm>>
        tpu.enqueue_indirect_dma source(%dma_start3A_111 : memref<10000x128xf32, #tpu.memory_space<hbm>>) target(%arg11 : memref<128x128xf32, #tpu.memory_space<vmem>>) offsets(%dma_start3A_108 : memref<128xi32, #tpu.memory_space<vmem>>) semaphore(%arg14 : memref<!tpu.dma_semaphore, #tpu.memory_space<semaphore_mem>>)
        %scan3A_112 = arith.constant 0 : i32
        %scan3A_113 = arith.constant 0 : i32
        %scan3A_114 = arith.constant 64 : i32
        %scan3A_115 = arith.addi %scan3A_113, %scan3A_114 : i32
        %scan3A_116 = arith.constant 1 : i32
        scf.for %scan3A_147 = %scan3A_113 to %scan3A_115 step %scan3A_116  : i32 {
          %mul3A_148 = arith.constant 2 : i32
          %mul3A_149 = arith.muli %scan3A_147, %mul3A_148 : i32
          %add3A_150 = arith.constant 0 : i32
          %add3A_151 = arith.addi %mul3A_149, %add3A_150 : i32
          %broadcast_in_dim3A_152 = vector.broadcast %mul3A_95 : i32 to vector<16xi32>
          %broadcast_in_dim3A_153 = vector.broadcast %add3A_151 : i32 to vector<16xi32>
          %gather3A = tpu.vector_load_idx %arg9[%broadcast_in_dim3A_152, %broadcast_in_dim3A_153] : memref<8x128xf32, #tpu.memory_space<vmem>>[vector<16xi32>, vector<16xi32>], vector<16xf32>,
          %get3A = arith.index_cast %add3A_151 : i32 to index
          %get3A_154 = arith.constant 0 : index
          %get3A_155 = tpu.vector_load %arg10[%get3A, %get3A_154] {strides = array<i32>} : memref<128x128xf32, #tpu.memory_space<vmem>>, vector<16xf32>,
          %mul3A_156 = arith.mulf %get3A_155, %gather3A : vector<16xf32>
          %swap3A = arith.index_cast %add3A_151 : i32 to index
          %swap3A_157 = arith.constant 0 : index
          %swap3A_158 = tpu.vector_load %arg10[%swap3A, %swap3A_157] {strides = array<i32>} : memref<128x128xf32, #tpu.memory_space<vmem>>, vector<16xf32>,
          tpu.vector_store %arg10[%swap3A, %swap3A_157], %mul3A_156 {strides = array<i32>} : memref<128x128xf32, #tpu.memory_space<vmem>>, vector<16xf32>,
          %get3A_159 = arith.index_cast %add3A_151 : i32 to index
          %get3A_160 = arith.constant 16 : index
          %get3A_161 = tpu.vector_load %arg10[%get3A_159, %get3A_160] {strides = array<i32>} : memref<128x128xf32, #tpu.memory_space<vmem>>, vector<16xf32>,
          %mul3A_162 = arith.mulf %get3A_161, %gather3A : vector<16xf32>
          %swap3A_163 = arith.index_cast %add3A_151 : i32 to index
          %swap3A_164 = arith.constant 16 : index
          %swap3A_165 = tpu.vector_load %arg10[%swap3A_163, %swap3A_164] {strides = array<i32>} : memref<128x128xf32, #tpu.memory_space<vmem>>, vector<16xf32>,
          tpu.vector_store %arg10[%swap3A_163, %swap3A_164], %mul3A_162 {strides = array<i32>} : memref<128x128xf32, #tpu.memory_space<vmem>>, vector<16xf32>,
          %get3A_166 = arith.index_cast %add3A_151 : i32 to index
          %get3A_167 = arith.constant 32 : index
          %get3A_168 = tpu.vector_load %arg10[%get3A_166, %get3A_167] {strides = array<i32>} : memref<128x128xf32, #tpu.memory_space<vmem>>, vector<16xf32>,
          %mul3A_169 = arith.mulf %get3A_168, %gather3A : vector<16xf32>
          %swap3A_170 = arith.index_cast %add3A_151 : i32 to index
          %swap3A_171 = arith.constant 32 : index
          %swap3A_172 = tpu.vector_load %arg10[%swap3A_170, %swap3A_171] {strides = array<i32>} : memref<128x128xf32, #tpu.memory_space<vmem>>, vector<16xf32>,
          tpu.vector_store %arg10[%swap3A_170, %swap3A_171], %mul3A_169 {strides = array<i32>} : memref<128x128xf32, #tpu.memory_space<vmem>>, vector<16xf32>,
          %get3A_173 = arith.index_cast %add3A_151 : i32 to index
          %get3A_174 = arith.constant 48 : index
          %get3A_175 = tpu.vector_load %arg10[%get3A_173, %get3A_174] {strides = array<i32>} : memref<128x128xf32, #tpu.memory_space<vmem>>, vector<16xf32>,
          %mul3A_176 = arith.mulf %get3A_175, %gather3A : vector<16xf32>
          %swap3A_177 = arith.index_cast %add3A_151 : i32 to index
          %swap3A_178 = arith.constant 48 : index
          %swap3A_179 = tpu.vector_load %arg10[%swap3A_177, %swap3A_178] {strides = array<i32>} : memref<128x128xf32, #tpu.memory_space<vmem>>, vector<16xf32>,
          tpu.vector_store %arg10[%swap3A_177, %swap3A_178], %mul3A_176 {strides = array<i32>} : memref<128x128xf32, #tpu.memory_space<vmem>>, vector<16xf32>,
          %get3A_180 = arith.index_cast %add3A_151 : i32 to index
          %get3A_181 = arith.constant 64 : index
          %get3A_182 = tpu.vector_load %arg10[%get3A_180, %get3A_181] {strides = array<i32>} : memref<128x128xf32, #tpu.memory_space<vmem>>, vector<16xf32>,
          %mul3A_183 = arith.mulf %get3A_182, %gather3A : vector<16xf32>
          %swap3A_184 = arith.index_cast %add3A_151 : i32 to index
          %swap3A_185 = arith.constant 64 : index
          %swap3A_186 = tpu.vector_load %arg10[%swap3A_184, %swap3A_185] {strides = array<i32>} : memref<128x128xf32, #tpu.memory_space<vmem>>, vector<16xf32>,
          tpu.vector_store %arg10[%swap3A_184, %swap3A_185], %mul3A_183 {strides = array<i32>} : memref<128x128xf32, #tpu.memory_space<vmem>>, vector<16xf32>,
          %get3A_187 = arith.index_cast %add3A_151 : i32 to index
          %get3A_188 = arith.constant 80 : index
          %get3A_189 = tpu.vector_load %arg10[%get3A_187, %get3A_188] {strides = array<i32>} : memref<128x128xf32, #tpu.memory_space<vmem>>, vector<16xf32>,
          %mul3A_190 = arith.mulf %get3A_189, %gather3A : vector<16xf32>
          %swap3A_191 = arith.index_cast %add3A_151 : i32 to index
          %swap3A_192 = arith.constant 80 : index
          %swap3A_193 = tpu.vector_load %arg10[%swap3A_191, %swap3A_192] {strides = array<i32>} : memref<128x128xf32, #tpu.memory_space<vmem>>, vector<16xf32>,
          tpu.vector_store %arg10[%swap3A_191, %swap3A_192], %mul3A_190 {strides = array<i32>} : memref<128x128xf32, #tpu.memory_space<vmem>>, vector<16xf32>,
          %get3A_194 = arith.index_cast %add3A_151 : i32 to index
          %get3A_195 = arith.constant 96 : index
          %get3A_196 = tpu.vector_load %arg10[%get3A_194, %get3A_195] {strides = array<i32>} : memref<128x128xf32, #tpu.memory_space<vmem>>, vector<16xf32>,
          %mul3A_197 = arith.mulf %get3A_196, %gather3A : vector<16xf32>
          %swap3A_198 = arith.index_cast %add3A_151 : i32 to index
          %swap3A_199 = arith.constant 96 : index
          %swap3A_200 = tpu.vector_load %arg10[%swap3A_198, %swap3A_199] {strides = array<i32>} : memref<128x128xf32, #tpu.memory_space<vmem>>, vector<16xf32>,
          tpu.vector_store %arg10[%swap3A_198, %swap3A_199], %mul3A_197 {strides = array<i32>} : memref<128x128xf32, #tpu.memory_space<vmem>>, vector<16xf32>,
          %get3A_201 = arith.index_cast %add3A_151 : i32 to index
          %get3A_202 = arith.constant 112 : index
          %get3A_203 = tpu.vector_load %arg10[%get3A_201, %get3A_202] {strides = array<i32>} : memref<128x128xf32, #tpu.memory_space<vmem>>, vector<16xf32>,
          %mul3A_204 = arith.mulf %get3A_203, %gather3A : vector<16xf32>
          %swap3A_205 = arith.index_cast %add3A_151 : i32 to index
          %swap3A_206 = arith.constant 112 : index
          %swap3A_207 = tpu.vector_load %arg10[%swap3A_205, %swap3A_206] {strides = array<i32>} : memref<128x128xf32, #tpu.memory_space<vmem>>, vector<16xf32>,
          tpu.vector_store %arg10[%swap3A_205, %swap3A_206], %mul3A_204 {strides = array<i32>} : memref<128x128xf32, #tpu.memory_space<vmem>>, vector<16xf32>,
          %mul3A_208 = arith.constant 2 : i32
          %mul3A_209 = arith.muli %scan3A_147, %mul3A_208 : i32
          %add3A_210 = arith.constant 1 : i32
          %add3A_211 = arith.addi %mul3A_209, %add3A_210 : i32
          %broadcast_in_dim3A_212 = vector.broadcast %mul3A_95 : i32 to vector<16xi32>
          %broadcast_in_dim3A_213 = vector.broadcast %add3A_211 : i32 to vector<16xi32>
          %gather3A_214 = tpu.vector_load_idx %arg9[%broadcast_in_dim3A_212, %broadcast_in_dim3A_213] : memref<8x128xf32, #tpu.memory_space<vmem>>[vector<16xi32>, vector<16xi32>], vector<16xf32>,
          %get3A_215 = arith.index_cast %add3A_211 : i32 to index
          %get3A_216 = arith.constant 0 : index
          %get3A_217 = tpu.vector_load %arg10[%get3A_215, %get3A_216] {strides = array<i32>} : memref<128x128xf32, #tpu.memory_space<vmem>>, vector<16xf32>,
          %mul3A_218 = arith.mulf %get3A_217, %gather3A_214 : vector<16xf32>
          %swap3A_219 = arith.index_cast %add3A_211 : i32 to index
          %swap3A_220 = arith.constant 0 : index
          %swap3A_221 = tpu.vector_load %arg10[%swap3A_219, %swap3A_220] {strides = array<i32>} : memref<128x128xf32, #tpu.memory_space<vmem>>, vector<16xf32>,
          tpu.vector_store %arg10[%swap3A_219, %swap3A_220], %mul3A_218 {strides = array<i32>} : memref<128x128xf32, #tpu.memory_space<vmem>>, vector<16xf32>,
          %get3A_222 = arith.index_cast %add3A_211 : i32 to index
          %get3A_223 = arith.constant 16 : index
          %get3A_224 = tpu.vector_load %arg10[%get3A_222, %get3A_223] {strides = array<i32>} : memref<128x128xf32, #tpu.memory_space<vmem>>, vector<16xf32>,
          %mul3A_225 = arith.mulf %get3A_224, %gather3A_214 : vector<16xf32>
          %swap3A_226 = arith.index_cast %add3A_211 : i32 to index
          %swap3A_227 = arith.constant 16 : index
          %swap3A_228 = tpu.vector_load %arg10[%swap3A_226, %swap3A_227] {strides = array<i32>} : memref<128x128xf32, #tpu.memory_space<vmem>>, vector<16xf32>,
          tpu.vector_store %arg10[%swap3A_226, %swap3A_227], %mul3A_225 {strides = array<i32>} : memref<128x128xf32, #tpu.memory_space<vmem>>, vector<16xf32>,
          %get3A_229 = arith.index_cast %add3A_211 : i32 to index
          %get3A_230 = arith.constant 32 : index
          %get3A_231 = tpu.vector_load %arg10[%get3A_229, %get3A_230] {strides = array<i32>} : memref<128x128xf32, #tpu.memory_space<vmem>>, vector<16xf32>,
          %mul3A_232 = arith.mulf %get3A_231, %gather3A_214 : vector<16xf32>
          %swap3A_233 = arith.index_cast %add3A_211 : i32 to index
          %swap3A_234 = arith.constant 32 : index
          %swap3A_235 = tpu.vector_load %arg10[%swap3A_233, %swap3A_234] {strides = array<i32>} : memref<128x128xf32, #tpu.memory_space<vmem>>, vector<16xf32>,
          tpu.vector_store %arg10[%swap3A_233, %swap3A_234], %mul3A_232 {strides = array<i32>} : memref<128x128xf32, #tpu.memory_space<vmem>>, vector<16xf32>,
          %get3A_236 = arith.index_cast %add3A_211 : i32 to index
          %get3A_237 = arith.constant 48 : index
          %get3A_238 = tpu.vector_load %arg10[%get3A_236, %get3A_237] {strides = array<i32>} : memref<128x128xf32, #tpu.memory_space<vmem>>, vector<16xf32>,
          %mul3A_239 = arith.mulf %get3A_238, %gather3A_214 : vector<16xf32>
          %swap3A_240 = arith.index_cast %add3A_211 : i32 to index
          %swap3A_241 = arith.constant 48 : index
          %swap3A_242 = tpu.vector_load %arg10[%swap3A_240, %swap3A_241] {strides = array<i32>} : memref<128x128xf32, #tpu.memory_space<vmem>>, vector<16xf32>,
          tpu.vector_store %arg10[%swap3A_240, %swap3A_241], %mul3A_239 {strides = array<i32>} : memref<128x128xf32, #tpu.memory_space<vmem>>, vector<16xf32>,
          %get3A_243 = arith.index_cast %add3A_211 : i32 to index
          %get3A_244 = arith.constant 64 : index
          %get3A_245 = tpu.vector_load %arg10[%get3A_243, %get3A_244] {strides = array<i32>} : memref<128x128xf32, #tpu.memory_space<vmem>>, vector<16xf32>,
          %mul3A_246 = arith.mulf %get3A_245, %gather3A_214 : vector<16xf32>
          %swap3A_247 = arith.index_cast %add3A_211 : i32 to index
          %swap3A_248 = arith.constant 64 : index
          %swap3A_249 = tpu.vector_load %arg10[%swap3A_247, %swap3A_248] {strides = array<i32>} : memref<128x128xf32, #tpu.memory_space<vmem>>, vector<16xf32>,
          tpu.vector_store %arg10[%swap3A_247, %swap3A_248], %mul3A_246 {strides = array<i32>} : memref<128x128xf32, #tpu.memory_space<vmem>>, vector<16xf32>,
          %get3A_250 = arith.index_cast %add3A_211 : i32 to index
          %get3A_251 = arith.constant 80 : index
          %get3A_252 = tpu.vector_load %arg10[%get3A_250, %get3A_251] {strides = array<i32>} : memref<128x128xf32, #tpu.memory_space<vmem>>, vector<16xf32>,
          %mul3A_253 = arith.mulf %get3A_252, %gather3A_214 : vector<16xf32>
          %swap3A_254 = arith.index_cast %add3A_211 : i32 to index
          %swap3A_255 = arith.constant 80 : index
          %swap3A_256 = tpu.vector_load %arg10[%swap3A_254, %swap3A_255] {strides = array<i32>} : memref<128x128xf32, #tpu.memory_space<vmem>>, vector<16xf32>,
          tpu.vector_store %arg10[%swap3A_254, %swap3A_255], %mul3A_253 {strides = array<i32>} : memref<128x128xf32, #tpu.memory_space<vmem>>, vector<16xf32>,
          %get3A_257 = arith.index_cast %add3A_211 : i32 to index
          %get3A_258 = arith.constant 96 : index
          %get3A_259 = tpu.vector_load %arg10[%get3A_257, %get3A_258] {strides = array<i32>} : memref<128x128xf32, #tpu.memory_space<vmem>>, vector<16xf32>,
          %mul3A_260 = arith.mulf %get3A_259, %gather3A_214 : vector<16xf32>
          %swap3A_261 = arith.index_cast %add3A_211 : i32 to index
          %swap3A_262 = arith.constant 96 : index
          %swap3A_263 = tpu.vector_load %arg10[%swap3A_261, %swap3A_262] {strides = array<i32>} : memref<128x128xf32, #tpu.memory_space<vmem>>, vector<16xf32>,
          tpu.vector_store %arg10[%swap3A_261, %swap3A_262], %mul3A_260 {strides = array<i32>} : memref<128x128xf32, #tpu.memory_space<vmem>>, vector<16xf32>,
          %get3A_264 = arith.index_cast %add3A_211 : i32 to index
          %get3A_265 = arith.constant 112 : index
          %get3A_266 = tpu.vector_load %arg10[%get3A_264, %get3A_265] {strides = array<i32>} : memref<128x128xf32, #tpu.memory_space<vmem>>, vector<16xf32>,
          %mul3A_267 = arith.mulf %get3A_266, %gather3A_214 : vector<16xf32>
          %swap3A_268 = arith.index_cast %add3A_211 : i32 to index
          %swap3A_269 = arith.constant 112 : index
          %swap3A_270 = tpu.vector_load %arg10[%swap3A_268, %swap3A_269] {strides = array<i32>} : memref<128x128xf32, #tpu.memory_space<vmem>>, vector<16xf32>,
          tpu.vector_store %arg10[%swap3A_268, %swap3A_269], %mul3A_267 {strides = array<i32>} : memref<128x128xf32, #tpu.memory_space<vmem>>, vector<16xf32>,
        }
        %scan3A_117 = arith.constant 64 : i32
        %dma_start3A_118 = arith.constant 0 : i32
        %dma_start3A_119 = tpu.memref_slice %arg8[%mul3A_95, %dma_start3A_118] : memref<8x128xi32, #tpu.memory_space<vmem>> -> memref<1x128xi32, #tpu.memory_space<vmem>>
        %dma_start3A_120 = tpu.memref_squeeze %dma_start3A_119 : memref<1x128xi32, #tpu.memory_space<vmem>> -> memref<128xi32, #tpu.memory_space<vmem>>
        %dma_start3A_121 = arith.constant 0 : i32
        %dma_start3A_122 = arith.constant 0 : i32
        %dma_start3A_123 = tpu.memref_slice %arg12[%dma_start3A_121, %dma_start3A_122] : memref<10000x128xf32, #tpu.memory_space<vmem_shared>> -> memref<10000x128xf32, #tpu.memory_space<vmem_shared>>
        tpu.enqueue_indirect_dma source(%arg10 : memref<128x128xf32, #tpu.memory_space<vmem>>) target(%dma_start3A_123 : memref<10000x128xf32, #tpu.memory_space<vmem_shared>>) offsets(%dma_start3A_120 : memref<128xi32, #tpu.memory_space<vmem>>) semaphore(%arg15 : memref<!tpu.dma_semaphore, #tpu.memory_space<semaphore_mem>>) {add = true}
        %dma_wait3A_124 = arith.constant 0 : i32
        %dma_wait3A_125 = tpu.memref_slice %arg7[%add3A_97, %dma_wait3A_124] : memref<8x128xi32, #tpu.memory_space<vmem>> -> memref<1x128xi32, #tpu.memory_space<vmem>>
        %dma_wait3A_126 = tpu.memref_squeeze %dma_wait3A_125 : memref<1x128xi32, #tpu.memory_space<vmem>> -> memref<128xi32, #tpu.memory_space<vmem>>
        %dma_wait3A_127 = arith.constant 0 : i32
        %dma_wait3A_128 = arith.constant 0 : i32
        %dma_wait3A_129 = tpu.memref_slice %arg2[%dma_wait3A_127, %dma_wait3A_128] : memref<10000x128xf32, #tpu.memory_space<hbm>> -> memref<10000x128xf32, #tpu.memory_space<hbm>>
        tpu.wait_indirect_dma semaphore(%arg14 : memref<!tpu.dma_semaphore, #tpu.memory_space<semaphore_mem>>) src(%dma_wait3A_129 : memref<10000x128xf32, #tpu.memory_space<hbm>>) dst(%arg11 : memref<128x128xf32, #tpu.memory_space<vmem>>)
        %lt3A_130 = arith.constant 3 : i32
        %lt3A_131 = arith.cmpi slt, %scan3A_93, %lt3A_130 : i32
        %convert_element_type3A_132 = arith.extui %lt3A_131 : i1 to i32
        %cond3A_133 = arith.constant 0 : i32
        %cond3A_134 = arith.cmpi ne, %convert_element_type3A_132, %cond3A_133 : i32
        scf.if %cond3A_134 {
          %dma_wait3A_147 = arith.constant 0 : i32
          %dma_wait3A_148 = tpu.memref_slice %arg8[%mul3A_95, %dma_wait3A_147] : memref<8x128xi32, #tpu.memory_space<vmem>> -> memref<1x128xi32, #tpu.memory_space<vmem>>
          %dma_wait3A_149 = tpu.memref_squeeze %dma_wait3A_148 : memref<1x128xi32, #tpu.memory_space<vmem>> -> memref<128xi32, #tpu.memory_space<vmem>>
          %dma_wait3A_150 = arith.constant 0 : i32
          %dma_wait3A_151 = arith.constant 0 : i32
          %dma_wait3A_152 = tpu.memref_slice %arg12[%dma_wait3A_150, %dma_wait3A_151] : memref<10000x128xf32, #tpu.memory_space<vmem_shared>> -> memref<10000x128xf32, #tpu.memory_space<vmem_shared>>
          tpu.wait_indirect_dma semaphore(%arg15 : memref<!tpu.dma_semaphore, #tpu.memory_space<semaphore_mem>>) src(%arg10 : memref<128x128xf32, #tpu.memory_space<vmem>>) dst(%dma_wait3A_152 : memref<10000x128xf32, #tpu.memory_space<vmem_shared>>)
          %add3A_153 = arith.constant 2 : i32
          %add3A_154 = arith.addi %mul3A_95, %add3A_153 : i32
          %dma_start3A_155 = arith.constant 0 : i32
          %dma_start3A_156 = tpu.memref_slice %arg7[%add3A_154, %dma_start3A_155] : memref<8x128xi32, #tpu.memory_space<vmem>> -> memref<1x128xi32, #tpu.memory_space<vmem>>
          %dma_start3A_157 = tpu.memref_squeeze %dma_start3A_156 : memref<1x128xi32, #tpu.memory_space<vmem>> -> memref<128xi32, #tpu.memory_space<vmem>>
          %dma_start3A_158 = arith.constant 0 : i32
          %dma_start3A_159 = arith.constant 0 : i32
          %dma_start3A_160 = tpu.memref_slice %arg2[%dma_start3A_158, %dma_start3A_159] : memref<10000x128xf32, #tpu.memory_space<hbm>> -> memref<10000x128xf32, #tpu.memory_space<hbm>>
          tpu.enqueue_indirect_dma source(%dma_start3A_160 : memref<10000x128xf32, #tpu.memory_space<hbm>>) target(%arg10 : memref<128x128xf32, #tpu.memory_space<vmem>>) offsets(%dma_start3A_157 : memref<128xi32, #tpu.memory_space<vmem>>) semaphore(%arg13 : memref<!tpu.dma_semaphore, #tpu.memory_space<semaphore_mem>>)
        } else {
        }
        %scan3A_135 = arith.constant 0 : i32
        %scan3A_136 = arith.constant 0 : i32
        %scan3A_137 = arith.constant 64 : i32
        %scan3A_138 = arith.addi %scan3A_136, %scan3A_137 : i32
        %scan3A_139 = arith.constant 1 : i32
        scf.for %scan3A_147 = %scan3A_136 to %scan3A_138 step %scan3A_139  : i32 {
          %mul3A_148 = arith.constant 2 : i32
          %mul3A_149 = arith.muli %scan3A_147, %mul3A_148 : i32
          %add3A_150 = arith.constant 0 : i32
          %add3A_151 = arith.addi %mul3A_149, %add3A_150 : i32
          %broadcast_in_dim3A_152 = vector.broadcast %add3A_97 : i32 to vector<16xi32>
          %broadcast_in_dim3A_153 = vector.broadcast %add3A_151 : i32 to vector<16xi32>
          %gather3A = tpu.vector_load_idx %arg9[%broadcast_in_dim3A_152, %broadcast_in_dim3A_153] : memref<8x128xf32, #tpu.memory_space<vmem>>[vector<16xi32>, vector<16xi32>], vector<16xf32>,
          %get3A = arith.index_cast %add3A_151 : i32 to index
          %get3A_154 = arith.constant 0 : index
          %get3A_155 = tpu.vector_load %arg11[%get3A, %get3A_154] {strides = array<i32>} : memref<128x128xf32, #tpu.memory_space<vmem>>, vector<16xf32>,
          %mul3A_156 = arith.mulf %get3A_155, %gather3A : vector<16xf32>
          %swap3A = arith.index_cast %add3A_151 : i32 to index
          %swap3A_157 = arith.constant 0 : index
          %swap3A_158 = tpu.vector_load %arg11[%swap3A, %swap3A_157] {strides = array<i32>} : memref<128x128xf32, #tpu.memory_space<vmem>>, vector<16xf32>,
          tpu.vector_store %arg11[%swap3A, %swap3A_157], %mul3A_156 {strides = array<i32>} : memref<128x128xf32, #tpu.memory_space<vmem>>, vector<16xf32>,
          %get3A_159 = arith.index_cast %add3A_151 : i32 to index
          %get3A_160 = arith.constant 16 : index
          %get3A_161 = tpu.vector_load %arg11[%get3A_159, %get3A_160] {strides = array<i32>} : memref<128x128xf32, #tpu.memory_space<vmem>>, vector<16xf32>,
          %mul3A_162 = arith.mulf %get3A_161, %gather3A : vector<16xf32>
          %swap3A_163 = arith.index_cast %add3A_151 : i32 to index
          %swap3A_164 = arith.constant 16 : index
          %swap3A_165 = tpu.vector_load %arg11[%swap3A_163, %swap3A_164] {strides = array<i32>} : memref<128x128xf32, #tpu.memory_space<vmem>>, vector<16xf32>,
          tpu.vector_store %arg11[%swap3A_163, %swap3A_164], %mul3A_162 {strides = array<i32>} : memref<128x128xf32, #tpu.memory_space<vmem>>, vector<16xf32>,
          %get3A_166 = arith.index_cast %add3A_151 : i32 to index
          %get3A_167 = arith.constant 32 : index
          %get3A_168 = tpu.vector_load %arg11[%get3A_166, %get3A_167] {strides = array<i32>} : memref<128x128xf32, #tpu.memory_space<vmem>>, vector<16xf32>,
          %mul3A_169 = arith.mulf %get3A_168, %gather3A : vector<16xf32>
          %swap3A_170 = arith.index_cast %add3A_151 : i32 to index
          %swap3A_171 = arith.constant 32 : index
          %swap3A_172 = tpu.vector_load %arg11[%swap3A_170, %swap3A_171] {strides = array<i32>} : memref<128x128xf32, #tpu.memory_space<vmem>>, vector<16xf32>,
          tpu.vector_store %arg11[%swap3A_170, %swap3A_171], %mul3A_169 {strides = array<i32>} : memref<128x128xf32, #tpu.memory_space<vmem>>, vector<16xf32>,
          %get3A_173 = arith.index_cast %add3A_151 : i32 to index
          %get3A_174 = arith.constant 48 : index
          %get3A_175 = tpu.vector_load %arg11[%get3A_173, %get3A_174] {strides = array<i32>} : memref<128x128xf32, #tpu.memory_space<vmem>>, vector<16xf32>,
          %mul3A_176 = arith.mulf %get3A_175, %gather3A : vector<16xf32>
          %swap3A_177 = arith.index_cast %add3A_151 : i32 to index
          %swap3A_178 = arith.constant 48 : index
          %swap3A_179 = tpu.vector_load %arg11[%swap3A_177, %swap3A_178] {strides = array<i32>} : memref<128x128xf32, #tpu.memory_space<vmem>>, vector<16xf32>,
          tpu.vector_store %arg11[%swap3A_177, %swap3A_178], %mul3A_176 {strides = array<i32>} : memref<128x128xf32, #tpu.memory_space<vmem>>, vector<16xf32>,
          %get3A_180 = arith.index_cast %add3A_151 : i32 to index
          %get3A_181 = arith.constant 64 : index
          %get3A_182 = tpu.vector_load %arg11[%get3A_180, %get3A_181] {strides = array<i32>} : memref<128x128xf32, #tpu.memory_space<vmem>>, vector<16xf32>,
          %mul3A_183 = arith.mulf %get3A_182, %gather3A : vector<16xf32>
          %swap3A_184 = arith.index_cast %add3A_151 : i32 to index
          %swap3A_185 = arith.constant 64 : index
          %swap3A_186 = tpu.vector_load %arg11[%swap3A_184, %swap3A_185] {strides = array<i32>} : memref<128x128xf32, #tpu.memory_space<vmem>>, vector<16xf32>,
          tpu.vector_store %arg11[%swap3A_184, %swap3A_185], %mul3A_183 {strides = array<i32>} : memref<128x128xf32, #tpu.memory_space<vmem>>, vector<16xf32>,
          %get3A_187 = arith.index_cast %add3A_151 : i32 to index
          %get3A_188 = arith.constant 80 : index
          %get3A_189 = tpu.vector_load %arg11[%get3A_187, %get3A_188] {strides = array<i32>} : memref<128x128xf32, #tpu.memory_space<vmem>>, vector<16xf32>,
          %mul3A_190 = arith.mulf %get3A_189, %gather3A : vector<16xf32>
          %swap3A_191 = arith.index_cast %add3A_151 : i32 to index
          %swap3A_192 = arith.constant 80 : index
          %swap3A_193 = tpu.vector_load %arg11[%swap3A_191, %swap3A_192] {strides = array<i32>} : memref<128x128xf32, #tpu.memory_space<vmem>>, vector<16xf32>,
          tpu.vector_store %arg11[%swap3A_191, %swap3A_192], %mul3A_190 {strides = array<i32>} : memref<128x128xf32, #tpu.memory_space<vmem>>, vector<16xf32>,
          %get3A_194 = arith.index_cast %add3A_151 : i32 to index
          %get3A_195 = arith.constant 96 : index
          %get3A_196 = tpu.vector_load %arg11[%get3A_194, %get3A_195] {strides = array<i32>} : memref<128x128xf32, #tpu.memory_space<vmem>>, vector<16xf32>,
          %mul3A_197 = arith.mulf %get3A_196, %gather3A : vector<16xf32>
          %swap3A_198 = arith.index_cast %add3A_151 : i32 to index
          %swap3A_199 = arith.constant 96 : index
          %swap3A_200 = tpu.vector_load %arg11[%swap3A_198, %swap3A_199] {strides = array<i32>} : memref<128x128xf32, #tpu.memory_space<vmem>>, vector<16xf32>,
          tpu.vector_store %arg11[%swap3A_198, %swap3A_199], %mul3A_197 {strides = array<i32>} : memref<128x128xf32, #tpu.memory_space<vmem>>, vector<16xf32>,
          %get3A_201 = arith.index_cast %add3A_151 : i32 to index
          %get3A_202 = arith.constant 112 : index
          %get3A_203 = tpu.vector_load %arg11[%get3A_201, %get3A_202] {strides = array<i32>} : memref<128x128xf32, #tpu.memory_space<vmem>>, vector<16xf32>,
          %mul3A_204 = arith.mulf %get3A_203, %gather3A : vector<16xf32>
          %swap3A_205 = arith.index_cast %add3A_151 : i32 to index
          %swap3A_206 = arith.constant 112 : index
          %swap3A_207 = tpu.vector_load %arg11[%swap3A_205, %swap3A_206] {strides = array<i32>} : memref<128x128xf32, #tpu.memory_space<vmem>>, vector<16xf32>,
          tpu.vector_store %arg11[%swap3A_205, %swap3A_206], %mul3A_204 {strides = array<i32>} : memref<128x128xf32, #tpu.memory_space<vmem>>, vector<16xf32>,
          %mul3A_208 = arith.constant 2 : i32
          %mul3A_209 = arith.muli %scan3A_147, %mul3A_208 : i32
          %add3A_210 = arith.constant 1 : i32
          %add3A_211 = arith.addi %mul3A_209, %add3A_210 : i32
          %broadcast_in_dim3A_212 = vector.broadcast %add3A_97 : i32 to vector<16xi32>
          %broadcast_in_dim3A_213 = vector.broadcast %add3A_211 : i32 to vector<16xi32>
          %gather3A_214 = tpu.vector_load_idx %arg9[%broadcast_in_dim3A_212, %broadcast_in_dim3A_213] : memref<8x128xf32, #tpu.memory_space<vmem>>[vector<16xi32>, vector<16xi32>], vector<16xf32>,
          %get3A_215 = arith.index_cast %add3A_211 : i32 to index
          %get3A_216 = arith.constant 0 : index
          %get3A_217 = tpu.vector_load %arg11[%get3A_215, %get3A_216] {strides = array<i32>} : memref<128x128xf32, #tpu.memory_space<vmem>>, vector<16xf32>,
          %mul3A_218 = arith.mulf %get3A_217, %gather3A_214 : vector<16xf32>
          %swap3A_219 = arith.index_cast %add3A_211 : i32 to index
          %swap3A_220 = arith.constant 0 : index
          %swap3A_221 = tpu.vector_load %arg11[%swap3A_219, %swap3A_220] {strides = array<i32>} : memref<128x128xf32, #tpu.memory_space<vmem>>, vector<16xf32>,
          tpu.vector_store %arg11[%swap3A_219, %swap3A_220], %mul3A_218 {strides = array<i32>} : memref<128x128xf32, #tpu.memory_space<vmem>>, vector<16xf32>,
          %get3A_222 = arith.index_cast %add3A_211 : i32 to index
          %get3A_223 = arith.constant 16 : index
          %get3A_224 = tpu.vector_load %arg11[%get3A_222, %get3A_223] {strides = array<i32>} : memref<128x128xf32, #tpu.memory_space<vmem>>, vector<16xf32>,
          %mul3A_225 = arith.mulf %get3A_224, %gather3A_214 : vector<16xf32>
          %swap3A_226 = arith.index_cast %add3A_211 : i32 to index
          %swap3A_227 = arith.constant 16 : index
          %swap3A_228 = tpu.vector_load %arg11[%swap3A_226, %swap3A_227] {strides = array<i32>} : memref<128x128xf32, #tpu.memory_space<vmem>>, vector<16xf32>,
          tpu.vector_store %arg11[%swap3A_226, %swap3A_227], %mul3A_225 {strides = array<i32>} : memref<128x128xf32, #tpu.memory_space<vmem>>, vector<16xf32>,
          %get3A_229 = arith.index_cast %add3A_211 : i32 to index
          %get3A_230 = arith.constant 32 : index
          %get3A_231 = tpu.vector_load %arg11[%get3A_229, %get3A_230] {strides = array<i32>} : memref<128x128xf32, #tpu.memory_space<vmem>>, vector<16xf32>,
          %mul3A_232 = arith.mulf %get3A_231, %gather3A_214 : vector<16xf32>
          %swap3A_233 = arith.index_cast %add3A_211 : i32 to index
          %swap3A_234 = arith.constant 32 : index
          %swap3A_235 = tpu.vector_load %arg11[%swap3A_233, %swap3A_234] {strides = array<i32>} : memref<128x128xf32, #tpu.memory_space<vmem>>, vector<16xf32>,
          tpu.vector_store %arg11[%swap3A_233, %swap3A_234], %mul3A_232 {strides = array<i32>} : memref<128x128xf32, #tpu.memory_space<vmem>>, vector<16xf32>,
          %get3A_236 = arith.index_cast %add3A_211 : i32 to index
          %get3A_237 = arith.constant 48 : index
          %get3A_238 = tpu.vector_load %arg11[%get3A_236, %get3A_237] {strides = array<i32>} : memref<128x128xf32, #tpu.memory_space<vmem>>, vector<16xf32>,
          %mul3A_239 = arith.mulf %get3A_238, %gather3A_214 : vector<16xf32>
          %swap3A_240 = arith.index_cast %add3A_211 : i32 to index
          %swap3A_241 = arith.constant 48 : index
          %swap3A_242 = tpu.vector_load %arg11[%swap3A_240, %swap3A_241] {strides = array<i32>} : memref<128x128xf32, #tpu.memory_space<vmem>>, vector<16xf32>,
          tpu.vector_store %arg11[%swap3A_240, %swap3A_241], %mul3A_239 {strides = array<i32>} : memref<128x128xf32, #tpu.memory_space<vmem>>, vector<16xf32>,
          %get3A_243 = arith.index_cast %add3A_211 : i32 to index
          %get3A_244 = arith.constant 64 : index
          %get3A_245 = tpu.vector_load %arg11[%get3A_243, %get3A_244] {strides = array<i32>} : memref<128x128xf32, #tpu.memory_space<vmem>>, vector<16xf32>,
          %mul3A_246 = arith.mulf %get3A_245, %gather3A_214 : vector<16xf32>
          %swap3A_247 = arith.index_cast %add3A_211 : i32 to index
          %swap3A_248 = arith.constant 64 : index
          %swap3A_249 = tpu.vector_load %arg11[%swap3A_247, %swap3A_248] {strides = array<i32>} : memref<128x128xf32, #tpu.memory_space<vmem>>, vector<16xf32>,
          tpu.vector_store %arg11[%swap3A_247, %swap3A_248], %mul3A_246 {strides = array<i32>} : memref<128x128xf32, #tpu.memory_space<vmem>>, vector<16xf32>,
          %get3A_250 = arith.index_cast %add3A_211 : i32 to index
          %get3A_251 = arith.constant 80 : index
          %get3A_252 = tpu.vector_load %arg11[%get3A_250, %get3A_251] {strides = array<i32>} : memref<128x128xf32, #tpu.memory_space<vmem>>, vector<16xf32>,
          %mul3A_253 = arith.mulf %get3A_252, %gather3A_214 : vector<16xf32>
          %swap3A_254 = arith.index_cast %add3A_211 : i32 to index
          %swap3A_255 = arith.constant 80 : index
          %swap3A_256 = tpu.vector_load %arg11[%swap3A_254, %swap3A_255] {strides = array<i32>} : memref<128x128xf32, #tpu.memory_space<vmem>>, vector<16xf32>,
          tpu.vector_store %arg11[%swap3A_254, %swap3A_255], %mul3A_253 {strides = array<i32>} : memref<128x128xf32, #tpu.memory_space<vmem>>, vector<16xf32>,
          %get3A_257 = arith.index_cast %add3A_211 : i32 to index
          %get3A_258 = arith.constant 96 : index
          %get3A_259 = tpu.vector_load %arg11[%get3A_257, %get3A_258] {strides = array<i32>} : memref<128x128xf32, #tpu.memory_space<vmem>>, vector<16xf32>,
          %mul3A_260 = arith.mulf %get3A_259, %gather3A_214 : vector<16xf32>
          %swap3A_261 = arith.index_cast %add3A_211 : i32 to index
          %swap3A_262 = arith.constant 96 : index
          %swap3A_263 = tpu.vector_load %arg11[%swap3A_261, %swap3A_262] {strides = array<i32>} : memref<128x128xf32, #tpu.memory_space<vmem>>, vector<16xf32>,
          tpu.vector_store %arg11[%swap3A_261, %swap3A_262], %mul3A_260 {strides = array<i32>} : memref<128x128xf32, #tpu.memory_space<vmem>>, vector<16xf32>,
          %get3A_264 = arith.index_cast %add3A_211 : i32 to index
          %get3A_265 = arith.constant 112 : index
          %get3A_266 = tpu.vector_load %arg11[%get3A_264, %get3A_265] {strides = array<i32>} : memref<128x128xf32, #tpu.memory_space<vmem>>, vector<16xf32>,
          %mul3A_267 = arith.mulf %get3A_266, %gather3A_214 : vector<16xf32>
          %swap3A_268 = arith.index_cast %add3A_211 : i32 to index
          %swap3A_269 = arith.constant 112 : index
          %swap3A_270 = tpu.vector_load %arg11[%swap3A_268, %swap3A_269] {strides = array<i32>} : memref<128x128xf32, #tpu.memory_space<vmem>>, vector<16xf32>,
          tpu.vector_store %arg11[%swap3A_268, %swap3A_269], %mul3A_267 {strides = array<i32>} : memref<128x128xf32, #tpu.memory_space<vmem>>, vector<16xf32>,
        }
        %scan3A_140 = arith.constant 64 : i32
        %dma_start3A_141 = arith.constant 0 : i32
        %dma_start3A_142 = tpu.memref_slice %arg8[%add3A_97, %dma_start3A_141] : memref<8x128xi32, #tpu.memory_space<vmem>> -> memref<1x128xi32, #tpu.memory_space<vmem>>
        %dma_start3A_143 = tpu.memref_squeeze %dma_start3A_142 : memref<1x128xi32, #tpu.memory_space<vmem>> -> memref<128xi32, #tpu.memory_space<vmem>>
        %dma_start3A_144 = arith.constant 0 : i32
        %dma_start3A_145 = arith.constant 0 : i32
        %dma_start3A_146 = tpu.memref_slice %arg12[%dma_start3A_144, %dma_start3A_145] : memref<10000x128xf32, #tpu.memory_space<vmem_shared>> -> memref<10000x128xf32, #tpu.memory_space<vmem_shared>>
        tpu.enqueue_indirect_dma source(%arg11 : memref<128x128xf32, #tpu.memory_space<vmem>>) target(%dma_start3A_146 : memref<10000x128xf32, #tpu.memory_space<vmem_shared>>) offsets(%dma_start3A_143 : memref<128xi32, #tpu.memory_space<vmem>>) semaphore(%arg16 : memref<!tpu.dma_semaphore, #tpu.memory_space<semaphore_mem>>) {add = true}
      }
      %scan3A_79 = arith.constant 4 : i32
      %dma_wait3A = arith.constant 6 : i32
      %dma_wait3A_80 = arith.constant 0 : i32
      %dma_wait3A_81 = tpu.memref_slice %arg8[%dma_wait3A, %dma_wait3A_80] : memref<8x128xi32, #tpu.memory_space<vmem>> -> memref<1x128xi32, #tpu.memory_space<vmem>>
      %dma_wait3A_82 = tpu.memref_squeeze %dma_wait3A_81 : memref<1x128xi32, #tpu.memory_space<vmem>> -> memref<128xi32, #tpu.memory_space<vmem>>
      %dma_wait3A_83 = arith.constant 0 : i32
      %dma_wait3A_84 = arith.constant 0 : i32
      %dma_wait3A_85 = tpu.memref_slice %arg12[%dma_wait3A_83, %dma_wait3A_84] : memref<10000x128xf32, #tpu.memory_space<vmem_shared>> -> memref<10000x128xf32, #tpu.memory_space<vmem_shared>>
      tpu.wait_indirect_dma semaphore(%arg15 : memref<!tpu.dma_semaphore, #tpu.memory_space<semaphore_mem>>) src(%arg10 : memref<128x128xf32, #tpu.memory_space<vmem>>) dst(%dma_wait3A_85 : memref<10000x128xf32, #tpu.memory_space<vmem_shared>>)
      %dma_wait3A_86 = arith.constant 7 : i32
      %dma_wait3A_87 = arith.constant 0 : i32
      %dma_wait3A_88 = tpu.memref_slice %arg8[%dma_wait3A_86, %dma_wait3A_87] : memref<8x128xi32, #tpu.memory_space<vmem>> -> memref<1x128xi32, #tpu.memory_space<vmem>>
      %dma_wait3A_89 = tpu.memref_squeeze %dma_wait3A_88 : memref<1x128xi32, #tpu.memory_space<vmem>> -> memref<128xi32, #tpu.memory_space<vmem>>
      %dma_wait3A_90 = arith.constant 0 : i32
      %dma_wait3A_91 = arith.constant 0 : i32
      %dma_wait3A_92 = tpu.memref_slice %arg12[%dma_wait3A_90, %dma_wait3A_91] : memref<10000x128xf32, #tpu.memory_space<vmem_shared>> -> memref<10000x128xf32, #tpu.memory_space<vmem_shared>>
      tpu.wait_indirect_dma semaphore(%arg16 : memref<!tpu.dma_semaphore, #tpu.memory_space<semaphore_mem>>) src(%arg11 : memref<128x128xf32, #tpu.memory_space<vmem>>) dst(%dma_wait3A_92 : memref<10000x128xf32, #tpu.memory_space<vmem_shared>>)
    }
    %while3A_50 = arith.constant 1 : i32
    scf.for %while3A_62 = %while3A_48 to %while3A_44 step %while3A_50  : i32 {
      %mul3A_63 = arith.constant 80 : i32
      %mul3A_64 = arith.muli %add3A, %mul3A_63 : i32
      %mul3A_65 = arith.constant 8 : i32
      %mul3A_66 = arith.muli %while3A_62, %mul3A_65 : i32
      %add3A_67 = arith.addi %mul3A_64, %mul3A_66 : i32
      "tpu.region"() ({
        %run_scoped3A = tpu.sem_alloc : memref<!tpu.dma_semaphore, #tpu.memory_space<semaphore_mem>>
        %dma_start3A_93 = arith.constant 0 : i32
        %dma_start3A_94 = tpu.memref_slice %arg3[%add3A_67, %dma_start3A_93] : memref<2512x128xi32, #tpu.memory_space<hbm>> -> memref<8x128xi32, #tpu.memory_space<hbm>>
        %dma_start3A_95 = arith.constant 0 : i32
        %dma_start3A_96 = tpu.memref_slice %arg3[%add3A_67, %dma_start3A_95] : memref<2512x128xi32, #tpu.memory_space<hbm>> -> memref<8x128xi32, #tpu.memory_space<hbm>>
        tpu.enqueue_dma source(%dma_start3A_96 : memref<8x128xi32, #tpu.memory_space<hbm>>) target(%arg7 : memref<8x128xi32, #tpu.memory_space<vmem>>) target_semaphore(%run_scoped3A : memref<!tpu.dma_semaphore, #tpu.memory_space<semaphore_mem>>)
        %dma_wait3A_97 = arith.constant 0 : i32
        %dma_wait3A_98 = tpu.memref_slice %arg3[%add3A_67, %dma_wait3A_97] : memref<2512x128xi32, #tpu.memory_space<hbm>> -> memref<8x128xi32, #tpu.memory_space<hbm>>
        %dma_wait3A_99 = arith.constant 0 : i32
        %dma_wait3A_100 = tpu.memref_slice %arg3[%add3A_67, %dma_wait3A_99] : memref<2512x128xi32, #tpu.memory_space<hbm>> -> memref<8x128xi32, #tpu.memory_space<hbm>>
        tpu.wait_dma2 semaphore(%run_scoped3A : memref<!tpu.dma_semaphore, #tpu.memory_space<semaphore_mem>>) src(%dma_wait3A_100 : memref<8x128xi32, #tpu.memory_space<hbm>>) dst(%arg7 : memref<8x128xi32, #tpu.memory_space<vmem>>)
        tpu.yield
      }) : () -> ()
      "tpu.region"() ({
        %run_scoped3A = tpu.sem_alloc : memref<!tpu.dma_semaphore, #tpu.memory_space<semaphore_mem>>
        %dma_start3A_93 = arith.constant 0 : i32
        %dma_start3A_94 = tpu.memref_slice %arg4[%add3A_67, %dma_start3A_93] : memref<2512x128xi32, #tpu.memory_space<hbm>> -> memref<8x128xi32, #tpu.memory_space<hbm>>
        %dma_start3A_95 = arith.constant 0 : i32
        %dma_start3A_96 = tpu.memref_slice %arg4[%add3A_67, %dma_start3A_95] : memref<2512x128xi32, #tpu.memory_space<hbm>> -> memref<8x128xi32, #tpu.memory_space<hbm>>
        tpu.enqueue_dma source(%dma_start3A_96 : memref<8x128xi32, #tpu.memory_space<hbm>>) target(%arg8 : memref<8x128xi32, #tpu.memory_space<vmem>>) target_semaphore(%run_scoped3A : memref<!tpu.dma_semaphore, #tpu.memory_space<semaphore_mem>>)
        %dma_wait3A_97 = arith.constant 0 : i32
        %dma_wait3A_98 = tpu.memref_slice %arg4[%add3A_67, %dma_wait3A_97] : memref<2512x128xi32, #tpu.memory_space<hbm>> -> memref<8x128xi32, #tpu.memory_space<hbm>>
        %dma_wait3A_99 = arith.constant 0 : i32
        %dma_wait3A_100 = tpu.memref_slice %arg4[%add3A_67, %dma_wait3A_99] : memref<2512x128xi32, #tpu.memory_space<hbm>> -> memref<8x128xi32, #tpu.memory_space<hbm>>
        tpu.wait_dma2 semaphore(%run_scoped3A : memref<!tpu.dma_semaphore, #tpu.memory_space<semaphore_mem>>) src(%dma_wait3A_100 : memref<8x128xi32, #tpu.memory_space<hbm>>) dst(%arg8 : memref<8x128xi32, #tpu.memory_space<vmem>>)
        tpu.yield
      }) : () -> ()
      "tpu.region"() ({
        %run_scoped3A = tpu.sem_alloc : memref<!tpu.dma_semaphore, #tpu.memory_space<semaphore_mem>>
        %dma_start3A_93 = arith.constant 0 : i32
        %dma_start3A_94 = tpu.memref_slice %arg5[%add3A_67, %dma_start3A_93] : memref<2512x128xf32, #tpu.memory_space<hbm>> -> memref<8x128xf32, #tpu.memory_space<hbm>>
        %dma_start3A_95 = arith.constant 0 : i32
        %dma_start3A_96 = tpu.memref_slice %arg5[%add3A_67, %dma_start3A_95] : memref<2512x128xf32, #tpu.memory_space<hbm>> -> memref<8x128xf32, #tpu.memory_space<hbm>>
        tpu.enqueue_dma source(%dma_start3A_96 : memref<8x128xf32, #tpu.memory_space<hbm>>) target(%arg9 : memref<8x128xf32, #tpu.memory_space<vmem>>) target_semaphore(%run_scoped3A : memref<!tpu.dma_semaphore, #tpu.memory_space<semaphore_mem>>)
        %dma_wait3A_97 = arith.constant 0 : i32
        %dma_wait3A_98 = tpu.memref_slice %arg5[%add3A_67, %dma_wait3A_97] : memref<2512x128xf32, #tpu.memory_space<hbm>> -> memref<8x128xf32, #tpu.memory_space<hbm>>
        %dma_wait3A_99 = arith.constant 0 : i32
        %dma_wait3A_100 = tpu.memref_slice %arg5[%add3A_67, %dma_wait3A_99] : memref<2512x128xf32, #tpu.memory_space<hbm>> -> memref<8x128xf32, #tpu.memory_space<hbm>>
        tpu.wait_dma2 semaphore(%run_scoped3A : memref<!tpu.dma_semaphore, #tpu.memory_space<semaphore_mem>>) src(%dma_wait3A_100 : memref<8x128xf32, #tpu.memory_space<hbm>>) dst(%arg9 : memref<8x128xf32, #tpu.memory_space<vmem>>)
        tpu.yield
      }) : () -> ()
      %dma_start3A = arith.constant 0 : i32
      %dma_start3A_68 = arith.constant 0 : i32
      %dma_start3A_69 = tpu.memref_slice %arg7[%dma_start3A, %dma_start3A_68] : memref<8x128xi32, #tpu.memory_space<vmem>> -> memref<1x128xi32, #tpu.memory_space<vmem>>
      %dma_start3A_70 = tpu.memref_squeeze %dma_start3A_69 : memref<1x128xi32, #tpu.memory_space<vmem>> -> memref<128xi32, #tpu.memory_space<vmem>>
      %dma_start3A_71 = arith.constant 0 : i32
      %dma_start3A_72 = arith.constant 0 : i32
      %dma_start3A_73 = tpu.memref_slice %arg2[%dma_start3A_71, %dma_start3A_72] : memref<10000x128xf32, #tpu.memory_space<hbm>> -> memref<10000x128xf32, #tpu.memory_space<hbm>>
      tpu.enqueue_indirect_dma source(%dma_start3A_73 : memref<10000x128xf32, #tpu.memory_space<hbm>>) target(%arg10 : memref<128x128xf32, #tpu.memory_space<vmem>>) offsets(%dma_start3A_70 : memref<128xi32, #tpu.memory_space<vmem>>) semaphore(%arg13 : memref<!tpu.dma_semaphore, #tpu.memory_space<semaphore_mem>>)
      %scan3A_74 = arith.constant 0 : i32
      %scan3A_75 = arith.constant 0 : i32
      %scan3A_76 = arith.constant 4 : i32
      %scan3A_77 = arith.addi %scan3A_75, %scan3A_76 : i32
      %scan3A_78 = arith.constant 1 : i32
      scf.for %scan3A_93 = %scan3A_75 to %scan3A_77 step %scan3A_78  : i32 {
        %mul3A_94 = arith.constant 2 : i32
        %mul3A_95 = arith.muli %scan3A_93, %mul3A_94 : i32
        %add3A_96 = arith.constant 1 : i32
        %add3A_97 = arith.addi %mul3A_95, %add3A_96 : i32
        %dma_wait3A_98 = arith.constant 0 : i32
        %dma_wait3A_99 = tpu.memref_slice %arg7[%mul3A_95, %dma_wait3A_98] : memref<8x128xi32, #tpu.memory_space<vmem>> -> memref<1x128xi32, #tpu.memory_space<vmem>>
        %dma_wait3A_100 = tpu.memref_squeeze %dma_wait3A_99 : memref<1x128xi32, #tpu.memory_space<vmem>> -> memref<128xi32, #tpu.memory_space<vmem>>
        %dma_wait3A_101 = arith.constant 0 : i32
        %dma_wait3A_102 = arith.constant 0 : i32
        %dma_wait3A_103 = tpu.memref_slice %arg2[%dma_wait3A_101, %dma_wait3A_102] : memref<10000x128xf32, #tpu.memory_space<hbm>> -> memref<10000x128xf32, #tpu.memory_space<hbm>>
        tpu.wait_indirect_dma semaphore(%arg13 : memref<!tpu.dma_semaphore, #tpu.memory_space<semaphore_mem>>) src(%dma_wait3A_103 : memref<10000x128xf32, #tpu.memory_space<hbm>>) dst(%arg10 : memref<128x128xf32, #tpu.memory_space<vmem>>)
        %gt3A = arith.constant 0 : i32
        %gt3A_104 = arith.cmpi sgt, %scan3A_93, %gt3A : i32
        %convert_element_type3A = arith.extui %gt3A_104 : i1 to i32
        %cond3A = arith.constant 0 : i32
        %cond3A_105 = arith.cmpi ne, %convert_element_type3A, %cond3A : i32
        scf.if %cond3A_105 {
          %sub3A_147 = arith.constant 2 : i32
          %sub3A_148 = arith.subi %add3A_97, %sub3A_147 : i32
          %dma_wait3A_149 = arith.constant 0 : i32
          %dma_wait3A_150 = tpu.memref_slice %arg8[%sub3A_148, %dma_wait3A_149] : memref<8x128xi32, #tpu.memory_space<vmem>> -> memref<1x128xi32, #tpu.memory_space<vmem>>
          %dma_wait3A_151 = tpu.memref_squeeze %dma_wait3A_150 : memref<1x128xi32, #tpu.memory_space<vmem>> -> memref<128xi32, #tpu.memory_space<vmem>>
          %dma_wait3A_152 = arith.constant 0 : i32
          %dma_wait3A_153 = arith.constant 0 : i32
          %dma_wait3A_154 = tpu.memref_slice %arg12[%dma_wait3A_152, %dma_wait3A_153] : memref<10000x128xf32, #tpu.memory_space<vmem_shared>> -> memref<10000x128xf32, #tpu.memory_space<vmem_shared>>
          tpu.wait_indirect_dma semaphore(%arg16 : memref<!tpu.dma_semaphore, #tpu.memory_space<semaphore_mem>>) src(%arg11 : memref<128x128xf32, #tpu.memory_space<vmem>>) dst(%dma_wait3A_154 : memref<10000x128xf32, #tpu.memory_space<vmem_shared>>)
        } else {
        }
        %dma_start3A_106 = arith.constant 0 : i32
        %dma_start3A_107 = tpu.memref_slice %arg7[%add3A_97, %dma_start3A_106] : memref<8x128xi32, #tpu.memory_space<vmem>> -> memref<1x128xi32, #tpu.memory_space<vmem>>
        %dma_start3A_108 = tpu.memref_squeeze %dma_start3A_107 : memref<1x128xi32, #tpu.memory_space<vmem>> -> memref<128xi32, #tpu.memory_space<vmem>>
        %dma_start3A_109 = arith.constant 0 : i32
        %dma_start3A_110 = arith.constant 0 : i32
        %dma_start3A_111 = tpu.memref_slice %arg2[%dma_start3A_109, %dma_start3A_110] : memref<10000x128xf32, #tpu.memory_space<hbm>> -> memref<10000x128xf32, #tpu.memory_space<hbm>>
        tpu.enqueue_indirect_dma source(%dma_start3A_111 : memref<10000x128xf32, #tpu.memory_space<hbm>>) target(%arg11 : memref<128x128xf32, #tpu.memory_space<vmem>>) offsets(%dma_start3A_108 : memref<128xi32, #tpu.memory_space<vmem>>) semaphore(%arg14 : memref<!tpu.dma_semaphore, #tpu.memory_space<semaphore_mem>>)
        %scan3A_112 = arith.constant 0 : i32
        %scan3A_113 = arith.constant 0 : i32
        %scan3A_114 = arith.constant 64 : i32
        %scan3A_115 = arith.addi %scan3A_113, %scan3A_114 : i32
        %scan3A_116 = arith.constant 1 : i32
        scf.for %scan3A_147 = %scan3A_113 to %scan3A_115 step %scan3A_116  : i32 {
          %mul3A_148 = arith.constant 2 : i32
          %mul3A_149 = arith.muli %scan3A_147, %mul3A_148 : i32
          %add3A_150 = arith.constant 0 : i32
          %add3A_151 = arith.addi %mul3A_149, %add3A_150 : i32
          %broadcast_in_dim3A_152 = vector.broadcast %mul3A_95 : i32 to vector<16xi32>
          %broadcast_in_dim3A_153 = vector.broadcast %add3A_151 : i32 to vector<16xi32>
          %gather3A = tpu.vector_load_idx %arg9[%broadcast_in_dim3A_152, %broadcast_in_dim3A_153] : memref<8x128xf32, #tpu.memory_space<vmem>>[vector<16xi32>, vector<16xi32>], vector<16xf32>,
          %get3A = arith.index_cast %add3A_151 : i32 to index
          %get3A_154 = arith.constant 0 : index
          %get3A_155 = tpu.vector_load %arg10[%get3A, %get3A_154] {strides = array<i32>} : memref<128x128xf32, #tpu.memory_space<vmem>>, vector<16xf32>,
          %mul3A_156 = arith.mulf %get3A_155, %gather3A : vector<16xf32>
          %swap3A = arith.index_cast %add3A_151 : i32 to index
          %swap3A_157 = arith.constant 0 : index
          %swap3A_158 = tpu.vector_load %arg10[%swap3A, %swap3A_157] {strides = array<i32>} : memref<128x128xf32, #tpu.memory_space<vmem>>, vector<16xf32>,
          tpu.vector_store %arg10[%swap3A, %swap3A_157], %mul3A_156 {strides = array<i32>} : memref<128x128xf32, #tpu.memory_space<vmem>>, vector<16xf32>,
          %get3A_159 = arith.index_cast %add3A_151 : i32 to index
          %get3A_160 = arith.constant 16 : index
          %get3A_161 = tpu.vector_load %arg10[%get3A_159, %get3A_160] {strides = array<i32>} : memref<128x128xf32, #tpu.memory_space<vmem>>, vector<16xf32>,
          %mul3A_162 = arith.mulf %get3A_161, %gather3A : vector<16xf32>
          %swap3A_163 = arith.index_cast %add3A_151 : i32 to index
          %swap3A_164 = arith.constant 16 : index
          %swap3A_165 = tpu.vector_load %arg10[%swap3A_163, %swap3A_164] {strides = array<i32>} : memref<128x128xf32, #tpu.memory_space<vmem>>, vector<16xf32>,
          tpu.vector_store %arg10[%swap3A_163, %swap3A_164], %mul3A_162 {strides = array<i32>} : memref<128x128xf32, #tpu.memory_space<vmem>>, vector<16xf32>,
          %get3A_166 = arith.index_cast %add3A_151 : i32 to index
          %get3A_167 = arith.constant 32 : index
          %get3A_168 = tpu.vector_load %arg10[%get3A_166, %get3A_167] {strides = array<i32>} : memref<128x128xf32, #tpu.memory_space<vmem>>, vector<16xf32>,
          %mul3A_169 = arith.mulf %get3A_168, %gather3A : vector<16xf32>
          %swap3A_170 = arith.index_cast %add3A_151 : i32 to index
          %swap3A_171 = arith.constant 32 : index
          %swap3A_172 = tpu.vector_load %arg10[%swap3A_170, %swap3A_171] {strides = array<i32>} : memref<128x128xf32, #tpu.memory_space<vmem>>, vector<16xf32>,
          tpu.vector_store %arg10[%swap3A_170, %swap3A_171], %mul3A_169 {strides = array<i32>} : memref<128x128xf32, #tpu.memory_space<vmem>>, vector<16xf32>,
          %get3A_173 = arith.index_cast %add3A_151 : i32 to index
          %get3A_174 = arith.constant 48 : index
          %get3A_175 = tpu.vector_load %arg10[%get3A_173, %get3A_174] {strides = array<i32>} : memref<128x128xf32, #tpu.memory_space<vmem>>, vector<16xf32>,
          %mul3A_176 = arith.mulf %get3A_175, %gather3A : vector<16xf32>
          %swap3A_177 = arith.index_cast %add3A_151 : i32 to index
          %swap3A_178 = arith.constant 48 : index
          %swap3A_179 = tpu.vector_load %arg10[%swap3A_177, %swap3A_178] {strides = array<i32>} : memref<128x128xf32, #tpu.memory_space<vmem>>, vector<16xf32>,
          tpu.vector_store %arg10[%swap3A_177, %swap3A_178], %mul3A_176 {strides = array<i32>} : memref<128x128xf32, #tpu.memory_space<vmem>>, vector<16xf32>,
          %get3A_180 = arith.index_cast %add3A_151 : i32 to index
          %get3A_181 = arith.constant 64 : index
          %get3A_182 = tpu.vector_load %arg10[%get3A_180, %get3A_181] {strides = array<i32>} : memref<128x128xf32, #tpu.memory_space<vmem>>, vector<16xf32>,
          %mul3A_183 = arith.mulf %get3A_182, %gather3A : vector<16xf32>
          %swap3A_184 = arith.index_cast %add3A_151 : i32 to index
          %swap3A_185 = arith.constant 64 : index
          %swap3A_186 = tpu.vector_load %arg10[%swap3A_184, %swap3A_185] {strides = array<i32>} : memref<128x128xf32, #tpu.memory_space<vmem>>, vector<16xf32>,
          tpu.vector_store %arg10[%swap3A_184, %swap3A_185], %mul3A_183 {strides = array<i32>} : memref<128x128xf32, #tpu.memory_space<vmem>>, vector<16xf32>,
          %get3A_187 = arith.index_cast %add3A_151 : i32 to index
          %get3A_188 = arith.constant 80 : index
          %get3A_189 = tpu.vector_load %arg10[%get3A_187, %get3A_188] {strides = array<i32>} : memref<128x128xf32, #tpu.memory_space<vmem>>, vector<16xf32>,
          %mul3A_190 = arith.mulf %get3A_189, %gather3A : vector<16xf32>
          %swap3A_191 = arith.index_cast %add3A_151 : i32 to index
          %swap3A_192 = arith.constant 80 : index
          %swap3A_193 = tpu.vector_load %arg10[%swap3A_191, %swap3A_192] {strides = array<i32>} : memref<128x128xf32, #tpu.memory_space<vmem>>, vector<16xf32>,
          tpu.vector_store %arg10[%swap3A_191, %swap3A_192], %mul3A_190 {strides = array<i32>} : memref<128x128xf32, #tpu.memory_space<vmem>>, vector<16xf32>,
          %get3A_194 = arith.index_cast %add3A_151 : i32 to index
          %get3A_195 = arith.constant 96 : index
          %get3A_196 = tpu.vector_load %arg10[%get3A_194, %get3A_195] {strides = array<i32>} : memref<128x128xf32, #tpu.memory_space<vmem>>, vector<16xf32>,
          %mul3A_197 = arith.mulf %get3A_196, %gather3A : vector<16xf32>
          %swap3A_198 = arith.index_cast %add3A_151 : i32 to index
          %swap3A_199 = arith.constant 96 : index
          %swap3A_200 = tpu.vector_load %arg10[%swap3A_198, %swap3A_199] {strides = array<i32>} : memref<128x128xf32, #tpu.memory_space<vmem>>, vector<16xf32>,
          tpu.vector_store %arg10[%swap3A_198, %swap3A_199], %mul3A_197 {strides = array<i32>} : memref<128x128xf32, #tpu.memory_space<vmem>>, vector<16xf32>,
          %get3A_201 = arith.index_cast %add3A_151 : i32 to index
          %get3A_202 = arith.constant 112 : index
          %get3A_203 = tpu.vector_load %arg10[%get3A_201, %get3A_202] {strides = array<i32>} : memref<128x128xf32, #tpu.memory_space<vmem>>, vector<16xf32>,
          %mul3A_204 = arith.mulf %get3A_203, %gather3A : vector<16xf32>
          %swap3A_205 = arith.index_cast %add3A_151 : i32 to index
          %swap3A_206 = arith.constant 112 : index
          %swap3A_207 = tpu.vector_load %arg10[%swap3A_205, %swap3A_206] {strides = array<i32>} : memref<128x128xf32, #tpu.memory_space<vmem>>, vector<16xf32>,
          tpu.vector_store %arg10[%swap3A_205, %swap3A_206], %mul3A_204 {strides = array<i32>} : memref<128x128xf32, #tpu.memory_space<vmem>>, vector<16xf32>,
          %mul3A_208 = arith.constant 2 : i32
          %mul3A_209 = arith.muli %scan3A_147, %mul3A_208 : i32
          %add3A_210 = arith.constant 1 : i32
          %add3A_211 = arith.addi %mul3A_209, %add3A_210 : i32
          %broadcast_in_dim3A_212 = vector.broadcast %mul3A_95 : i32 to vector<16xi32>
          %broadcast_in_dim3A_213 = vector.broadcast %add3A_211 : i32 to vector<16xi32>
          %gather3A_214 = tpu.vector_load_idx %arg9[%broadcast_in_dim3A_212, %broadcast_in_dim3A_213] : memref<8x128xf32, #tpu.memory_space<vmem>>[vector<16xi32>, vector<16xi32>], vector<16xf32>,
          %get3A_215 = arith.index_cast %add3A_211 : i32 to index
          %get3A_216 = arith.constant 0 : index
          %get3A_217 = tpu.vector_load %arg10[%get3A_215, %get3A_216] {strides = array<i32>} : memref<128x128xf32, #tpu.memory_space<vmem>>, vector<16xf32>,
          %mul3A_218 = arith.mulf %get3A_217, %gather3A_214 : vector<16xf32>
          %swap3A_219 = arith.index_cast %add3A_211 : i32 to index
          %swap3A_220 = arith.constant 0 : index
          %swap3A_221 = tpu.vector_load %arg10[%swap3A_219, %swap3A_220] {strides = array<i32>} : memref<128x128xf32, #tpu.memory_space<vmem>>, vector<16xf32>,
          tpu.vector_store %arg10[%swap3A_219, %swap3A_220], %mul3A_218 {strides = array<i32>} : memref<128x128xf32, #tpu.memory_space<vmem>>, vector<16xf32>,
          %get3A_222 = arith.index_cast %add3A_211 : i32 to index
          %get3A_223 = arith.constant 16 : index
          %get3A_224 = tpu.vector_load %arg10[%get3A_222, %get3A_223] {strides = array<i32>} : memref<128x128xf32, #tpu.memory_space<vmem>>, vector<16xf32>,
          %mul3A_225 = arith.mulf %get3A_224, %gather3A_214 : vector<16xf32>
          %swap3A_226 = arith.index_cast %add3A_211 : i32 to index
          %swap3A_227 = arith.constant 16 : index
          %swap3A_228 = tpu.vector_load %arg10[%swap3A_226, %swap3A_227] {strides = array<i32>} : memref<128x128xf32, #tpu.memory_space<vmem>>, vector<16xf32>,
          tpu.vector_store %arg10[%swap3A_226, %swap3A_227], %mul3A_225 {strides = array<i32>} : memref<128x128xf32, #tpu.memory_space<vmem>>, vector<16xf32>,
          %get3A_229 = arith.index_cast %add3A_211 : i32 to index
          %get3A_230 = arith.constant 32 : index
          %get3A_231 = tpu.vector_load %arg10[%get3A_229, %get3A_230] {strides = array<i32>} : memref<128x128xf32, #tpu.memory_space<vmem>>, vector<16xf32>,
          %mul3A_232 = arith.mulf %get3A_231, %gather3A_214 : vector<16xf32>
          %swap3A_233 = arith.index_cast %add3A_211 : i32 to index
          %swap3A_234 = arith.constant 32 : index
          %swap3A_235 = tpu.vector_load %arg10[%swap3A_233, %swap3A_234] {strides = array<i32>} : memref<128x128xf32, #tpu.memory_space<vmem>>, vector<16xf32>,
          tpu.vector_store %arg10[%swap3A_233, %swap3A_234], %mul3A_232 {strides = array<i32>} : memref<128x128xf32, #tpu.memory_space<vmem>>, vector<16xf32>,
          %get3A_236 = arith.index_cast %add3A_211 : i32 to index
          %get3A_237 = arith.constant 48 : index
          %get3A_238 = tpu.vector_load %arg10[%get3A_236, %get3A_237] {strides = array<i32>} : memref<128x128xf32, #tpu.memory_space<vmem>>, vector<16xf32>,
          %mul3A_239 = arith.mulf %get3A_238, %gather3A_214 : vector<16xf32>
          %swap3A_240 = arith.index_cast %add3A_211 : i32 to index
          %swap3A_241 = arith.constant 48 : index
          %swap3A_242 = tpu.vector_load %arg10[%swap3A_240, %swap3A_241] {strides = array<i32>} : memref<128x128xf32, #tpu.memory_space<vmem>>, vector<16xf32>,
          tpu.vector_store %arg10[%swap3A_240, %swap3A_241], %mul3A_239 {strides = array<i32>} : memref<128x128xf32, #tpu.memory_space<vmem>>, vector<16xf32>,
          %get3A_243 = arith.index_cast %add3A_211 : i32 to index
          %get3A_244 = arith.constant 64 : index
          %get3A_245 = tpu.vector_load %arg10[%get3A_243, %get3A_244] {strides = array<i32>} : memref<128x128xf32, #tpu.memory_space<vmem>>, vector<16xf32>,
          %mul3A_246 = arith.mulf %get3A_245, %gather3A_214 : vector<16xf32>
          %swap3A_247 = arith.index_cast %add3A_211 : i32 to index
          %swap3A_248 = arith.constant 64 : index
          %swap3A_249 = tpu.vector_load %arg10[%swap3A_247, %swap3A_248] {strides = array<i32>} : memref<128x128xf32, #tpu.memory_space<vmem>>, vector<16xf32>,
          tpu.vector_store %arg10[%swap3A_247, %swap3A_248], %mul3A_246 {strides = array<i32>} : memref<128x128xf32, #tpu.memory_space<vmem>>, vector<16xf32>,
          %get3A_250 = arith.index_cast %add3A_211 : i32 to index
          %get3A_251 = arith.constant 80 : index
          %get3A_252 = tpu.vector_load %arg10[%get3A_250, %get3A_251] {strides = array<i32>} : memref<128x128xf32, #tpu.memory_space<vmem>>, vector<16xf32>,
          %mul3A_253 = arith.mulf %get3A_252, %gather3A_214 : vector<16xf32>
          %swap3A_254 = arith.index_cast %add3A_211 : i32 to index
          %swap3A_255 = arith.constant 80 : index
          %swap3A_256 = tpu.vector_load %arg10[%swap3A_254, %swap3A_255] {strides = array<i32>} : memref<128x128xf32, #tpu.memory_space<vmem>>, vector<16xf32>,
          tpu.vector_store %arg10[%swap3A_254, %swap3A_255], %mul3A_253 {strides = array<i32>} : memref<128x128xf32, #tpu.memory_space<vmem>>, vector<16xf32>,
          %get3A_257 = arith.index_cast %add3A_211 : i32 to index
          %get3A_258 = arith.constant 96 : index
          %get3A_259 = tpu.vector_load %arg10[%get3A_257, %get3A_258] {strides = array<i32>} : memref<128x128xf32, #tpu.memory_space<vmem>>, vector<16xf32>,
          %mul3A_260 = arith.mulf %get3A_259, %gather3A_214 : vector<16xf32>
          %swap3A_261 = arith.index_cast %add3A_211 : i32 to index
          %swap3A_262 = arith.constant 96 : index
          %swap3A_263 = tpu.vector_load %arg10[%swap3A_261, %swap3A_262] {strides = array<i32>} : memref<128x128xf32, #tpu.memory_space<vmem>>, vector<16xf32>,
          tpu.vector_store %arg10[%swap3A_261, %swap3A_262], %mul3A_260 {strides = array<i32>} : memref<128x128xf32, #tpu.memory_space<vmem>>, vector<16xf32>,
          %get3A_264 = arith.index_cast %add3A_211 : i32 to index
          %get3A_265 = arith.constant 112 : index
          %get3A_266 = tpu.vector_load %arg10[%get3A_264, %get3A_265] {strides = array<i32>} : memref<128x128xf32, #tpu.memory_space<vmem>>, vector<16xf32>,
          %mul3A_267 = arith.mulf %get3A_266, %gather3A_214 : vector<16xf32>
          %swap3A_268 = arith.index_cast %add3A_211 : i32 to index
          %swap3A_269 = arith.constant 112 : index
          %swap3A_270 = tpu.vector_load %arg10[%swap3A_268, %swap3A_269] {strides = array<i32>} : memref<128x128xf32, #tpu.memory_space<vmem>>, vector<16xf32>,
          tpu.vector_store %arg10[%swap3A_268, %swap3A_269], %mul3A_267 {strides = array<i32>} : memref<128x128xf32, #tpu.memory_space<vmem>>, vector<16xf32>,
        }
        %scan3A_117 = arith.constant 64 : i32
        %dma_start3A_118 = arith.constant 0 : i32
        %dma_start3A_119 = tpu.memref_slice %arg8[%mul3A_95, %dma_start3A_118] : memref<8x128xi32, #tpu.memory_space<vmem>> -> memref<1x128xi32, #tpu.memory_space<vmem>>
        %dma_start3A_120 = tpu.memref_squeeze %dma_start3A_119 : memref<1x128xi32, #tpu.memory_space<vmem>> -> memref<128xi32, #tpu.memory_space<vmem>>
        %dma_start3A_121 = arith.constant 0 : i32
        %dma_start3A_122 = arith.constant 0 : i32
        %dma_start3A_123 = tpu.memref_slice %arg12[%dma_start3A_121, %dma_start3A_122] : memref<10000x128xf32, #tpu.memory_space<vmem_shared>> -> memref<10000x128xf32, #tpu.memory_space<vmem_shared>>
        tpu.enqueue_indirect_dma source(%arg10 : memref<128x128xf32, #tpu.memory_space<vmem>>) target(%dma_start3A_123 : memref<10000x128xf32, #tpu.memory_space<vmem_shared>>) offsets(%dma_start3A_120 : memref<128xi32, #tpu.memory_space<vmem>>) semaphore(%arg15 : memref<!tpu.dma_semaphore, #tpu.memory_space<semaphore_mem>>) {add = true}
        %dma_wait3A_124 = arith.constant 0 : i32
        %dma_wait3A_125 = tpu.memref_slice %arg7[%add3A_97, %dma_wait3A_124] : memref<8x128xi32, #tpu.memory_space<vmem>> -> memref<1x128xi32, #tpu.memory_space<vmem>>
        %dma_wait3A_126 = tpu.memref_squeeze %dma_wait3A_125 : memref<1x128xi32, #tpu.memory_space<vmem>> -> memref<128xi32, #tpu.memory_space<vmem>>
        %dma_wait3A_127 = arith.constant 0 : i32
        %dma_wait3A_128 = arith.constant 0 : i32
        %dma_wait3A_129 = tpu.memref_slice %arg2[%dma_wait3A_127, %dma_wait3A_128] : memref<10000x128xf32, #tpu.memory_space<hbm>> -> memref<10000x128xf32, #tpu.memory_space<hbm>>
        tpu.wait_indirect_dma semaphore(%arg14 : memref<!tpu.dma_semaphore, #tpu.memory_space<semaphore_mem>>) src(%dma_wait3A_129 : memref<10000x128xf32, #tpu.memory_space<hbm>>) dst(%arg11 : memref<128x128xf32, #tpu.memory_space<vmem>>)
        %lt3A_130 = arith.constant 3 : i32
        %lt3A_131 = arith.cmpi slt, %scan3A_93, %lt3A_130 : i32
        %convert_element_type3A_132 = arith.extui %lt3A_131 : i1 to i32
        %cond3A_133 = arith.constant 0 : i32
        %cond3A_134 = arith.cmpi ne, %convert_element_type3A_132, %cond3A_133 : i32
        scf.if %cond3A_134 {
          %dma_wait3A_147 = arith.constant 0 : i32
          %dma_wait3A_148 = tpu.memref_slice %arg8[%mul3A_95, %dma_wait3A_147] : memref<8x128xi32, #tpu.memory_space<vmem>> -> memref<1x128xi32, #tpu.memory_space<vmem>>
          %dma_wait3A_149 = tpu.memref_squeeze %dma_wait3A_148 : memref<1x128xi32, #tpu.memory_space<vmem>> -> memref<128xi32, #tpu.memory_space<vmem>>
          %dma_wait3A_150 = arith.constant 0 : i32
          %dma_wait3A_151 = arith.constant 0 : i32
          %dma_wait3A_152 = tpu.memref_slice %arg12[%dma_wait3A_150, %dma_wait3A_151] : memref<10000x128xf32, #tpu.memory_space<vmem_shared>> -> memref<10000x128xf32, #tpu.memory_space<vmem_shared>>
          tpu.wait_indirect_dma semaphore(%arg15 : memref<!tpu.dma_semaphore, #tpu.memory_space<semaphore_mem>>) src(%arg10 : memref<128x128xf32, #tpu.memory_space<vmem>>) dst(%dma_wait3A_152 : memref<10000x128xf32, #tpu.memory_space<vmem_shared>>)
          %add3A_153 = arith.constant 2 : i32
          %add3A_154 = arith.addi %mul3A_95, %add3A_153 : i32
          %dma_start3A_155 = arith.constant 0 : i32
          %dma_start3A_156 = tpu.memref_slice %arg7[%add3A_154, %dma_start3A_155] : memref<8x128xi32, #tpu.memory_space<vmem>> -> memref<1x128xi32, #tpu.memory_space<vmem>>
          %dma_start3A_157 = tpu.memref_squeeze %dma_start3A_156 : memref<1x128xi32, #tpu.memory_space<vmem>> -> memref<128xi32, #tpu.memory_space<vmem>>
          %dma_start3A_158 = arith.constant 0 : i32
          %dma_start3A_159 = arith.constant 0 : i32
          %dma_start3A_160 = tpu.memref_slice %arg2[%dma_start3A_158, %dma_start3A_159] : memref<10000x128xf32, #tpu.memory_space<hbm>> -> memref<10000x128xf32, #tpu.memory_space<hbm>>
          tpu.enqueue_indirect_dma source(%dma_start3A_160 : memref<10000x128xf32, #tpu.memory_space<hbm>>) target(%arg10 : memref<128x128xf32, #tpu.memory_space<vmem>>) offsets(%dma_start3A_157 : memref<128xi32, #tpu.memory_space<vmem>>) semaphore(%arg13 : memref<!tpu.dma_semaphore, #tpu.memory_space<semaphore_mem>>)
        } else {
        }
        %scan3A_135 = arith.constant 0 : i32
        %scan3A_136 = arith.constant 0 : i32
        %scan3A_137 = arith.constant 64 : i32
        %scan3A_138 = arith.addi %scan3A_136, %scan3A_137 : i32
        %scan3A_139 = arith.constant 1 : i32
        scf.for %scan3A_147 = %scan3A_136 to %scan3A_138 step %scan3A_139  : i32 {
          %mul3A_148 = arith.constant 2 : i32
          %mul3A_149 = arith.muli %scan3A_147, %mul3A_148 : i32
          %add3A_150 = arith.constant 0 : i32
          %add3A_151 = arith.addi %mul3A_149, %add3A_150 : i32
          %broadcast_in_dim3A_152 = vector.broadcast %add3A_97 : i32 to vector<16xi32>
          %broadcast_in_dim3A_153 = vector.broadcast %add3A_151 : i32 to vector<16xi32>
          %gather3A = tpu.vector_load_idx %arg9[%broadcast_in_dim3A_152, %broadcast_in_dim3A_153] : memref<8x128xf32, #tpu.memory_space<vmem>>[vector<16xi32>, vector<16xi32>], vector<16xf32>,
          %get3A = arith.index_cast %add3A_151 : i32 to index
          %get3A_154 = arith.constant 0 : index
          %get3A_155 = tpu.vector_load %arg11[%get3A, %get3A_154] {strides = array<i32>} : memref<128x128xf32, #tpu.memory_space<vmem>>, vector<16xf32>,
          %mul3A_156 = arith.mulf %get3A_155, %gather3A : vector<16xf32>
          %swap3A = arith.index_cast %add3A_151 : i32 to index
          %swap3A_157 = arith.constant 0 : index
          %swap3A_158 = tpu.vector_load %arg11[%swap3A, %swap3A_157] {strides = array<i32>} : memref<128x128xf32, #tpu.memory_space<vmem>>, vector<16xf32>,
          tpu.vector_store %arg11[%swap3A, %swap3A_157], %mul3A_156 {strides = array<i32>} : memref<128x128xf32, #tpu.memory_space<vmem>>, vector<16xf32>,
          %get3A_159 = arith.index_cast %add3A_151 : i32 to index
          %get3A_160 = arith.constant 16 : index
          %get3A_161 = tpu.vector_load %arg11[%get3A_159, %get3A_160] {strides = array<i32>} : memref<128x128xf32, #tpu.memory_space<vmem>>, vector<16xf32>,
          %mul3A_162 = arith.mulf %get3A_161, %gather3A : vector<16xf32>
          %swap3A_163 = arith.index_cast %add3A_151 : i32 to index
          %swap3A_164 = arith.constant 16 : index
          %swap3A_165 = tpu.vector_load %arg11[%swap3A_163, %swap3A_164] {strides = array<i32>} : memref<128x128xf32, #tpu.memory_space<vmem>>, vector<16xf32>,
          tpu.vector_store %arg11[%swap3A_163, %swap3A_164], %mul3A_162 {strides = array<i32>} : memref<128x128xf32, #tpu.memory_space<vmem>>, vector<16xf32>,
          %get3A_166 = arith.index_cast %add3A_151 : i32 to index
          %get3A_167 = arith.constant 32 : index
          %get3A_168 = tpu.vector_load %arg11[%get3A_166, %get3A_167] {strides = array<i32>} : memref<128x128xf32, #tpu.memory_space<vmem>>, vector<16xf32>,
          %mul3A_169 = arith.mulf %get3A_168, %gather3A : vector<16xf32>
          %swap3A_170 = arith.index_cast %add3A_151 : i32 to index
          %swap3A_171 = arith.constant 32 : index
          %swap3A_172 = tpu.vector_load %arg11[%swap3A_170, %swap3A_171] {strides = array<i32>} : memref<128x128xf32, #tpu.memory_space<vmem>>, vector<16xf32>,
          tpu.vector_store %arg11[%swap3A_170, %swap3A_171], %mul3A_169 {strides = array<i32>} : memref<128x128xf32, #tpu.memory_space<vmem>>, vector<16xf32>,
          %get3A_173 = arith.index_cast %add3A_151 : i32 to index
          %get3A_174 = arith.constant 48 : index
          %get3A_175 = tpu.vector_load %arg11[%get3A_173, %get3A_174] {strides = array<i32>} : memref<128x128xf32, #tpu.memory_space<vmem>>, vector<16xf32>,
          %mul3A_176 = arith.mulf %get3A_175, %gather3A : vector<16xf32>
          %swap3A_177 = arith.index_cast %add3A_151 : i32 to index
          %swap3A_178 = arith.constant 48 : index
          %swap3A_179 = tpu.vector_load %arg11[%swap3A_177, %swap3A_178] {strides = array<i32>} : memref<128x128xf32, #tpu.memory_space<vmem>>, vector<16xf32>,
          tpu.vector_store %arg11[%swap3A_177, %swap3A_178], %mul3A_176 {strides = array<i32>} : memref<128x128xf32, #tpu.memory_space<vmem>>, vector<16xf32>,
          %get3A_180 = arith.index_cast %add3A_151 : i32 to index
          %get3A_181 = arith.constant 64 : index
          %get3A_182 = tpu.vector_load %arg11[%get3A_180, %get3A_181] {strides = array<i32>} : memref<128x128xf32, #tpu.memory_space<vmem>>, vector<16xf32>,
          %mul3A_183 = arith.mulf %get3A_182, %gather3A : vector<16xf32>
          %swap3A_184 = arith.index_cast %add3A_151 : i32 to index
          %swap3A_185 = arith.constant 64 : index
          %swap3A_186 = tpu.vector_load %arg11[%swap3A_184, %swap3A_185] {strides = array<i32>} : memref<128x128xf32, #tpu.memory_space<vmem>>, vector<16xf32>,
          tpu.vector_store %arg11[%swap3A_184, %swap3A_185], %mul3A_183 {strides = array<i32>} : memref<128x128xf32, #tpu.memory_space<vmem>>, vector<16xf32>,
          %get3A_187 = arith.index_cast %add3A_151 : i32 to index
          %get3A_188 = arith.constant 80 : index
          %get3A_189 = tpu.vector_load %arg11[%get3A_187, %get3A_188] {strides = array<i32>} : memref<128x128xf32, #tpu.memory_space<vmem>>, vector<16xf32>,
          %mul3A_190 = arith.mulf %get3A_189, %gather3A : vector<16xf32>
          %swap3A_191 = arith.index_cast %add3A_151 : i32 to index
          %swap3A_192 = arith.constant 80 : index
          %swap3A_193 = tpu.vector_load %arg11[%swap3A_191, %swap3A_192] {strides = array<i32>} : memref<128x128xf32, #tpu.memory_space<vmem>>, vector<16xf32>,
          tpu.vector_store %arg11[%swap3A_191, %swap3A_192], %mul3A_190 {strides = array<i32>} : memref<128x128xf32, #tpu.memory_space<vmem>>, vector<16xf32>,
          %get3A_194 = arith.index_cast %add3A_151 : i32 to index
          %get3A_195 = arith.constant 96 : index
          %get3A_196 = tpu.vector_load %arg11[%get3A_194, %get3A_195] {strides = array<i32>} : memref<128x128xf32, #tpu.memory_space<vmem>>, vector<16xf32>,
          %mul3A_197 = arith.mulf %get3A_196, %gather3A : vector<16xf32>
          %swap3A_198 = arith.index_cast %add3A_151 : i32 to index
          %swap3A_199 = arith.constant 96 : index
          %swap3A_200 = tpu.vector_load %arg11[%swap3A_198, %swap3A_199] {strides = array<i32>} : memref<128x128xf32, #tpu.memory_space<vmem>>, vector<16xf32>,
          tpu.vector_store %arg11[%swap3A_198, %swap3A_199], %mul3A_197 {strides = array<i32>} : memref<128x128xf32, #tpu.memory_space<vmem>>, vector<16xf32>,
          %get3A_201 = arith.index_cast %add3A_151 : i32 to index
          %get3A_202 = arith.constant 112 : index
          %get3A_203 = tpu.vector_load %arg11[%get3A_201, %get3A_202] {strides = array<i32>} : memref<128x128xf32, #tpu.memory_space<vmem>>, vector<16xf32>,
          %mul3A_204 = arith.mulf %get3A_203, %gather3A : vector<16xf32>
          %swap3A_205 = arith.index_cast %add3A_151 : i32 to index
          %swap3A_206 = arith.constant 112 : index
          %swap3A_207 = tpu.vector_load %arg11[%swap3A_205, %swap3A_206] {strides = array<i32>} : memref<128x128xf32, #tpu.memory_space<vmem>>, vector<16xf32>,
          tpu.vector_store %arg11[%swap3A_205, %swap3A_206], %mul3A_204 {strides = array<i32>} : memref<128x128xf32, #tpu.memory_space<vmem>>, vector<16xf32>,
          %mul3A_208 = arith.constant 2 : i32
          %mul3A_209 = arith.muli %scan3A_147, %mul3A_208 : i32
          %add3A_210 = arith.constant 1 : i32
          %add3A_211 = arith.addi %mul3A_209, %add3A_210 : i32
          %broadcast_in_dim3A_212 = vector.broadcast %add3A_97 : i32 to vector<16xi32>
          %broadcast_in_dim3A_213 = vector.broadcast %add3A_211 : i32 to vector<16xi32>
          %gather3A_214 = tpu.vector_load_idx %arg9[%broadcast_in_dim3A_212, %broadcast_in_dim3A_213] : memref<8x128xf32, #tpu.memory_space<vmem>>[vector<16xi32>, vector<16xi32>], vector<16xf32>,
          %get3A_215 = arith.index_cast %add3A_211 : i32 to index
          %get3A_216 = arith.constant 0 : index
          %get3A_217 = tpu.vector_load %arg11[%get3A_215, %get3A_216] {strides = array<i32>} : memref<128x128xf32, #tpu.memory_space<vmem>>, vector<16xf32>,
          %mul3A_218 = arith.mulf %get3A_217, %gather3A_214 : vector<16xf32>
          %swap3A_219 = arith.index_cast %add3A_211 : i32 to index
          %swap3A_220 = arith.constant 0 : index
          %swap3A_221 = tpu.vector_load %arg11[%swap3A_219, %swap3A_220] {strides = array<i32>} : memref<128x128xf32, #tpu.memory_space<vmem>>, vector<16xf32>,
          tpu.vector_store %arg11[%swap3A_219, %swap3A_220], %mul3A_218 {strides = array<i32>} : memref<128x128xf32, #tpu.memory_space<vmem>>, vector<16xf32>,
          %get3A_222 = arith.index_cast %add3A_211 : i32 to index
          %get3A_223 = arith.constant 16 : index
          %get3A_224 = tpu.vector_load %arg11[%get3A_222, %get3A_223] {strides = array<i32>} : memref<128x128xf32, #tpu.memory_space<vmem>>, vector<16xf32>,
          %mul3A_225 = arith.mulf %get3A_224, %gather3A_214 : vector<16xf32>
          %swap3A_226 = arith.index_cast %add3A_211 : i32 to index
          %swap3A_227 = arith.constant 16 : index
          %swap3A_228 = tpu.vector_load %arg11[%swap3A_226, %swap3A_227] {strides = array<i32>} : memref<128x128xf32, #tpu.memory_space<vmem>>, vector<16xf32>,
          tpu.vector_store %arg11[%swap3A_226, %swap3A_227], %mul3A_225 {strides = array<i32>} : memref<128x128xf32, #tpu.memory_space<vmem>>, vector<16xf32>,
          %get3A_229 = arith.index_cast %add3A_211 : i32 to index
          %get3A_230 = arith.constant 32 : index
          %get3A_231 = tpu.vector_load %arg11[%get3A_229, %get3A_230] {strides = array<i32>} : memref<128x128xf32, #tpu.memory_space<vmem>>, vector<16xf32>,
          %mul3A_232 = arith.mulf %get3A_231, %gather3A_214 : vector<16xf32>
          %swap3A_233 = arith.index_cast %add3A_211 : i32 to index
          %swap3A_234 = arith.constant 32 : index
          %swap3A_235 = tpu.vector_load %arg11[%swap3A_233, %swap3A_234] {strides = array<i32>} : memref<128x128xf32, #tpu.memory_space<vmem>>, vector<16xf32>,
          tpu.vector_store %arg11[%swap3A_233, %swap3A_234], %mul3A_232 {strides = array<i32>} : memref<128x128xf32, #tpu.memory_space<vmem>>, vector<16xf32>,
          %get3A_236 = arith.index_cast %add3A_211 : i32 to index
          %get3A_237 = arith.constant 48 : index
          %get3A_238 = tpu.vector_load %arg11[%get3A_236, %get3A_237] {strides = array<i32>} : memref<128x128xf32, #tpu.memory_space<vmem>>, vector<16xf32>,
          %mul3A_239 = arith.mulf %get3A_238, %gather3A_214 : vector<16xf32>
          %swap3A_240 = arith.index_cast %add3A_211 : i32 to index
          %swap3A_241 = arith.constant 48 : index
          %swap3A_242 = tpu.vector_load %arg11[%swap3A_240, %swap3A_241] {strides = array<i32>} : memref<128x128xf32, #tpu.memory_space<vmem>>, vector<16xf32>,
          tpu.vector_store %arg11[%swap3A_240, %swap3A_241], %mul3A_239 {strides = array<i32>} : memref<128x128xf32, #tpu.memory_space<vmem>>, vector<16xf32>,
          %get3A_243 = arith.index_cast %add3A_211 : i32 to index
          %get3A_244 = arith.constant 64 : index
          %get3A_245 = tpu.vector_load %arg11[%get3A_243, %get3A_244] {strides = array<i32>} : memref<128x128xf32, #tpu.memory_space<vmem>>, vector<16xf32>,
          %mul3A_246 = arith.mulf %get3A_245, %gather3A_214 : vector<16xf32>
          %swap3A_247 = arith.index_cast %add3A_211 : i32 to index
          %swap3A_248 = arith.constant 64 : index
          %swap3A_249 = tpu.vector_load %arg11[%swap3A_247, %swap3A_248] {strides = array<i32>} : memref<128x128xf32, #tpu.memory_space<vmem>>, vector<16xf32>,
          tpu.vector_store %arg11[%swap3A_247, %swap3A_248], %mul3A_246 {strides = array<i32>} : memref<128x128xf32, #tpu.memory_space<vmem>>, vector<16xf32>,
          %get3A_250 = arith.index_cast %add3A_211 : i32 to index
          %get3A_251 = arith.constant 80 : index
          %get3A_252 = tpu.vector_load %arg11[%get3A_250, %get3A_251] {strides = array<i32>} : memref<128x128xf32, #tpu.memory_space<vmem>>, vector<16xf32>,
          %mul3A_253 = arith.mulf %get3A_252, %gather3A_214 : vector<16xf32>
          %swap3A_254 = arith.index_cast %add3A_211 : i32 to index
          %swap3A_255 = arith.constant 80 : index
          %swap3A_256 = tpu.vector_load %arg11[%swap3A_254, %swap3A_255] {strides = array<i32>} : memref<128x128xf32, #tpu.memory_space<vmem>>, vector<16xf32>,
          tpu.vector_store %arg11[%swap3A_254, %swap3A_255], %mul3A_253 {strides = array<i32>} : memref<128x128xf32, #tpu.memory_space<vmem>>, vector<16xf32>,
          %get3A_257 = arith.index_cast %add3A_211 : i32 to index
          %get3A_258 = arith.constant 96 : index
          %get3A_259 = tpu.vector_load %arg11[%get3A_257, %get3A_258] {strides = array<i32>} : memref<128x128xf32, #tpu.memory_space<vmem>>, vector<16xf32>,
          %mul3A_260 = arith.mulf %get3A_259, %gather3A_214 : vector<16xf32>
          %swap3A_261 = arith.index_cast %add3A_211 : i32 to index
          %swap3A_262 = arith.constant 96 : index
          %swap3A_263 = tpu.vector_load %arg11[%swap3A_261, %swap3A_262] {strides = array<i32>} : memref<128x128xf32, #tpu.memory_space<vmem>>, vector<16xf32>,
          tpu.vector_store %arg11[%swap3A_261, %swap3A_262], %mul3A_260 {strides = array<i32>} : memref<128x128xf32, #tpu.memory_space<vmem>>, vector<16xf32>,
          %get3A_264 = arith.index_cast %add3A_211 : i32 to index
          %get3A_265 = arith.constant 112 : index
          %get3A_266 = tpu.vector_load %arg11[%get3A_264, %get3A_265] {strides = array<i32>} : memref<128x128xf32, #tpu.memory_space<vmem>>, vector<16xf32>,
          %mul3A_267 = arith.mulf %get3A_266, %gather3A_214 : vector<16xf32>
          %swap3A_268 = arith.index_cast %add3A_211 : i32 to index
          %swap3A_269 = arith.constant 112 : index
          %swap3A_270 = tpu.vector_load %arg11[%swap3A_268, %swap3A_269] {strides = array<i32>} : memref<128x128xf32, #tpu.memory_space<vmem>>, vector<16xf32>,
          tpu.vector_store %arg11[%swap3A_268, %swap3A_269], %mul3A_267 {strides = array<i32>} : memref<128x128xf32, #tpu.memory_space<vmem>>, vector<16xf32>,
        }
        %scan3A_140 = arith.constant 64 : i32
        %dma_start3A_141 = arith.constant 0 : i32
        %dma_start3A_142 = tpu.memref_slice %arg8[%add3A_97, %dma_start3A_141] : memref<8x128xi32, #tpu.memory_space<vmem>> -> memref<1x128xi32, #tpu.memory_space<vmem>>
        %dma_start3A_143 = tpu.memref_squeeze %dma_start3A_142 : memref<1x128xi32, #tpu.memory_space<vmem>> -> memref<128xi32, #tpu.memory_space<vmem>>
        %dma_start3A_144 = arith.constant 0 : i32
        %dma_start3A_145 = arith.constant 0 : i32
        %dma_start3A_146 = tpu.memref_slice %arg12[%dma_start3A_144, %dma_start3A_145] : memref<10000x128xf32, #tpu.memory_space<vmem_shared>> -> memref<10000x128xf32, #tpu.memory_space<vmem_shared>>
        tpu.enqueue_indirect_dma source(%arg11 : memref<128x128xf32, #tpu.memory_space<vmem>>) target(%dma_start3A_146 : memref<10000x128xf32, #tpu.memory_space<vmem_shared>>) offsets(%dma_start3A_143 : memref<128xi32, #tpu.memory_space<vmem>>) semaphore(%arg16 : memref<!tpu.dma_semaphore, #tpu.memory_space<semaphore_mem>>) {add = true}
      }
      %scan3A_79 = arith.constant 4 : i32
      %dma_wait3A = arith.constant 6 : i32
      %dma_wait3A_80 = arith.constant 0 : i32
      %dma_wait3A_81 = tpu.memref_slice %arg8[%dma_wait3A, %dma_wait3A_80] : memref<8x128xi32, #tpu.memory_space<vmem>> -> memref<1x128xi32, #tpu.memory_space<vmem>>
      %dma_wait3A_82 = tpu.memref_squeeze %dma_wait3A_81 : memref<1x128xi32, #tpu.memory_space<vmem>> -> memref<128xi32, #tpu.memory_space<vmem>>
      %dma_wait3A_83 = arith.constant 0 : i32
      %dma_wait3A_84 = arith.constant 0 : i32
      %dma_wait3A_85 = tpu.memref_slice %arg12[%dma_wait3A_83, %dma_wait3A_84] : memref<10000x128xf32, #tpu.memory_space<vmem_shared>> -> memref<10000x128xf32, #tpu.memory_space<vmem_shared>>
      tpu.wait_indirect_dma semaphore(%arg15 : memref<!tpu.dma_semaphore, #tpu.memory_space<semaphore_mem>>) src(%arg10 : memref<128x128xf32, #tpu.memory_space<vmem>>) dst(%dma_wait3A_85 : memref<10000x128xf32, #tpu.memory_space<vmem_shared>>)
      %dma_wait3A_86 = arith.constant 7 : i32
      %dma_wait3A_87 = arith.constant 0 : i32
      %dma_wait3A_88 = tpu.memref_slice %arg8[%dma_wait3A_86, %dma_wait3A_87] : memref<8x128xi32, #tpu.memory_space<vmem>> -> memref<1x128xi32, #tpu.memory_space<vmem>>
      %dma_wait3A_89 = tpu.memref_squeeze %dma_wait3A_88 : memref<1x128xi32, #tpu.memory_space<vmem>> -> memref<128xi32, #tpu.memory_space<vmem>>
      %dma_wait3A_90 = arith.constant 0 : i32
      %dma_wait3A_91 = arith.constant 0 : i32
      %dma_wait3A_92 = tpu.memref_slice %arg12[%dma_wait3A_90, %dma_wait3A_91] : memref<10000x128xf32, #tpu.memory_space<vmem_shared>> -> memref<10000x128xf32, #tpu.memory_space<vmem_shared>>
      tpu.wait_indirect_dma semaphore(%arg16 : memref<!tpu.dma_semaphore, #tpu.memory_space<semaphore_mem>>) src(%arg11 : memref<128x128xf32, #tpu.memory_space<vmem>>) dst(%dma_wait3A_92 : memref<10000x128xf32, #tpu.memory_space<vmem_shared>>)
    }
    %barrier3A_51 = arith.constant 0 : index
    tpu.barrier barrier_id(%barrier3A_51)
    %while3A_52 = arith.constant 0 : i32
    %while3A_53 = arith.constant 0 : i32
    %while3A_54 = arith.subi %select_n3A, %while3A_53 : i32
    %while3A_55 = arith.addi %while3A_53, %while3A_54 : i32
    %while3A_56 = arith.constant 1 : i32
    %while3A_57 = arith.divsi %while3A_54, %while3A_56 : i32
    %while3A_58 = arith.muli %while3A_57, %while3A_56 : i32
    %while3A_59 = arith.addi %while3A_53, %while3A_58 : i32
    %while3A_60 = arith.constant 1 : i32
    scf.for %while3A_62 = %while3A_53 to %while3A_59 step %while3A_60  : i32 {
      %mul3A_63 = arith.constant 16 : i32
      %mul3A_64 = arith.muli %while3A_62, %mul3A_63 : i32
      %add3A_65 = arith.addi %arg1, %mul3A_64 : i32
      %mul3A_66 = arith.constant 80 : i32
      %mul3A_67 = arith.muli %add3A_65, %mul3A_66 : i32
      "tpu.region"() ({
        %run_scoped3A = tpu.sem_alloc : memref<!tpu.dma_semaphore, #tpu.memory_space<semaphore_mem>>
        %dma_start3A = arith.constant 0 : i32
        %dma_start3A_71 = arith.constant 0 : i32
        %dma_start3A_72 = tpu.memref_slice %arg10[%dma_start3A, %dma_start3A_71] : memref<128x128xf32, #tpu.memory_space<vmem>> -> memref<80x128xf32, #tpu.memory_space<vmem>>
        %dma_start3A_73 = arith.constant 0 : i32
        %dma_start3A_74 = tpu.memref_slice %arg12[%mul3A_67, %dma_start3A_73] : memref<10000x128xf32, #tpu.memory_space<vmem_shared>> -> memref<80x128xf32, #tpu.memory_space<vmem_shared>>
        %dma_start3A_75 = arith.constant 0 : i32
        %dma_start3A_76 = arith.constant 0 : i32
        %dma_start3A_77 = tpu.memref_slice %arg10[%dma_start3A_75, %dma_start3A_76] : memref<128x128xf32, #tpu.memory_space<vmem>> -> memref<80x128xf32, #tpu.memory_space<vmem>>
        %dma_start3A_78 = arith.constant 0 : i32
        %dma_start3A_79 = tpu.memref_slice %arg12[%mul3A_67, %dma_start3A_78] : memref<10000x128xf32, #tpu.memory_space<vmem_shared>> -> memref<80x128xf32, #tpu.memory_space<vmem_shared>>
        tpu.enqueue_dma source(%dma_start3A_79 : memref<80x128xf32, #tpu.memory_space<vmem_shared>>) target(%dma_start3A_77 : memref<80x128xf32, #tpu.memory_space<vmem>>) target_semaphore(%run_scoped3A : memref<!tpu.dma_semaphore, #tpu.memory_space<semaphore_mem>>)
        %dma_wait3A = arith.constant 0 : i32
        %dma_wait3A_80 = arith.constant 0 : i32
        %dma_wait3A_81 = tpu.memref_slice %arg10[%dma_wait3A, %dma_wait3A_80] : memref<128x128xf32, #tpu.memory_space<vmem>> -> memref<80x128xf32, #tpu.memory_space<vmem>>
        %dma_wait3A_82 = arith.constant 0 : i32
        %dma_wait3A_83 = tpu.memref_slice %arg12[%mul3A_67, %dma_wait3A_82] : memref<10000x128xf32, #tpu.memory_space<vmem_shared>> -> memref<80x128xf32, #tpu.memory_space<vmem_shared>>
        %dma_wait3A_84 = arith.constant 0 : i32
        %dma_wait3A_85 = arith.constant 0 : i32
        %dma_wait3A_86 = tpu.memref_slice %arg10[%dma_wait3A_84, %dma_wait3A_85] : memref<128x128xf32, #tpu.memory_space<vmem>> -> memref<80x128xf32, #tpu.memory_space<vmem>>
        %dma_wait3A_87 = arith.constant 0 : i32
        %dma_wait3A_88 = tpu.memref_slice %arg12[%mul3A_67, %dma_wait3A_87] : memref<10000x128xf32, #tpu.memory_space<vmem_shared>> -> memref<80x128xf32, #tpu.memory_space<vmem_shared>>
        tpu.wait_dma2 semaphore(%run_scoped3A : memref<!tpu.dma_semaphore, #tpu.memory_space<semaphore_mem>>) src(%dma_wait3A_88 : memref<80x128xf32, #tpu.memory_space<vmem_shared>>) dst(%dma_wait3A_86 : memref<80x128xf32, #tpu.memory_space<vmem>>)
        tpu.yield
      }) : () -> ()
      %mul3A_68 = arith.constant 10000 : i32
      %mul3A_69 = arith.muli %arg0, %mul3A_68 : i32
      %add3A_70 = arith.addi %mul3A_69, %mul3A_67 : i32
      "tpu.region"() ({
        %run_scoped3A = tpu.sem_alloc : memref<!tpu.dma_semaphore, #tpu.memory_space<semaphore_mem>>
        %dma_start3A = arith.constant 0 : i32
        %dma_start3A_71 = arith.constant 0 : i32
        %dma_start3A_72 = tpu.memref_slice %arg10[%dma_start3A, %dma_start3A_71] : memref<128x128xf32, #tpu.memory_space<vmem>> -> memref<80x128xf32, #tpu.memory_space<vmem>>
        %dma_start3A_73 = arith.constant 0 : i32
        %dma_start3A_74 = tpu.memref_slice %arg6[%add3A_70, %dma_start3A_73] : memref<20000x128xf32, #tpu.memory_space<hbm>> -> memref<80x128xf32, #tpu.memory_space<hbm>>
        %dma_start3A_75 = arith.constant 0 : i32
        %dma_start3A_76 = tpu.memref_slice %arg6[%add3A_70, %dma_start3A_75] : memref<20000x128xf32, #tpu.memory_space<hbm>> -> memref<80x128xf32, #tpu.memory_space<hbm>>
        %dma_start3A_77 = arith.constant 0 : i32
        %dma_start3A_78 = arith.constant 0 : i32
        %dma_start3A_79 = tpu.memref_slice %arg10[%dma_start3A_77, %dma_start3A_78] : memref<128x128xf32, #tpu.memory_space<vmem>> -> memref<80x128xf32, #tpu.memory_space<vmem>>
        tpu.enqueue_dma source(%dma_start3A_79 : memref<80x128xf32, #tpu.memory_space<vmem>>) target(%dma_start3A_76 : memref<80x128xf32, #tpu.memory_space<hbm>>) target_semaphore(%run_scoped3A : memref<!tpu.dma_semaphore, #tpu.memory_space<semaphore_mem>>)
        %dma_wait3A = arith.constant 0 : i32
        %dma_wait3A_80 = arith.constant 0 : i32
        %dma_wait3A_81 = tpu.memref_slice %arg10[%dma_wait3A, %dma_wait3A_80] : memref<128x128xf32, #tpu.memory_space<vmem>> -> memref<80x128xf32, #tpu.memory_space<vmem>>
        %dma_wait3A_82 = arith.constant 0 : i32
        %dma_wait3A_83 = tpu.memref_slice %arg6[%add3A_70, %dma_wait3A_82] : memref<20000x128xf32, #tpu.memory_space<hbm>> -> memref<80x128xf32, #tpu.memory_space<hbm>>
        %dma_wait3A_84 = arith.constant 0 : i32
        %dma_wait3A_85 = tpu.memref_slice %arg6[%add3A_70, %dma_wait3A_84] : memref<20000x128xf32, #tpu.memory_space<hbm>> -> memref<80x128xf32, #tpu.memory_space<hbm>>
        %dma_wait3A_86 = arith.constant 0 : i32
        %dma_wait3A_87 = arith.constant 0 : i32
        %dma_wait3A_88 = tpu.memref_slice %arg10[%dma_wait3A_86, %dma_wait3A_87] : memref<128x128xf32, #tpu.memory_space<vmem>> -> memref<80x128xf32, #tpu.memory_space<vmem>>
        tpu.wait_dma2 semaphore(%run_scoped3A : memref<!tpu.dma_semaphore, #tpu.memory_space<semaphore_mem>>) src(%dma_wait3A_88 : memref<80x128xf32, #tpu.memory_space<vmem>>) dst(%dma_wait3A_85 : memref<80x128xf32, #tpu.memory_space<hbm>>)
        tpu.yield
      }) : () -> ()
    }
    %while3A_61 = arith.constant 1 : i32
    scf.for %while3A_62 = %while3A_59 to %while3A_55 step %while3A_61  : i32 {
      %mul3A_63 = arith.constant 16 : i32
      %mul3A_64 = arith.muli %while3A_62, %mul3A_63 : i32
      %add3A_65 = arith.addi %arg1, %mul3A_64 : i32
      %mul3A_66 = arith.constant 80 : i32
      %mul3A_67 = arith.muli %add3A_65, %mul3A_66 : i32
      "tpu.region"() ({
        %run_scoped3A = tpu.sem_alloc : memref<!tpu.dma_semaphore, #tpu.memory_space<semaphore_mem>>
        %dma_start3A = arith.constant 0 : i32
        %dma_start3A_71 = arith.constant 0 : i32
        %dma_start3A_72 = tpu.memref_slice %arg10[%dma_start3A, %dma_start3A_71] : memref<128x128xf32, #tpu.memory_space<vmem>> -> memref<80x128xf32, #tpu.memory_space<vmem>>
        %dma_start3A_73 = arith.constant 0 : i32
        %dma_start3A_74 = tpu.memref_slice %arg12[%mul3A_67, %dma_start3A_73] : memref<10000x128xf32, #tpu.memory_space<vmem_shared>> -> memref<80x128xf32, #tpu.memory_space<vmem_shared>>
        %dma_start3A_75 = arith.constant 0 : i32
        %dma_start3A_76 = arith.constant 0 : i32
        %dma_start3A_77 = tpu.memref_slice %arg10[%dma_start3A_75, %dma_start3A_76] : memref<128x128xf32, #tpu.memory_space<vmem>> -> memref<80x128xf32, #tpu.memory_space<vmem>>
        %dma_start3A_78 = arith.constant 0 : i32
        %dma_start3A_79 = tpu.memref_slice %arg12[%mul3A_67, %dma_start3A_78] : memref<10000x128xf32, #tpu.memory_space<vmem_shared>> -> memref<80x128xf32, #tpu.memory_space<vmem_shared>>
        tpu.enqueue_dma source(%dma_start3A_79 : memref<80x128xf32, #tpu.memory_space<vmem_shared>>) target(%dma_start3A_77 : memref<80x128xf32, #tpu.memory_space<vmem>>) target_semaphore(%run_scoped3A : memref<!tpu.dma_semaphore, #tpu.memory_space<semaphore_mem>>)
        %dma_wait3A = arith.constant 0 : i32
        %dma_wait3A_80 = arith.constant 0 : i32
        %dma_wait3A_81 = tpu.memref_slice %arg10[%dma_wait3A, %dma_wait3A_80] : memref<128x128xf32, #tpu.memory_space<vmem>> -> memref<80x128xf32, #tpu.memory_space<vmem>>
        %dma_wait3A_82 = arith.constant 0 : i32
        %dma_wait3A_83 = tpu.memref_slice %arg12[%mul3A_67, %dma_wait3A_82] : memref<10000x128xf32, #tpu.memory_space<vmem_shared>> -> memref<80x128xf32, #tpu.memory_space<vmem_shared>>
        %dma_wait3A_84 = arith.constant 0 : i32
        %dma_wait3A_85 = arith.constant 0 : i32
        %dma_wait3A_86 = tpu.memref_slice %arg10[%dma_wait3A_84, %dma_wait3A_85] : memref<128x128xf32, #tpu.memory_space<vmem>> -> memref<80x128xf32, #tpu.memory_space<vmem>>
        %dma_wait3A_87 = arith.constant 0 : i32
        %dma_wait3A_88 = tpu.memref_slice %arg12[%mul3A_67, %dma_wait3A_87] : memref<10000x128xf32, #tpu.memory_space<vmem_shared>> -> memref<80x128xf32, #tpu.memory_space<vmem_shared>>
        tpu.wait_dma2 semaphore(%run_scoped3A : memref<!tpu.dma_semaphore, #tpu.memory_space<semaphore_mem>>) src(%dma_wait3A_88 : memref<80x128xf32, #tpu.memory_space<vmem_shared>>) dst(%dma_wait3A_86 : memref<80x128xf32, #tpu.memory_space<vmem>>)
        tpu.yield
      }) : () -> ()
      %mul3A_68 = arith.constant 10000 : i32
      %mul3A_69 = arith.muli %arg0, %mul3A_68 : i32
      %add3A_70 = arith.addi %mul3A_69, %mul3A_67 : i32
      "tpu.region"() ({
        %run_scoped3A = tpu.sem_alloc : memref<!tpu.dma_semaphore, #tpu.memory_space<semaphore_mem>>
        %dma_start3A = arith.constant 0 : i32
        %dma_start3A_71 = arith.constant 0 : i32
        %dma_start3A_72 = tpu.memref_slice %arg10[%dma_start3A, %dma_start3A_71] : memref<128x128xf32, #tpu.memory_space<vmem>> -> memref<80x128xf32, #tpu.memory_space<vmem>>
        %dma_start3A_73 = arith.constant 0 : i32
        %dma_start3A_74 = tpu.memref_slice %arg6[%add3A_70, %dma_start3A_73] : memref<20000x128xf32, #tpu.memory_space<hbm>> -> memref<80x128xf32, #tpu.memory_space<hbm>>
        %dma_start3A_75 = arith.constant 0 : i32
        %dma_start3A_76 = tpu.memref_slice %arg6[%add3A_70, %dma_start3A_75] : memref<20000x128xf32, #tpu.memory_space<hbm>> -> memref<80x128xf32, #tpu.memory_space<hbm>>
        %dma_start3A_77 = arith.constant 0 : i32
        %dma_start3A_78 = arith.constant 0 : i32
        %dma_start3A_79 = tpu.memref_slice %arg10[%dma_start3A_77, %dma_start3A_78] : memref<128x128xf32, #tpu.memory_space<vmem>> -> memref<80x128xf32, #tpu.memory_space<vmem>>
        tpu.enqueue_dma source(%dma_start3A_79 : memref<80x128xf32, #tpu.memory_space<vmem>>) target(%dma_start3A_76 : memref<80x128xf32, #tpu.memory_space<hbm>>) target_semaphore(%run_scoped3A : memref<!tpu.dma_semaphore, #tpu.memory_space<semaphore_mem>>)
        %dma_wait3A = arith.constant 0 : i32
        %dma_wait3A_80 = arith.constant 0 : i32
        %dma_wait3A_81 = tpu.memref_slice %arg10[%dma_wait3A, %dma_wait3A_80] : memref<128x128xf32, #tpu.memory_space<vmem>> -> memref<80x128xf32, #tpu.memory_space<vmem>>
        %dma_wait3A_82 = arith.constant 0 : i32
        %dma_wait3A_83 = tpu.memref_slice %arg6[%add3A_70, %dma_wait3A_82] : memref<20000x128xf32, #tpu.memory_space<hbm>> -> memref<80x128xf32, #tpu.memory_space<hbm>>
        %dma_wait3A_84 = arith.constant 0 : i32
        %dma_wait3A_85 = tpu.memref_slice %arg6[%add3A_70, %dma_wait3A_84] : memref<20000x128xf32, #tpu.memory_space<hbm>> -> memref<80x128xf32, #tpu.memory_space<hbm>>
        %dma_wait3A_86 = arith.constant 0 : i32
        %dma_wait3A_87 = arith.constant 0 : i32
        %dma_wait3A_88 = tpu.memref_slice %arg10[%dma_wait3A_86, %dma_wait3A_87] : memref<128x128xf32, #tpu.memory_space<vmem>> -> memref<80x128xf32, #tpu.memory_space<vmem>>
        tpu.wait_dma2 semaphore(%run_scoped3A : memref<!tpu.dma_semaphore, #tpu.memory_space<semaphore_mem>>) src(%dma_wait3A_88 : memref<80x128xf32, #tpu.memory_space<vmem>>) dst(%dma_wait3A_85 : memref<80x128xf32, #tpu.memory_space<hbm>>)
        tpu.yield
      }) : () -> ()
    }
    return
  }
}

module attributes {stable_mosaic.version = 14 : i64} {
  func.func @_tc_prep_body(%arg0: i32, %arg1: memref<1000x128xf32, #tpu.memory_space<vmem>>, %arg2: memref<128x128xf32, #tpu.memory_space<vmem>>, %arg3: memref<128x1xf32, #tpu.memory_space<vmem>>, %arg4: memref<128x1xf32, #tpu.memory_space<vmem>>, %arg5: memref<1000x128xf32, #tpu.memory_space<vmem>>, %arg6: memref<1000x1xf32, #tpu.memory_space<vmem>>, %arg7: memref<1000x1xf32, #tpu.memory_space<vmem>>, %arg8: memref<1x1xf32, #tpu.memory_space<smem>>) attributes {dimension_semantics = [#tpu.dimension_semantics<arbitrary>], iteration_bounds = array<i64: 10>, scalar_prefetch = 0 : i64, scratch_operands = 0 : i64, tpu.core_type = #tpu.core_type<tc>, window_params = [{transform_indices = @transform_0, window_bounds = array<i64: 1000, 128>}, {pipeline_mode = #tpu.pipeline_mode<synchronous>, transform_indices = @transform_1, window_bounds = array<i64: 128, 128>}, {pipeline_mode = #tpu.pipeline_mode<synchronous>, transform_indices = @transform_2, window_bounds = array<i64: 128, 1>}, {pipeline_mode = #tpu.pipeline_mode<synchronous>, transform_indices = @transform_3, window_bounds = array<i64: 128, 1>}, {transform_indices = @transform_4, window_bounds = array<i64: 1000, 128>}, {transform_indices = @transform_5, window_bounds = array<i64: 1000, 1>}, {transform_indices = @transform_6, window_bounds = array<i64: 1000, 1>}, {transform_indices = @transform_7, window_bounds = array<i64: 1, 1>}]} {
    %get3A = arith.constant 0 : index
    %get3A_0 = arith.constant 0 : index
    %get3A_1 = vector.load %arg1[%get3A, %get3A_0] : memref<1000x128xf32, #tpu.memory_space<vmem>>, vector<1000x128xf32>
    %get3A_2 = arith.constant 0 : index
    %get3A_3 = arith.constant 0 : index
    %get3A_4 = vector.load %arg2[%get3A_2, %get3A_3] : memref<128x128xf32, #tpu.memory_space<vmem>>, vector<128x128xf32>
    %dot_general3A = arith.constant dense<0.000000e+00> : vector<1000x128xf32>
    %dot_general3A_5 = tpu.matmul %get3A_1, %get3A_4, %dot_general3A {dimension_numbers = #tpu.dot_dimension_numbers<[1], [0], [0], [1], [0, 0, 1, 1], [], []>, transpose_lhs_hint = false} : vector<1000x128xf32>, vector<128x128xf32>, vector<1000x128xf32> -> vector<1000x128xf32>
    %swap3A = arith.constant 0 : index
    %swap3A_6 = arith.constant 0 : index
    %swap3A_7 = vector.load %arg5[%swap3A, %swap3A_6] : memref<1000x128xf32, #tpu.memory_space<vmem>>, vector<1000x128xf32>
    tpu.vector_store %arg5[%swap3A, %swap3A_6], %dot_general3A_5 {strides = array<i32>} : memref<1000x128xf32, #tpu.memory_space<vmem>>, vector<1000x128xf32>,
    %get3A_8 = arith.constant 0 : index
    %get3A_9 = arith.constant 0 : index
    %get3A_10 = vector.load %arg3[%get3A_8, %get3A_9] : memref<128x1xf32, #tpu.memory_space<vmem>>, vector<128x1xf32>
    %dot_general3A_11 = arith.constant dense<0.000000e+00> : vector<1000x1xf32>
    %dot_general3A_12 = tpu.matmul %dot_general3A_5, %get3A_10, %dot_general3A_11 {dimension_numbers = #tpu.dot_dimension_numbers<[1], [0], [0], [1], [0, 0, 1, 1], [], []>, transpose_lhs_hint = false} : vector<1000x128xf32>, vector<128x1xf32>, vector<1000x1xf32> -> vector<1000x1xf32>
    %swap3A_13 = arith.constant 0 : index
    %swap3A_14 = arith.constant 0 : index
    %swap3A_15 = vector.load %arg6[%swap3A_13, %swap3A_14] : memref<1000x1xf32, #tpu.memory_space<vmem>>, vector<1000x1xf32>
    tpu.vector_store %arg6[%swap3A_13, %swap3A_14], %dot_general3A_12 {strides = array<i32>} : memref<1000x1xf32, #tpu.memory_space<vmem>>, vector<1000x1xf32>,
    %get3A_16 = arith.constant 0 : index
    %get3A_17 = arith.constant 0 : index
    %get3A_18 = vector.load %arg4[%get3A_16, %get3A_17] : memref<128x1xf32, #tpu.memory_space<vmem>>, vector<128x1xf32>
    %dot_general3A_19 = arith.constant dense<0.000000e+00> : vector<1000x1xf32>
    %dot_general3A_20 = tpu.matmul %dot_general3A_5, %get3A_18, %dot_general3A_19 {dimension_numbers = #tpu.dot_dimension_numbers<[1], [0], [0], [1], [0, 0, 1, 1], [], []>, transpose_lhs_hint = false} : vector<1000x128xf32>, vector<128x1xf32>, vector<1000x1xf32> -> vector<1000x1xf32>
    %swap3A_21 = arith.constant 0 : index
    %swap3A_22 = arith.constant 0 : index
    %swap3A_23 = vector.load %arg7[%swap3A_21, %swap3A_22] : memref<1000x1xf32, #tpu.memory_space<vmem>>, vector<1000x1xf32>
    tpu.vector_store %arg7[%swap3A_21, %swap3A_22], %dot_general3A_20 {strides = array<i32>} : memref<1000x1xf32, #tpu.memory_space<vmem>>, vector<1000x1xf32>,
    %eq3A = arith.constant 0 : i32
    %eq3A_24 = arith.cmpi eq, %arg0, %eq3A : i32
    %convert_element_type3A = arith.extui %eq3A_24 : i1 to i32
    %cond3A = arith.constant 0 : i32
    %cond3A_25 = arith.cmpi ne, %convert_element_type3A, %cond3A : i32
    scf.if %cond3A_25 {
      %swap3A_36 = arith.constant 0xFF800000 : f32
      %swap3A_37 = arith.constant 0 : index
      %swap3A_38 = arith.constant 0 : index
      %swap3A_39 = memref.load %arg8[%swap3A_37, %swap3A_38] : memref<1x1xf32, #tpu.memory_space<smem>>
      memref.store %swap3A_36, %arg8[%swap3A_37, %swap3A_38] : memref<1x1xf32, #tpu.memory_space<smem>>
    } else {
    }
    %get3A_26 = arith.constant 0 : index
    %get3A_27 = arith.constant 0 : index
    %get3A_28 = memref.load %arg8[%get3A_26, %get3A_27] : memref<1x1xf32, #tpu.memory_space<smem>>
    %reduce_max3A = vector.shape_cast %dot_general3A_20 : vector<1000x1xf32> to vector<1x1000x1xf32>
    %reduce_max3A_29 = arith.constant dense<0xFF800000> : vector<1xf32>
    %reduce_max3A_30 = vector.multi_reduction <maximumf>, %reduce_max3A, %reduce_max3A_29 [1, 2] : vector<1x1000x1xf32> to vector<1xf32>
    %reduce_max3A_31 = vector.shape_cast %reduce_max3A_30 : vector<1xf32> to vector<1x1x1xf32>
    %reduce_max3A_32 = vector.extract %reduce_max3A_31[0, 0, 0] : f32 from vector<1x1x1xf32>
    %max3A = arith.maximumf %get3A_28, %reduce_max3A_32 : f32
    %swap3A_33 = arith.constant 0 : index
    %swap3A_34 = arith.constant 0 : index
    %swap3A_35 = memref.load %arg8[%swap3A_33, %swap3A_34] : memref<1x1xf32, #tpu.memory_space<smem>>
    memref.store %max3A, %arg8[%swap3A_33, %swap3A_34] : memref<1x1xf32, #tpu.memory_space<smem>>
    return
  }
  func.func @transform_0(%arg0: i32) -> (i32, i32) {
    %c0_i32 = arith.constant 0 : i32
    %c0_i32_0 = arith.constant 0 : i32
    return %arg0, %c0_i32 : i32, i32
  }
  func.func @transform_1(%arg0: i32) -> (i32, i32) {
    %c0_i32 = arith.constant 0 : i32
    %c0_i32_0 = arith.constant 0 : i32
    %c0_i32_1 = arith.constant 0 : i32
    return %c0_i32, %c0_i32_0 : i32, i32
  }
  func.func @transform_2(%arg0: i32) -> (i32, i32) {
    %c0_i32 = arith.constant 0 : i32
    %c0_i32_0 = arith.constant 0 : i32
    %c0_i32_1 = arith.constant 0 : i32
    return %c0_i32, %c0_i32_0 : i32, i32
  }
  func.func @transform_3(%arg0: i32) -> (i32, i32) {
    %c0_i32 = arith.constant 0 : i32
    %c0_i32_0 = arith.constant 0 : i32
    %c0_i32_1 = arith.constant 0 : i32
    return %c0_i32, %c0_i32_0 : i32, i32
  }
  func.func @transform_4(%arg0: i32) -> (i32, i32) {
    %c0_i32 = arith.constant 0 : i32
    %c0_i32_0 = arith.constant 0 : i32
    return %arg0, %c0_i32 : i32, i32
  }
  func.func @transform_5(%arg0: i32) -> (i32, i32) {
    %c0_i32 = arith.constant 0 : i32
    %c0_i32_0 = arith.constant 0 : i32
    return %arg0, %c0_i32 : i32, i32
  }
  func.func @transform_6(%arg0: i32) -> (i32, i32) {
    %c0_i32 = arith.constant 0 : i32
    %c0_i32_0 = arith.constant 0 : i32
    return %arg0, %c0_i32 : i32, i32
  }
  func.func @transform_7(%arg0: i32) -> (i32, i32) {
    %c0_i32 = arith.constant 0 : i32
    %c0_i32_0 = arith.constant 0 : i32
    %c0_i32_1 = arith.constant 0 : i32
    return %c0_i32, %c0_i32_0 : i32, i32
  }
}

module attributes {stable_mosaic.version = 14 : i64} {
  func.func @_tc_norm_body(%arg0: i32, %arg1: memref<1000x128xf32, #tpu.memory_space<vmem>>, %arg2: memref<1000x128xf32, #tpu.memory_space<vmem>>, %arg3: memref<1000x32xf32, #tpu.memory_space<vmem>>, %arg4: memref<1x128xf32, #tpu.memory_space<vmem>>, %arg5: memref<1000x128xf32, #tpu.memory_space<vmem>>) attributes {dimension_semantics = [#tpu.dimension_semantics<arbitrary>], iteration_bounds = array<i64: 10>, scalar_prefetch = 0 : i64, scratch_operands = 0 : i64, tpu.core_type = #tpu.core_type<tc>, window_params = [{transform_indices = @transform_0, window_bounds = array<i64: 1000, 128>}, {transform_indices = @transform_1, window_bounds = array<i64: 1000, 128>}, {transform_indices = @transform_2, window_bounds = array<i64: 1000, 32>}, {pipeline_mode = #tpu.pipeline_mode<synchronous>, transform_indices = @transform_3, window_bounds = array<i64: 1, 128>}, {transform_indices = @transform_4, window_bounds = array<i64: 1000, 128>}]} {
    %get3A = arith.constant 0 : index
    %get3A_0 = arith.constant 0 : index
    %get3A_1 = vector.load %arg3[%get3A, %get3A_0] : memref<1000x32xf32, #tpu.memory_space<vmem>>, vector<1000x32xf32>
    %reduce_sum3A = arith.constant dense<0.000000e+00> : vector<1000xf32>
    %reduce_sum3A_2 = vector.multi_reduction <add>, %get3A_1, %reduce_sum3A [1] : vector<1000x32xf32> to vector<1000xf32>
    %get3A_3 = arith.constant 0 : index
    %get3A_4 = arith.constant 0 : index
    %get3A_5 = vector.load %arg1[%get3A_3, %get3A_4] : memref<1000x128xf32, #tpu.memory_space<vmem>>, vector<1000x128xf32>
    %get3A_6 = arith.constant 0 : index
    %get3A_7 = arith.constant 0 : index
    %get3A_8 = vector.load %arg2[%get3A_6, %get3A_7] : memref<1000x128xf32, #tpu.memory_space<vmem>>, vector<1000x128xf32>
    %add3A = arith.addf %get3A_5, %get3A_8 : vector<1000x128xf32>
    %add3A_9 = arith.constant 1.000000e-10 : f32
    %add3A_10 = vector.broadcast %add3A_9 : f32 to vector<1000xf32>
    %add3A_11 = arith.addf %reduce_sum3A_2, %add3A_10 : vector<1000xf32>
    %broadcast_in_dim3A = vector.shape_cast %add3A_11 : vector<1000xf32> to vector<1000x1xf32>
    %div3A = vector.broadcast %broadcast_in_dim3A : vector<1000x1xf32> to vector<1000x128xf32>
    %div3A_12 = arith.divf %add3A, %div3A : vector<1000x128xf32>
    %get3A_13 = arith.constant 0 : index
    %get3A_14 = arith.constant 0 : index
    %get3A_15 = vector.load %arg4[%get3A_13, %get3A_14] : memref<1x128xf32, #tpu.memory_space<vmem>>, vector<1x128xf32>
    %add3A_16 = vector.broadcast %get3A_15 : vector<1x128xf32> to vector<1000x128xf32>
    %add3A_17 = arith.addf %div3A_12, %add3A_16 : vector<1000x128xf32>
    %swap3A = arith.constant 0 : index
    %swap3A_18 = arith.constant 0 : index
    %swap3A_19 = vector.load %arg5[%swap3A, %swap3A_18] : memref<1000x128xf32, #tpu.memory_space<vmem>>, vector<1000x128xf32>
    tpu.vector_store %arg5[%swap3A, %swap3A_18], %add3A_17 {strides = array<i32>} : memref<1000x128xf32, #tpu.memory_space<vmem>>, vector<1000x128xf32>,
    return
  }
  func.func @transform_0(%arg0: i32) -> (i32, i32) {
    %c0_i32 = arith.constant 0 : i32
    %c0_i32_0 = arith.constant 0 : i32
    return %arg0, %c0_i32 : i32, i32
  }
  func.func @transform_1(%arg0: i32) -> (i32, i32) {
    %c0_i32 = arith.constant 0 : i32
    %c0_i32_0 = arith.constant 0 : i32
    return %arg0, %c0_i32 : i32, i32
  }
  func.func @transform_2(%arg0: i32) -> (i32, i32) {
    %c0_i32 = arith.constant 0 : i32
    %c0_i32_0 = arith.constant 0 : i32
    return %arg0, %c0_i32 : i32, i32
  }
  func.func @transform_3(%arg0: i32) -> (i32, i32) {
    %c0_i32 = arith.constant 0 : i32
    %c0_i32_0 = arith.constant 0 : i32
    %c0_i32_1 = arith.constant 0 : i32
    return %c0_i32, %c0_i32_0 : i32, i32
  }
  func.func @transform_4(%arg0: i32) -> (i32, i32) {
    %c0_i32 = arith.constant 0 : i32
    %c0_i32_0 = arith.constant 0 : i32
    return %arg0, %c0_i32 : i32, i32
  }
}

</mosaic_0001>

<sc_bundles>
// kernel: kernel.6.cloned.1.call-start
scs
__scs_entry_jumppad:
0x0: {  	(pc) =	sbr.rel $0x88, $3  }
0x1: {  	(tag) =	ssettag $0x0;
	lr =	simm.s32 $0x1  }
0x2: {  	[smem:$0x3F9B] =	sst lr;
	_ =	strace $0xD0000000  }
0x3: {  	_ = 	snop  }
0x4: {  	_ = 	snop  }
0x5: {  	_ = 	snop  }
0x6: {  	_ = 	snop  }
0x7: {  	_ = 	snop  }
__scs_overlays_trampoline_lowered:
0x8: {  	[smem:$0x3FAA] =	sst s0  }
0x9: {  	[smem:$0x3FAB] =	sst s1  }
0xa: {  	[smem:$0x3FAC] =	sst s2  }
0xb: {  	[smem:$0x3FAD] =	sst s3  }
0xc: {  	[smem:$0x3FAE] =	sst s4  }
0xd: {  	[smem:$0x3FAF] =	sst s5  }
0xe: {  	[smem:$0x3FB0] =	sst s6  }
0xf: {  	[smem:$0x3FB1] =	sst s7  }
0x10: {  	[smem:$0x3FB2] =	sst s8  }
0x11: {  	[smem:$0x3FB3] =	sst s9;
	s0 =	simm.s32 @!p0 $0x0  }
0x12: {  	s1 =	sld [smem:$0x3F99];
	s0 =	simm.s32 @p0 $0x1  }
0x13: {  	[smem:$0x3FB4] =	sst s0;
	s0 =	simm.s32 @!p1 $0x0  }
0x14: {  	s2 =	sld [smem:$0x3F98];
	s0 =	simm.s32 @p1 $0x1  }
0x15: {  	[smem:$0x3FB5] =	sst s0;
	s0 =	simm.s32 @!p2 $0x0  }
0x16: {  	s3 =	sld [smem:$0x3FDB];
	s0 =	simm.s32 @p2 $0x1  }
0x17: {  	s4 =	simm.s32 $0x1BF5;
	[smem:$0x3FB7] =	sst s0  }
0x18: {  	s0 =	sld [smem:$0x3F9A];
	_ =	swait.ge [sflag:s4], $0x0  }
0x19: {  	s7 =	sld [smem:$0x3F9B]  }
0x1a: {  	s8 =	sadd.s32 $0xFFFFE003, lr  }
0x1b: {  	s9 =	sadd.s32 $0xFFFFFEF7, lr;
	s5 =	simm.s32 $0xFFFFFFFF;
	p2 =	slt.u32 s8, $0xFFFFF086  }
0x1c: {  	p1 =	slt.u32 s9, $0xF7A;
	s5 =	simm.s32 @!p2 $0x0  }
0x1d: {  	s5 =	simm.s32 @p1 $0x1;
	p0 =	seq.s32 s7, s2  }
0x1e: {  	s7 =	smul.u32 @!p0 $0xF7A, s2;
	p2 =	seq.s32 @!p0 s5, $0x0  }
0x1f: {  	s9 =	smul.u32 $0xF7A, s1;
	s8 =	simm.s32 @!p0 $0x1BF5;
	p2 =	por !p2, p0  }
0x20: {  	[sflag:s8] =	ssyncset.s32 @!p0 $0xFFFFF086;
	s6 =	sadd.s32 @!p0 s3, s7;
	s7 =	simm.s32 @!p0 $0x108  }
0x21: {  	s3 =	sadd.s32 s3, s9;
	s6 =	sadd.s32 @!p0 $0x88, s6;
	s7 =	simm.s32 @p2 $0x1082  }
0x22: {  	[simem:s7], [sflag:s8] =	dma.local @!p0 [hbm:s6], $0xF7A  }
0x23: {  	s9 =	sor.u32 $0xD0000000, s2;
	s6 =	simm.s32 $0x108;
	_ =	swait.ge @!p0 [sflag:s8], $0x0  }
0x24: {  	s3 =	sadd.s32 $0x88, s3;
	s6 =	simm.s32 @!p1 $0x1082;
	[sflag:s4] =	ssyncset.s32 $0xFFFFF086  }
0x25: {  	[simem:s6], [sflag:s4] =	dma.local [hbm:s3], $0xF7A  }
0x26: {  	[smem:$0x3F9B] =	sst s1;
	(tag) =	ssettag s2;
	_ =	strace s9  }
0x27: {  	s1 =	sld [smem:$0x3FAB]  }
0x28: {  	s2 =	sld [smem:$0x3FAC]  }
0x29: {  	s4 =	sld [smem:$0x3FAE]  }
0x2a: {  	p0 =	seq.s32 s5, $0x0;
	s5 =	sld [smem:$0x3FAF]  }
0x2b: {  	s6 =	sld [smem:$0x3FB0]  }
0x2c: {  	s7 =	sld [smem:$0x3FB1]  }
0x2d: {  	s3 =	simm.s32 $0x108;
	s8 =	sld [smem:$0x3FB2]  }
0x2e: {  	s3 =	simm.s32 @!p0 $0x1082;
	s9 =	sld [smem:$0x3FB3]  }
0x2f: {  	lr =	sadd.s32 s0, s3;
	s0 =	sld [smem:$0x3FAA]  }
0x30: {  	s3 =	sld [smem:$0x3FAD]  }
0x31: {  	[smem:$0x3FB6] =	sst s10  }
0x32: {  	s10 =	sld [smem:$0x3FB4];
	_ =	sdelay $0x3  }
0x33: {  	p0 =	seq.s32 s10, $0x1;
	s10 =	sld [smem:$0x3FB6];
	_ =	sdelay $0x3  }
0x34: {  	[smem:$0x3FB6] =	sst s10  }
0x35: {  	s10 =	sld [smem:$0x3FB5];
	_ =	sdelay $0x3  }
0x36: {  	p1 =	seq.s32 s10, $0x1;
	s10 =	sld [smem:$0x3FB6];
	_ =	sdelay $0x3  }
0x37: {  	[smem:$0x3FB6] =	sst s10  }
0x38: {  	s10 =	sld [smem:$0x3FB7]  }
0x39: {  	_ = 	snop;
	(pc) =	sbr.ind lr, $3  }
0x3a: {  	_ = 	snop  }
0x3b: {  	_ = 	snop  }
0x3c: {  	p2 =	seq.s32 s10, $0x1;
	s10 =	sld [smem:$0x3FB6]  }
0x3d: {  	_ =	shalt  }
0x3e: {  	_ =	shalt  }
0x3f: {  	_ =	shalt  }
0x40: {  	_ =	shalt  }
0x41: {  	_ =	shalt  }
0x42: {  	_ =	shalt  }
0x43: {  	_ =	shalt  }
0x44: {  	_ =	shalt  }
0x45: {  	_ =	shalt  }
0x46: {  	_ =	shalt  }
0x47: {  	_ =	shalt  }
0x48: {  	_ =	shalt  }
0x49: {  	_ =	shalt  }
0x4a: {  	_ =	shalt  }
0x4b: {  	_ =	shalt  }
0x4c: {  	_ =	shalt  }
0x4d: {  	_ =	shalt  }
0x4e: {  	_ =	shalt  }
0x4f: {  	_ =	shalt  }
0x50: {  	_ =	shalt  }
0x51: {  	_ =	shalt  }
0x52: {  	_ =	shalt  }
0x53: {  	_ =	shalt  }
0x54: {  	_ =	shalt  }
0x55: {  	_ =	shalt  }
0x56: {  	_ =	shalt  }
0x57: {  	_ =	shalt  }
0x58: {  	_ =	shalt  }
0x59: {  	_ =	shalt  }
0x5a: {  	_ =	shalt  }
0x5b: {  	_ =	shalt  }
0x5c: {  	_ =	shalt  }
0x5d: {  	_ =	shalt  }
0x5e: {  	_ =	shalt  }
0x5f: {  	_ =	shalt  }
0x60: {  	_ =	shalt  }
0x61: {  	_ =	shalt  }
0x62: {  	_ =	shalt  }
0x63: {  	_ =	shalt  }
0x64: {  	_ =	shalt  }
0x65: {  	_ =	shalt  }
0x66: {  	_ =	shalt  }
0x67: {  	_ =	shalt  }
0x68: {  	_ =	shalt  }
0x69: {  	_ =	shalt  }
0x6a: {  	_ =	shalt  }
0x6b: {  	_ =	shalt  }
0x6c: {  	_ =	shalt  }
0x6d: {  	_ =	shalt  }
0x6e: {  	_ =	shalt  }
0x6f: {  	_ =	shalt  }
0x70: {  	_ =	shalt  }
0x71: {  	_ =	shalt  }
0x72: {  	_ =	shalt  }
0x73: {  	_ =	shalt  }
0x74: {  	_ =	shalt  }
0x75: {  	_ =	shalt  }
0x76: {  	_ =	shalt  }
0x77: {  	_ =	shalt  }
0x78: {  	_ =	shalt  }
0x79: {  	_ =	shalt  }
0x7a: {  	_ =	shalt  }
0x7b: {  	_ =	shalt  }
0x7c: {  	_ =	shalt  }
0x7d: {  	_ =	shalt  }
0x7e: {  	_ =	shalt  }
0x7f: {  	_ =	shalt  }
0x80: {  	_ =	shalt  }
0x81: {  	_ =	shalt  }
0x82: {  	_ =	shalt  }
0x83: {  	_ =	shalt  }
0x84: {  	_ =	shalt  }
0x85: {  	_ =	shalt  }
0x86: {  	_ =	shalt  }
0x87: {  	_ =	shalt  }
.Lfunc_end0:
.L_simem_size_0:
called_computation_lowered:
.L_overlay_start_0:
0x88: {  	s2 =	sld [smem:$0x3FD9]  }
0x89: {  	s3 =	sld [smem:$0x3FFE];
	_ =	sdelay $0x1  }
0x8a: {  	s1 =	srdreg.scid  }
0x8b: {  	s0 =	sand.u32 $0x1, s1  }
0x8c: {  	s16 =	sshll.u32 s0, $0xA;
	s2 =	sadd.s32 s3, s2  }
0x8d: {  	s2 =	sadd.s32 s2, s16  }
0x8e: {  	[smem:$0x3FC2] =	sst s2  }
0x8f: {  	_ = 	snop  }
0x90: {  	(tm) =	ssettm $0x1  }
0x91: {  	s17 =	sld [smem:$0x3FFB];
	_ =	sdelay $0x3  }
0x92: {  	_ =	strace s17  }
0x93: {  	s2 =	sld [smem:$0x3FFC];
	_ =	sdelay $0x3  }
0x94: {  	_ =	strace s2  }
0x95: {  	s2 =	sld [smem:$0x3FFD];
	_ =	sdelay $0x3  }
0x96: {  	_ =	strace s2  }
0x97: {  	_ =	strace $0x8FFFFFFF  }
0x98: {  	s18 =	sld [smem:$0x3FDB];
	_ =	sdelay $0x1  }
0x99: {  	s19 =	simm.s32 $_scs_section_size  }
0x9a: {  	s4 =	simm.s32 $_size__tile_overlayer_lowered;
	s5 =	simm.s32 $_tile_overlayer_lowered  }
0x9b: {  	s22 =	simm.s32 $0x1BFF;
	s21 =	sshll.u32 s5, $0x1;
	s2 =	sadd.s32 s19, s18  }
0x9c: {  	s6 =	simm.s32 $0x0;
	s20 =	sshll.u32 s4, $0x1;
	s4 =	sadd.s32 s21, s2  }
0x9d: {  	[timem:s6], [sflag:s22] =	dma.local [hbm:s4], s20  }
0x9e: {  	_ =	swait.ge [sflag:s22], s20  }
0x9f: {  	s3 =	ssub.s32 $0x0, s20;
	[sflag:s22] =	ssyncset.done $0x0  }
0xa0: {  	[sflag:s22] =	ssyncadd.s32 s3;
	_ =	sdelay $0x1  }
0xa1: {  	s23 =	simm.s32 $0x1B8B  }
0xa2: {  	_ =	swait.ge [sflag:s23], $0x1  }
0xa3: {  	[sflag:s23] =	ssyncset.done $0x0  }
0xa4: {  	s25 =	simm.s32 $0x1B8E;
	s24 =	sld [smem:$0x3FFE];
	[sflag:s23] =	ssyncadd.s32 $0xFFFFFFFF  }
0xa5: {  	s26 =	simm.s32 $execute0_lowered;
	[smem:$0x3FD2] =	sst s25  }
0xa6: {  	s4 =	sshll.u32 s26, $0x1;
	_ =	strace $0x80000046;
	[dreg:$0x1] =	wrdreg $0xFFFFFFFF  }
0xa7: {  	s28 =	simm.s32 $_size_execute0_lowered;
	s2 =	sadd.s32 s2, s4;
	[dreg:$0x0] =	wrdreg $0x0  }
0xa8: {  	s4 =	sshll.u32 s28, $0x1;
	[dreg:$0x2] =	wrdreg s2  }
0xa9: {  	[dreg:$0x3] =	wrdreg s4  }
0xaa: {  	[dreg:$0x4] =	wrdreg $0xC0  }
0xab: {  	_ =	task [dreg:s6], $0x5FFFF  }
0xac: {  	[dreg:$0x1] =	wrdreg $0xFFFFFFFF  }
0xad: {  	[dreg:$0x0] =	wrdreg $0x60  }
0xae: {  	[dreg:$0x2] =	wrdreg s24  }
0xaf: {  	[dreg:$0x3] =	wrdreg $0x9  }
0xb0: {  	_ =	task.clear_ibuf [dreg:s6], $0x4FFFF;
	_ =	strace $0x90000046  }
0xb1: {  	s29 =	simm.s32 $0x9;
	_ =	strace $0x80000048  }
0xb2: {  	_ =	swait.ge [sflag:s29], $0x1  }
0xb3: {  	[sflag:s29] =	ssyncadd.s32 $0xFFFFFFFF  }
0xb4: {  	_ =	strace $0x90000048  }
0xb5: {  	_ =	sfence  }
0xb6: {  	s30 =	sld [smem:$0x0];
	_ =	sdelay $0x2  }
0xb7: {  	s31 =	sshll.u32 s1, $0xD;
	s1 =	sshrl.u32 s1, $0x2  }
0xb8: {  	s3 =	sand.u32 $0x4000, s31;
	s1 =	sadd.s32 s1, s30  }
0xb9: {  	s0 =	sor.u32 s3, s0;
	s1 =	sshll.u32 s1, $0x11  }
0xba: {  	s0 =	sor.u32 s1, s0  }
0xbb: {  	s0 =	sadd.s32 $0x8F2B, s0  }
0xbc: {  	[sflag:s0] =	ssyncadd.remote.s32 $0x1  }
0xbd: {  	_ =	sfence.sel $0xFFFF  }
0xbe: {  	[dreg:$0x0] =	wrdreg $0xFFFFFFFF;
	(pc) =	sbr.abs _section_cstart, $3  }
0xbf: {  	[dreg:$0x1] =	wrdreg $0xFFFFFFFF  }
0xc0: {  	_ =	task.clear_ibuf [dreg:s6], $0x2FFFF;
	_ =	strace $0x9FFFFFFF  }
0xc1: {  	(tm) =	ssettm $0x7FFFFFFF  }
tec
execute0_lowered:
.L_overlay_start_1:
0x0: {  	(tag) =	ssettag $0x1  }
0x1: {  	s9 =	rddreg [dreg:$0x0]  }
0x2: {  	s0 =	rddreg [dreg:$0x1]  }
0x3: {  	s2 =	simm.s32 $0x0;
	s3 =	srdreg.scid;
	s1 =	stileid.u32  }
0x4: {  	s16 =	simm.s32 $0x8280;
	s17 =	simm.s32 $0x7680;
	s18 =	simm.s32 $0x7A80  }
0x5: {  	s19 =	simm.s32 $0x4F00;
	s20 =	simm.s32 $0x7E80;
	s21 =	simm.s32 $0x0  }
0x6: {  	[smem:$0x7FF] =	sst s2;
	s10 =	sand.u32 $0x1, s3;
	s4 =	sshll.u32 s1, $0x1  }
0x7: {  	s3 =	sadd.s32 $0xC00, s9;
	s5 =	sadd.s32 $0xB600, s9;
	s6 =	sadd.s32 $0x1800, s9  }
0x8: {  	s7 =	sadd.s32 $0x15400, s9;
	s8 =	sadd.s32 $0x1F400, s9;
	s15 =	smul.u32 $0xA0, s1  }
0x9: {  	_ =	strace $0x80000047;
	s11 =	sor.u32 s10, s4;
	s31 =	smul.u32 $0x50, s10  }
0xa: {  	s4 =	sadd.s32 $0x1200, s9;
	s13 =	ssub.s32 $0x2, s10;
	s12 =	smul.u32 $0x4E2, s11  }
0xb: {  	s14 =	sshrl.u32 s13, $0x1;
	p0 =	seq.s32 s11, $0x1F;
	s10 =	smul.u32 $0x50, s11  }
0xc: {  	s13 =	ssub.s32 s13, s14;
	s12 =	sadd.s32 s12, s9;
	s9 =	simm.s32 $0x4  }
0xd: {  	s14 =	simm.s32 $0x1;
	s9 =	simm.s32 @!p0 $0xA;
	s11 =	sadd.s32 $0x15600, s12  }
0xe: {  	v0 =	vimm.f32 $0.0e+00;
	s12 =	smax.u32 s13, $0x1;
	s13 =	sadd.s32 s31, s15;
	s15 =	simm.s32 $0x2780  }
.LBB2_1:
0xf: {  	[tilespmem:s2], [sflag:$0x1] =	stream.linear.gather [hbm4b:s3+s2], $0x2780, $0x38;
	[tilespmem:$0x8300] =	vst v63  }
0x10: {  	_ =	swait.ge [sflag:s14], $0x2780  }
0x11: {  	[sflag:s14] =	ssyncset.done $0x0  }
0x12: {  	[sflag:s14] =	ssyncadd.s32 $0xFFFFD880  }
0x13: {  	[tilespmem:s15], [sflag:$0x1] =	stream.linear.gather [hbm4b:s4+s2], $0x2780, $0x38;
	[tilespmem:$0x8300] =	vst v63  }
0x14: {  	_ =	swait.ge [sflag:s14], $0x2780  }
0x15: {  	[sflag:s14] =	ssyncset.done $0x0  }
0x16: {  	[sflag:s14] =	ssyncadd.s32 $0xFFFFD880  }
0x17: {  	[tilespmem:s16], [sflag:$0x1] =	stream.linear.gather [hbm4b:s7+s2], $0x80, $0x38;
	[tilespmem:$0x8300] =	vst v63  }
0x18: {  	_ =	swait.ge [sflag:s14], $0x80  }
0x19: {  	[sflag:s14] =	ssyncset.done $0x0  }
0x1a: {  	s22 =	simm.s32 $0x40;
	s23 =	simm.s32 $0x0;
	[sflag:s14] =	ssyncadd.s32 $0xFFFFFF80  }
.LBB2_2:
0x1b: {  	p0 =	sne.s32 s22, $0x9C00;
	[tilespmem:s23+$0x4F00] =	vst v0;
	s23 =	smov.u32 s22;
	s22 =	sadd.s32 $0x40, s22  }
.Ltmp0:
0x1c: {  	(pc) =	sbr.rel @p0 .LBB2_2-.Ltmp0, $2  }
0x1d: {  	_ =	sdelay $0x2  }
0x1e: {  	s23 =	sshra.s32 s23, $0x2  }
0x1f: {  	[tilespmem:s23+$0x4F00] =	vst v0  }
0x20: {  	s22 =	simm.s32 $0x0;
	s23 =	smov.u32 s13;
	s24 =	simm.s32 $0x0;
	v1 =	vld [tilespmem:$0x8280]  }
.LBB2_4:
0x21: {  	s25 =	sshll.u32 s24, $0x3  }
0x22: {  	s25 =	sadd.s32 s10, s25  }
0x23: {  	s25 =	sshll.u32 s25, $0x4  }
0x24: {  	s26 =	sadd.s32 s5, s25  }
0x25: {  	[tilespmem:s17], [sflag:$0x1] =	stream.linear.gather [hbm4b:s26+s22], $0x400, $0x38;
	[tilespmem:$0x8300] =	vst v63  }
0x26: {  	_ =	swait.ge [sflag:s14], $0x400  }
0x27: {  	[sflag:s14] =	ssyncset.done $0x0  }
0x28: {  	s31 =	sadd.s32 s6, s25;
	[sflag:s14] =	ssyncadd.s32 $0xFFFFFC00  }
0x29: {  	[tilespmem:s18], [sflag:$0x1] =	stream.linear.gather [hbm4b:s31+s22], $0x400, $0x38;
	[tilespmem:$0x8300] =	vst v63  }
0x2a: {  	_ =	swait.ge [sflag:s14], $0x400  }
0x2b: {  	[sflag:s14] =	ssyncset.done $0x0  }
0x2c: {  	s28 =	simm.s32 $0x0;
	s26 =	smov.u32 s23;
	[sflag:s14] =	ssyncadd.s32 $0xFFFFFC00  }
.LBB2_5:
0x2d: {  	s29 =	sshra.s32 s28, $0x2  }
0x2e: {  	v2 =	vld [tilespmem:s29+$0x7A80]  }
0x2f: {  	v3 =	vld [tilespmem:s29+$0x7680];
	_ =	sdelay $0x6  }
0x30: {  	v4 =	vld.idx.msk [tilespmem:v2+s2+$0x0], $0xffff  }
0x31: {  	v3 =	vld.idx.msk [tilespmem:v3+s15+$0x0], $0xffff;
	_ =	sdelay $0x4  }
0x32: {  	v3 =	vadd.f32 v3, v4;
	v4 =	vadd.f32 v4, v1;
	_ =	sdelay $0x1  }
0x33: {  	v5 =	vmul.f32 $2.000000030e-01, v3;
	v6 =	vmul.f32 $2.000000030e-01, v4;
	_ =	sdelay $0x1  }
0x34: {  	v3 =	vmax.f32 v3, v5;
	v4 =	vmax.f32 v4, v6  }
0x35: {  	v3 =	vsub.f32 v3, v4;
	_ =	sdelay $0x1  }
0x36: {  	v3 =	vmul.f32 $1.442695020e+00, v3;
	_ =	sdelay $0x1  }
0x37: {  	(erf) = vpow2.f32 v3;
	_ =	sdelay $0x8  }
0x38: {  	p0 =	slt.u32 s26, $0x9C4;
	v3 =	vpop (erf)  }
0x39: {  	v3 =	vpsel !p0, $0x0, v3  }
0x3a: {  	[tilespmem:s29+$0x7E80] =	vst v3  }
0x3b: {  	[tilespmem:v2+s19+$0x0] =	vst.idx.add.f32.msk $0xffff, v3  }
0x3c: {  	v2 =	vld [tilespmem:s29+$0x7A90]  }
0x3d: {  	v3 =	vld [tilespmem:s29+$0x7690];
	_ =	sdelay $0x6  }
0x3e: {  	v43 =	vld.idx.msk [tilespmem:v2+s2+$0x0], $0xffff  }
0x3f: {  	v3 =	vld.idx.msk [tilespmem:v3+s15+$0x0], $0xffff;
	_ =	sdelay $0x4  }
0x40: {  	v3 =	vadd.f32 v3, v43;
	v4 =	vadd.f32 v43, v1;
	_ =	sdelay $0x1  }
0x41: {  	v44 =	vmul.f32 $2.000000030e-01, v3;
	v45 =	vmul.f32 $2.000000030e-01, v4;
	_ =	sdelay $0x1  }
0x42: {  	v3 =	vmax.f32 v3, v44;
	v4 =	vmax.f32 v4, v45  }
0x43: {  	v3 =	vsub.f32 v3, v4;
	_ =	sdelay $0x1  }
0x44: {  	v3 =	vmul.f32 $1.442695020e+00, v3;
	_ =	sdelay $0x1  }
0x45: {  	(erf) = vpow2.f32 v3;
	_ =	sdelay $0x8  }
0x46: {  	v3 =	vpop (erf)  }
0x47: {  	v3 =	vpsel !p0, $0x0, v3  }
0x48: {  	[tilespmem:s29+$0x7E90] =	vst v3  }
0x49: {  	[tilespmem:v2+s19+$0x0] =	vst.idx.add.f32.msk $0xffff, v3  }
0x4a: {  	v2 =	vld [tilespmem:s29+$0x7AA0]  }
0x4b: {  	v3 =	vld [tilespmem:s29+$0x76A0];
	_ =	sdelay $0x6  }
0x4c: {  	v46 =	vld.idx.msk [tilespmem:v2+s2+$0x0], $0xffff  }
0x4d: {  	v3 =	vld.idx.msk [tilespmem:v3+s15+$0x0], $0xffff;
	_ =	sdelay $0x4  }
0x4e: {  	v3 =	vadd.f32 v3, v46;
	v4 =	vadd.f32 v46, v1;
	_ =	sdelay $0x1  }
0x4f: {  	v47 =	vmul.f32 $2.000000030e-01, v3;
	v48 =	vmul.f32 $2.000000030e-01, v4;
	_ =	sdelay $0x1  }
0x50: {  	v3 =	vmax.f32 v3, v47;
	v4 =	vmax.f32 v4, v48  }
0x51: {  	v3 =	vsub.f32 v3, v4;
	_ =	sdelay $0x1  }
0x52: {  	v3 =	vmul.f32 $1.442695020e+00, v3;
	_ =	sdelay $0x1  }
0x53: {  	(erf) = vpow2.f32 v3;
	_ =	sdelay $0x8  }
0x54: {  	v3 =	vpop (erf)  }
0x55: {  	v3 =	vpsel !p0, $0x0, v3  }
0x56: {  	[tilespmem:s29+$0x7EA0] =	vst v3  }
0x57: {  	[tilespmem:v2+s19+$0x0] =	vst.idx.add.f32.msk $0xffff, v3  }
0x58: {  	v2 =	vld [tilespmem:s29+$0x7AB0]  }
0x59: {  	v3 =	vld [tilespmem:s29+$0x76B0];
	_ =	sdelay $0x6  }
0x5a: {  	v49 =	vld.idx.msk [tilespmem:v2+s2+$0x0], $0xffff  }
0x5b: {  	v3 =	vld.idx.msk [tilespmem:v3+s15+$0x0], $0xffff;
	_ =	sdelay $0x4  }
0x5c: {  	v3 =	vadd.f32 v3, v49;
	v4 =	vadd.f32 v49, v1;
	_ =	sdelay $0x1  }
0x5d: {  	v50 =	vmul.f32 $2.000000030e-01, v3;
	v51 =	vmul.f32 $2.000000030e-01, v4;
	_ =	sdelay $0x1  }
0x5e: {  	v3 =	vmax.f32 v3, v50;
	v4 =	vmax.f32 v4, v51  }
0x5f: {  	v3 =	vsub.f32 v3, v4;
	_ =	sdelay $0x1  }
0x60: {  	v3 =	vmul.f32 $1.442695020e+00, v3;
	_ =	sdelay $0x1  }
0x61: {  	(erf) = vpow2.f32 v3;
	_ =	sdelay $0x8  }
0x62: {  	v3 =	vpop (erf)  }
0x63: {  	v3 =	vpsel !p0, $0x0, v3  }
0x64: {  	[tilespmem:s29+$0x7EB0] =	vst v3  }
0x65: {  	[tilespmem:v2+s19+$0x0] =	vst.idx.add.f32.msk $0xffff, v3  }
0x66: {  	v2 =	vld [tilespmem:s29+$0x7AC0]  }
0x67: {  	v3 =	vld [tilespmem:s29+$0x76C0];
	_ =	sdelay $0x6  }
0x68: {  	v52 =	vld.idx.msk [tilespmem:v2+s2+$0x0], $0xffff  }
0x69: {  	v3 =	vld.idx.msk [tilespmem:v3+s15+$0x0], $0xffff;
	_ =	sdelay $0x4  }
0x6a: {  	v3 =	vadd.f32 v3, v52;
	v4 =	vadd.f32 v52, v1;
	_ =	sdelay $0x1  }
0x6b: {  	v53 =	vmul.f32 $2.000000030e-01, v3;
	v54 =	vmul.f32 $2.000000030e-01, v4;
	_ =	sdelay $0x1  }
0x6c: {  	v3 =	vmax.f32 v3, v53;
	v4 =	vmax.f32 v4, v54  }
0x6d: {  	v3 =	vsub.f32 v3, v4;
	_ =	sdelay $0x1  }
0x6e: {  	v3 =	vmul.f32 $1.442695020e+00, v3;
	_ =	sdelay $0x1  }
0x6f: {  	(erf) = vpow2.f32 v3;
	_ =	sdelay $0x8  }
0x70: {  	v3 =	vpop (erf)  }
0x71: {  	v3 =	vpsel !p0, $0x0, v3  }
0x72: {  	[tilespmem:s29+$0x7EC0] =	vst v3  }
0x73: {  	[tilespmem:v2+s19+$0x0] =	vst.idx.add.f32.msk $0xffff, v3  }
0x74: {  	v2 =	vld [tilespmem:s29+$0x7AD0]  }
0x75: {  	v3 =	vld [tilespmem:s29+$0x76D0];
	_ =	sdelay $0x6  }
0x76: {  	v55 =	vld.idx.msk [tilespmem:v2+s2+$0x0], $0xffff  }
0x77: {  	v3 =	vld.idx.msk [tilespmem:v3+s15+$0x0], $0xffff;
	_ =	sdelay $0x4  }
0x78: {  	v3 =	vadd.f32 v3, v55;
	v4 =	vadd.f32 v55, v1;
	_ =	sdelay $0x1  }
0x79: {  	v56 =	vmul.f32 $2.000000030e-01, v3;
	v57 =	vmul.f32 $2.000000030e-01, v4;
	_ =	sdelay $0x1  }
0x7a: {  	v3 =	vmax.f32 v3, v56;
	v4 =	vmax.f32 v4, v57  }
0x7b: {  	v3 =	vsub.f32 v3, v4;
	_ =	sdelay $0x1  }
0x7c: {  	v3 =	vmul.f32 $1.442695020e+00, v3;
	_ =	sdelay $0x1  }
0x7d: {  	(erf) = vpow2.f32 v3;
	_ =	sdelay $0x8  }
0x7e: {  	v3 =	vpop (erf)  }
0x7f: {  	v3 =	vpsel !p0, $0x0, v3  }
0x80: {  	[tilespmem:s29+$0x7ED0] =	vst v3  }
0x81: {  	[tilespmem:v2+s19+$0x0] =	vst.idx.add.f32.msk $0xffff, v3  }
0x82: {  	v2 =	vld [tilespmem:s29+$0x7AE0]  }
0x83: {  	v3 =	vld [tilespmem:s29+$0x76E0];
	_ =	sdelay $0x6  }
0x84: {  	v58 =	vld.idx.msk [tilespmem:v2+s2+$0x0], $0xffff  }
0x85: {  	v3 =	vld.idx.msk [tilespmem:v3+s15+$0x0], $0xffff;
	_ =	sdelay $0x4  }
0x86: {  	v3 =	vadd.f32 v3, v58;
	v4 =	vadd.f32 v58, v1;
	_ =	sdelay $0x1  }
0x87: {  	v59 =	vmul.f32 $2.000000030e-01, v3;
	v60 =	vmul.f32 $2.000000030e-01, v4;
	_ =	sdelay $0x1  }
0x88: {  	v3 =	vmax.f32 v3, v59;
	v4 =	vmax.f32 v4, v60  }
0x89: {  	v3 =	vsub.f32 v3, v4;
	_ =	sdelay $0x1  }
0x8a: {  	v3 =	vmul.f32 $1.442695020e+00, v3;
	_ =	sdelay $0x1  }
0x8b: {  	(erf) = vpow2.f32 v3;
	_ =	sdelay $0x8  }
0x8c: {  	v3 =	vpop (erf)  }
0x8d: {  	v3 =	vpsel !p0, $0x0, v3  }
0x8e: {  	[tilespmem:s29+$0x7EE0] =	vst v3  }
0x8f: {  	[tilespmem:v2+s19+$0x0] =	vst.idx.add.f32.msk $0xffff, v3  }
0x90: {  	v2 =	vld [tilespmem:s29+$0x7AF0]  }
0x91: {  	v3 =	vld [tilespmem:s29+$0x76F0];
	_ =	sdelay $0x6  }
0x92: {  	v61 =	vld.idx.msk [tilespmem:v2+s2+$0x0], $0xffff  }
0x93: {  	v3 =	vld.idx.msk [tilespmem:v3+s15+$0x0], $0xffff;
	_ =	sdelay $0x4  }
0x94: {  	v3 =	vadd.f32 v3, v61;
	v4 =	vadd.f32 v61, v1;
	_ =	sdelay $0x1  }
0x95: {  	v62 =	vmul.f32 $2.000000030e-01, v3;
	v63 =	vmul.f32 $2.000000030e-01, v4;
	_ =	sdelay $0x1  }
0x96: {  	v3 =	vmax.f32 v3, v62;
	v4 =	vmax.f32 v4, v63  }
0x97: {  	v3 =	vsub.f32 v3, v4;
	_ =	sdelay $0x1  }
0x98: {  	v3 =	vmul.f32 $1.442695020e+00, v3;
	_ =	sdelay $0x1  }
0x99: {  	(erf) = vpow2.f32 v3;
	_ =	sdelay $0x8  }
0x9a: {  	v3 =	vpop (erf)  }
0x9b: {  	v3 =	vpsel !p0, $0x0, v3;
	p0 =	sne.s32 s28, $0xE00  }
.Ltmp1:
0x9c: {  	_ = 	snop;
	(pc) =	sbr.rel @p0 .LBB2_5-.Ltmp1, $3  }
0x9d: {  	_ =	sdelay $0x1  }
0x9e: {  	[tilespmem:s29+$0x7EF0] =	vst v3  }
0x9f: {  	s26 =	sadd.s32 $0x1, s26;
	s28 =	sadd.s32 $0x200, s28;
	[tilespmem:v2+s19+$0x0] =	vst.idx.add.f32.msk $0xffff, v3  }
0xa0: {  	s24 =	sadd.s32 $0x1, s24  }
0xa1: {  	p0 =	sne.s32 s24, s9  }
.Ltmp2:
0xa2: {  	s25 =	sadd.s32 s8, s25;
	(pc) =	sbr.rel @p0 .LBB2_4-.Ltmp2, $4  }
0xa3: {  	[hbm4b:s25+s2] =	stream.linear.scatter [tilespmem:s20], [sflag:$0x1], $0x400, $0x38;
	[tilespmem:$0x8300] =	vst v63  }
0xa4: {  	_ =	swait.ge [sflag:s14], $0x400  }
0xa5: {  	[sflag:s14] =	ssyncset.done $0x0  }
0xa6: {  	s23 =	sadd.s32 $0x8, s23;
	[sflag:s14] =	ssyncadd.s32 $0xFFFFFC00  }
0xa7: {  	s21 =	sadd.s32 $0x1, s21  }
0xa8: {  	p0 =	sne.s32 s21, s12  }
.Ltmp3:
0xa9: {  	_ = 	snop;
	(pc) =	sbr.rel @p0 .LBB2_1-.Ltmp3, $4  }
0xaa: {  	[hbm4b:s11+s2] =	stream.linear.scatter [tilespmem:s19], [sflag:$0x1], $0x2710, $0x38;
	[tilespmem:$0x8300] =	vst v63  }
0xab: {  	_ =	swait.ge [sflag:s14], $0x2710  }
0xac: {  	[sflag:s14] =	ssyncset.done $0x0  }
0xad: {  	[sflag:s14] =	ssyncadd.s32 $0xFFFFD8F0  }
0xae: {  	_ =	sfence.sel $0x180000  }
0xaf: {  	[bflag:$0x0] =	sbarrier.arrive $0xFFFF  }
0xb0: {  	p0 =	sne.s32 s1, $0x0;
	_ =	strace $0x90000047  }
0xb1: {  	s0 =	sadd.s32 @!p0 $0x100000, s0;
	[bflag:$0x2] =	sbarrier.arrive $0xFFFF  }
0xb2: {  	[sflag:s0] =	ssyncadd.tile.s32 @!p0 $0x1;
	_ =	shalt  }
.Lfunc_end2:
_tile_overlayer_lowered:
.L_overlay_start_2:
0xb3: {  	(tag) =	ssettag $0x2  }
0xb4: {  	s0 =	rddreg [dreg:$0x0];
	s2 =	stileid.u32  }
0xb5: {  	s1 =	rddreg [dreg:$0x1];
	p0 =	sne.s32 s2, $0x0  }
0xb6: {  	s3 =	rddreg [dreg:$0x2];
	[bflag:$0x3] =	sbarrier.arrive $0xFFFF;
	s2 =	simm.s32 @!p0 $0x1C01  }
0xb7: {  	[timem:s3], [sflag:s2] =	dma.local @!p0 [hbm:s0], s1  }
0xb8: {  	s0 =	simm.s32 @!p0 $0x1  }
0xb9: {  	_ =	swait.ge @!p0 [sflag:s0], s1  }
0xba: {  	s1 =	ssub.s32 @!p0 $0x0, s1;
	[sflag:s0] =	ssyncset.done @!p0 $0x0  }
0xbb: {  	[sflag:s0] =	ssyncadd.s32 @!p0 s1  }
0xbc: {  	[bflag:$0x3] =	sbarrier.arrive $0xFFFF  }
0xbd: {  	_ =	shalt  }

// kernel: kernel.9.cloned.1.call-start
scs
__scs_entry_jumppad:
0x0: {  	(pc) =	sbr.rel $0x88, $3  }
0x1: {  	(tag) =	ssettag $0x0;
	lr =	simm.s32 $0x1  }
0x2: {  	[smem:$0x3F9B] =	sst lr;
	_ =	strace $0xD0000000  }
0x3: {  	_ = 	snop  }
0x4: {  	_ = 	snop  }
0x5: {  	_ = 	snop  }
0x6: {  	_ = 	snop  }
0x7: {  	_ = 	snop  }
__scs_overlays_trampoline_lowered:
0x8: {  	[smem:$0x3FAA] =	sst s0  }
0x9: {  	[smem:$0x3FAB] =	sst s1  }
0xa: {  	[smem:$0x3FAC] =	sst s2  }
0xb: {  	[smem:$0x3FAD] =	sst s3  }
0xc: {  	[smem:$0x3FAE] =	sst s4  }
0xd: {  	[smem:$0x3FAF] =	sst s5  }
0xe: {  	[smem:$0x3FB0] =	sst s6  }
0xf: {  	[smem:$0x3FB1] =	sst s7  }
0x10: {  	[smem:$0x3FB2] =	sst s8  }
0x11: {  	[smem:$0x3FB3] =	sst s9;
	s0 =	simm.s32 @!p0 $0x0  }
0x12: {  	s1 =	sld [smem:$0x3F99];
	s0 =	simm.s32 @p0 $0x1  }
0x13: {  	[smem:$0x3FB4] =	sst s0;
	s0 =	simm.s32 @!p1 $0x0  }
0x14: {  	s2 =	sld [smem:$0x3F98];
	s0 =	simm.s32 @p1 $0x1  }
0x15: {  	[smem:$0x3FB5] =	sst s0;
	s0 =	simm.s32 @!p2 $0x0  }
0x16: {  	s3 =	sld [smem:$0x3FDB];
	s0 =	simm.s32 @p2 $0x1  }
0x17: {  	s4 =	simm.s32 $0x1BF5;
	[smem:$0x3FB7] =	sst s0  }
0x18: {  	s0 =	sld [smem:$0x3F9A];
	_ =	swait.ge [sflag:s4], $0x0  }
0x19: {  	s7 =	sld [smem:$0x3F9B]  }
0x1a: {  	s8 =	sadd.s32 $0xFFFFE003, lr  }
0x1b: {  	s9 =	sadd.s32 $0xFFFFFEF7, lr;
	s5 =	simm.s32 $0xFFFFFFFF;
	p2 =	slt.u32 s8, $0xFFFFF086  }
0x1c: {  	p1 =	slt.u32 s9, $0xF7A;
	s5 =	simm.s32 @!p2 $0x0  }
0x1d: {  	s5 =	simm.s32 @p1 $0x1;
	p0 =	seq.s32 s7, s2  }
0x1e: {  	s7 =	smul.u32 @!p0 $0xF7A, s2;
	p2 =	seq.s32 @!p0 s5, $0x0  }
0x1f: {  	s9 =	smul.u32 $0xF7A, s1;
	s8 =	simm.s32 @!p0 $0x1BF5;
	p2 =	por !p2, p0  }
0x20: {  	[sflag:s8] =	ssyncset.s32 @!p0 $0xFFFFF086;
	s6 =	sadd.s32 @!p0 s3, s7;
	s7 =	simm.s32 @!p0 $0x108  }
0x21: {  	s3 =	sadd.s32 s3, s9;
	s6 =	sadd.s32 @!p0 $0x88, s6;
	s7 =	simm.s32 @p2 $0x1082  }
0x22: {  	[simem:s7], [sflag:s8] =	dma.local @!p0 [hbm:s6], $0xF7A  }
0x23: {  	s9 =	sor.u32 $0xD0000000, s2;
	s6 =	simm.s32 $0x108;
	_ =	swait.ge @!p0 [sflag:s8], $0x0  }
0x24: {  	s3 =	sadd.s32 $0x88, s3;
	s6 =	simm.s32 @!p1 $0x1082;
	[sflag:s4] =	ssyncset.s32 $0xFFFFF086  }
0x25: {  	[simem:s6], [sflag:s4] =	dma.local [hbm:s3], $0xF7A  }
0x26: {  	[smem:$0x3F9B] =	sst s1;
	(tag) =	ssettag s2;
	_ =	strace s9  }
0x27: {  	s1 =	sld [smem:$0x3FAB]  }
0x28: {  	s2 =	sld [smem:$0x3FAC]  }
0x29: {  	s4 =	sld [smem:$0x3FAE]  }
0x2a: {  	p0 =	seq.s32 s5, $0x0;
	s5 =	sld [smem:$0x3FAF]  }
0x2b: {  	s6 =	sld [smem:$0x3FB0]  }
0x2c: {  	s7 =	sld [smem:$0x3FB1]  }
0x2d: {  	s3 =	simm.s32 $0x108;
	s8 =	sld [smem:$0x3FB2]  }
0x2e: {  	s3 =	simm.s32 @!p0 $0x1082;
	s9 =	sld [smem:$0x3FB3]  }
0x2f: {  	lr =	sadd.s32 s0, s3;
	s0 =	sld [smem:$0x3FAA]  }
0x30: {  	s3 =	sld [smem:$0x3FAD]  }
0x31: {  	[smem:$0x3FB6] =	sst s10  }
0x32: {  	s10 =	sld [smem:$0x3FB4];
	_ =	sdelay $0x3  }
0x33: {  	p0 =	seq.s32 s10, $0x1;
	s10 =	sld [smem:$0x3FB6];
	_ =	sdelay $0x3  }
0x34: {  	[smem:$0x3FB6] =	sst s10  }
0x35: {  	s10 =	sld [smem:$0x3FB5];
	_ =	sdelay $0x3  }
0x36: {  	p1 =	seq.s32 s10, $0x1;
	s10 =	sld [smem:$0x3FB6];
	_ =	sdelay $0x3  }
0x37: {  	[smem:$0x3FB6] =	sst s10  }
0x38: {  	s10 =	sld [smem:$0x3FB7]  }
0x39: {  	_ = 	snop;
	(pc) =	sbr.ind lr, $3  }
0x3a: {  	_ = 	snop  }
0x3b: {  	_ = 	snop  }
0x3c: {  	p2 =	seq.s32 s10, $0x1;
	s10 =	sld [smem:$0x3FB6]  }
0x3d: {  	_ =	shalt  }
0x3e: {  	_ =	shalt  }
0x3f: {  	_ =	shalt  }
0x40: {  	_ =	shalt  }
0x41: {  	_ =	shalt  }
0x42: {  	_ =	shalt  }
0x43: {  	_ =	shalt  }
0x44: {  	_ =	shalt  }
0x45: {  	_ =	shalt  }
0x46: {  	_ =	shalt  }
0x47: {  	_ =	shalt  }
0x48: {  	_ =	shalt  }
0x49: {  	_ =	shalt  }
0x4a: {  	_ =	shalt  }
0x4b: {  	_ =	shalt  }
0x4c: {  	_ =	shalt  }
0x4d: {  	_ =	shalt  }
0x4e: {  	_ =	shalt  }
0x4f: {  	_ =	shalt  }
0x50: {  	_ =	shalt  }
0x51: {  	_ =	shalt  }
0x52: {  	_ =	shalt  }
0x53: {  	_ =	shalt  }
0x54: {  	_ =	shalt  }
0x55: {  	_ =	shalt  }
0x56: {  	_ =	shalt  }
0x57: {  	_ =	shalt  }
0x58: {  	_ =	shalt  }
0x59: {  	_ =	shalt  }
0x5a: {  	_ =	shalt  }
0x5b: {  	_ =	shalt  }
0x5c: {  	_ =	shalt  }
0x5d: {  	_ =	shalt  }
0x5e: {  	_ =	shalt  }
0x5f: {  	_ =	shalt  }
0x60: {  	_ =	shalt  }
0x61: {  	_ =	shalt  }
0x62: {  	_ =	shalt  }
0x63: {  	_ =	shalt  }
0x64: {  	_ =	shalt  }
0x65: {  	_ =	shalt  }
0x66: {  	_ =	shalt  }
0x67: {  	_ =	shalt  }
0x68: {  	_ =	shalt  }
0x69: {  	_ =	shalt  }
0x6a: {  	_ =	shalt  }
0x6b: {  	_ =	shalt  }
0x6c: {  	_ =	shalt  }
0x6d: {  	_ =	shalt  }
0x6e: {  	_ =	shalt  }
0x6f: {  	_ =	shalt  }
0x70: {  	_ =	shalt  }
0x71: {  	_ =	shalt  }
0x72: {  	_ =	shalt  }
0x73: {  	_ =	shalt  }
0x74: {  	_ =	shalt  }
0x75: {  	_ =	shalt  }
0x76: {  	_ =	shalt  }
0x77: {  	_ =	shalt  }
0x78: {  	_ =	shalt  }
0x79: {  	_ =	shalt  }
0x7a: {  	_ =	shalt  }
0x7b: {  	_ =	shalt  }
0x7c: {  	_ =	shalt  }
0x7d: {  	_ =	shalt  }
0x7e: {  	_ =	shalt  }
0x7f: {  	_ =	shalt  }
0x80: {  	_ =	shalt  }
0x81: {  	_ =	shalt  }
0x82: {  	_ =	shalt  }
0x83: {  	_ =	shalt  }
0x84: {  	_ =	shalt  }
0x85: {  	_ =	shalt  }
0x86: {  	_ =	shalt  }
0x87: {  	_ =	shalt  }
.Lfunc_end0:
.L_simem_size_0:
called_computation.1_lowered:
.L_overlay_start_0:
0x88: {  	s2 =	sld [smem:$0x3FD9]  }
0x89: {  	s3 =	sld [smem:$0x3FFE];
	_ =	sdelay $0x1  }
0x8a: {  	s1 =	srdreg.scid  }
0x8b: {  	s0 =	sand.u32 $0x1, s1  }
0x8c: {  	s17 =	sshll.u32 s0, $0xA;
	s2 =	sadd.s32 s3, s2  }
0x8d: {  	s2 =	sadd.s32 s2, s17  }
0x8e: {  	[smem:$0x3FC2] =	sst s2  }
0x8f: {  	_ = 	snop  }
0x90: {  	s2 =	sld [smem:$0x3FD0];
	(tm) =	ssettm $0x1  }
0x91: {  	s18 =	sld [smem:$0x3FFB];
	_ =	sdelay $0x3  }
0x92: {  	_ =	strace s18  }
0x93: {  	s3 =	sld [smem:$0x3FFC];
	_ =	sdelay $0x3  }
0x94: {  	_ =	strace s3  }
0x95: {  	s3 =	sld [smem:$0x3FFD];
	_ =	sdelay $0x3  }
0x96: {  	_ =	strace s3  }
0x97: {  	_ =	strace $0x8FFFFFFF  }
0x98: {  	s19 =	sld [smem:$0x3FDB];
	_ =	sdelay $0x1  }
0x99: {  	s4 =	simm.s32 $_scs_section_size  }
0x9a: {  	s5 =	simm.s32 $_size__tile_overlayer_lowered;
	s6 =	simm.s32 $_tile_overlayer_lowered  }
0x9b: {  	s22 =	simm.s32 $0x1BFF;
	s21 =	sshll.u32 s6, $0x1;
	s3 =	sadd.s32 s4, s19  }
0x9c: {  	s7 =	simm.s32 $0x0;
	s20 =	sshll.u32 s5, $0x1;
	s5 =	sadd.s32 s21, s3  }
0x9d: {  	[timem:s7], [sflag:s22] =	dma.local [hbm:s5], s20  }
0x9e: {  	_ =	swait.ge [sflag:s22], s20  }
0x9f: {  	s4 =	ssub.s32 $0x0, s20;
	[sflag:s22] =	ssyncset.done $0x0  }
0xa0: {  	[sflag:s22] =	ssyncadd.s32 s4;
	_ =	sdelay $0x1  }
0xa1: {  	s23 =	simm.s32 $0x1B8B  }
0xa2: {  	_ =	swait.ge [sflag:s23], $0x1  }
0xa3: {  	[sflag:s23] =	ssyncset.done $0x0  }
0xa4: {  	s25 =	simm.s32 $0x1B8E;
	s24 =	sld [smem:$0x3FFE];
	[sflag:s23] =	ssyncadd.s32 $0xFFFFFFFF  }
0xa5: {  	s26 =	simm.s32 $execute0_lowered;
	[smem:$0x3FD2] =	sst s25  }
0xa6: {  	s5 =	sshll.u32 s26, $0x1;
	_ =	strace $0x80000049;
	[dreg:$0x1] =	wrdreg $0xFFFFFFFF  }
0xa7: {  	s28 =	simm.s32 $_size_execute0_lowered;
	s3 =	sadd.s32 s3, s5;
	[dreg:$0x0] =	wrdreg $0x0  }
0xa8: {  	s5 =	sshll.u32 s28, $0x1;
	[dreg:$0x2] =	wrdreg s3  }
0xa9: {  	[dreg:$0x3] =	wrdreg s5  }
0xaa: {  	[dreg:$0x4] =	wrdreg $0xC0  }
0xab: {  	_ =	task [dreg:s7], $0x5FFFF  }
0xac: {  	[dreg:$0x1] =	wrdreg $0xFFFFFFFF  }
0xad: {  	[dreg:$0x0] =	wrdreg $0x60  }
0xae: {  	[dreg:$0x2] =	wrdreg s2  }
0xaf: {  	[dreg:$0x3] =	wrdreg s24  }
0xb0: {  	[dreg:$0x4] =	wrdreg $0x8C000  }
0xb1: {  	[dreg:$0x5] =	wrdreg $0x9  }
0xb2: {  	_ =	task.clear_ibuf [dreg:s7], $0x6FFFF;
	_ =	strace $0x90000049  }
0xb3: {  	s29 =	simm.s32 $0x9;
	_ =	strace $0x8000004B  }
0xb4: {  	_ =	swait.ge [sflag:s29], $0x1  }
0xb5: {  	[sflag:s29] =	ssyncadd.s32 $0xFFFFFFFF  }
0xb6: {  	_ =	strace $0x9000004B  }
0xb7: {  	_ =	sfence  }
0xb8: {  	s30 =	sld [smem:$0x0];
	_ =	sdelay $0x2  }
0xb9: {  	s31 =	sshll.u32 s1, $0xD;
	s1 =	sshrl.u32 s1, $0x2  }
0xba: {  	s3 =	sand.u32 $0x4000, s31;
	s1 =	sadd.s32 s1, s30  }
0xbb: {  	s0 =	sor.u32 s3, s0;
	s1 =	sshll.u32 s1, $0x11  }
0xbc: {  	s0 =	sor.u32 s1, s0  }
0xbd: {  	s0 =	sadd.s32 $0x8F2B, s0  }
0xbe: {  	[sflag:s0] =	ssyncadd.remote.s32 $0x1  }
0xbf: {  	_ =	sfence.sel $0xFFFF  }
0xc0: {  	[dreg:$0x0] =	wrdreg $0xFFFFFFFF;
	(pc) =	sbr.abs _section_cstart, $3  }
0xc1: {  	[dreg:$0x1] =	wrdreg $0xFFFFFFFF  }
0xc2: {  	_ =	task.clear_ibuf [dreg:s7], $0x2FFFF;
	_ =	strace $0x9FFFFFFF  }
0xc3: {  	(tm) =	ssettm $0x7FFFFFFF  }
tec
execute0_lowered:
.L_overlay_start_1:
0x0: {  	(tag) =	ssettag $0x1  }
0x1: {  	s1 =	rddreg [dreg:$0x0]  }
0x2: {  	s0 =	rddreg [dreg:$0x1]  }
0x3: {  	s2 =	rddreg [dreg:$0x2];
	s3 =	simm.s32 $0x0;
	s4 =	srdreg.scid  }
0x4: {  	s30 =	stileid.u32;
	s15 =	simm.s32 $0xC00;
	s16 =	simm.s32 $0x5  }
0x5: {  	s17 =	simm.s32 $0x400;
	s18 =	simm.s32 $0x800;
	s19 =	simm.s32 $0x80  }
0x6: {  	s20 =	simm.s32 $0x1;
	s21 =	simm.s32 $0x4C00;
	s22 =	simm.s32 $0x2  }
0x7: {  	s23 =	simm.s32 $0x3;
	s24 =	simm.s32 $0x0;
	[smem:$0x7FF] =	sst s3  }
0x8: {  	s9 =	sand.u32 $0x1, s4;
	s4 =	sadd.s32 $0xB600, s0;
	s6 =	sadd.s32 $0x1800, s0  }
0x9: {  	s7 =	sadd.s32 $0x1F400, s0;
	s31 =	sshll.u32 s30, $0x1;
	s13 =	smul.u32 $0xA000, s30  }
0xa: {  	p0 =	slt.u32 s30, $0xD;
	s14 =	smul.u32 $0x500, s30;
	_ =	strace $0x8000004A  }
0xb: {  	s5 =	smul.u32 $0x27100, s9;
	s8 =	ssub.s32 $0x2, s9;
	s11 =	sor.u32 s9, s31  }
0xc: {  	s9 =	simm.s32 $0x4;
	s10 =	sshrl.u32 s8, $0x1;
	s13 =	sshrl.u32 s13, $0x2  }
0xd: {  	s0 =	sadd.s32 s5, s0;
	s12 =	ssub.s32 s8, s10;
	s8 =	simm.s32 $0x8  }
0xe: {  	s10 =	simm.s32 $0x4;
	s13 =	sadd.s32 s13, s2;
	s8 =	simm.s32 @!p0 $0x7  }
0xf: {  	p0 =	seq.s32 s11, $0x1F;
	s11 =	smul.u32 $0xA, s11;
	s0 =	sadd.s32 s14, s0  }
0x10: {  	v0 =	vimm.f32 $0.0e+00;
	s12 =	smax.u32 s12, $0x1;
	s9 =	simm.s32 @!p0 $0xA;
	s14 =	sadd.s32 $0x29200, s0  }
.LBB2_1:
0x11: {  	s0 =	simm.s32 $0x0;
	s25 =	simm.s32 $0x200  }
.LBB2_2:
0x12: {  	p0 =	sne.s32 s25, $0xFE00;
	[tilespmem:s0+$0xC70] =	vst v0  }
0x13: {  	[tilespmem:s0+$0xC00] =	vst v0  }
0x14: {  	[tilespmem:s0+$0xC10] =	vst v0  }
.Ltmp0:
0x15: {  	[tilespmem:s0+$0xC20] =	vst v0;
	(pc) =	sbr.rel @p0 .LBB2_2-.Ltmp0, $4  }
0x16: {  	[tilespmem:s0+$0xC30] =	vst v0  }
0x17: {  	[tilespmem:s0+$0xC40] =	vst v0  }
0x18: {  	[tilespmem:s0+$0xC50] =	vst v0  }
0x19: {  	[tilespmem:s0+$0xC60] =	vst v0;
	s0 =	sshra.s32 s25, $0x2;
	s25 =	sadd.s32 $0x200, s25  }
0x1a: {  	[tilespmem:s0+$0xC70] =	vst v0  }
0x1b: {  	[tilespmem:s0+$0xC00] =	vst v0  }
0x1c: {  	[tilespmem:s0+$0xC10] =	vst v0  }
0x1d: {  	[tilespmem:s0+$0xC20] =	vst v0  }
0x1e: {  	[tilespmem:s0+$0xC30] =	vst v0  }
0x1f: {  	[tilespmem:s0+$0xC40] =	vst v0;
	p0 =	sne.s32 s8, $0x1  }
.Ltmp1:
0x20: {  	[tilespmem:s0+$0xC50] =	vst v0;
	(pc) =	sbr.rel @!p0 .LBB2_5-.Ltmp1, $4  }
0x21: {  	[tilespmem:s0+$0xC60] =	vst v0  }
0x22: {  	[spmem:s13] =	stream.linear.scatter [tilespmem:s15], [sflag:$0x5], $0x2800, $0x38;
	[tilespmem:$0x1C480] =	vst v63  }
0x23: {  	_ =	swait.ge [sflag:s16], $0x2800  }
0x24: {  	s0 =	sadd.s32 $0xFFFFFFFF, s8;
	s25 =	smov.u32 s13;
	[sflag:s16] =	ssyncset.done $0x0  }
.LBB2_4:
0x25: {  	p1 =	sne.s32 s0, $0x1;
	[sflag:s16] =	ssyncadd.s32 $0xFFFFD800;
	s25 =	sadd.s32 $0x28000, s25  }
.Ltmp2:
0x26: {  	s0 =	sadd.s32 $0xFFFFFFFF, s0;
	(pc) =	sbr.rel @p1 .LBB2_4-.Ltmp2, $4  }
0x27: {  	_ = 	snop  }
0x28: {  	[spmem:s25] =	stream.linear.scatter [tilespmem:s15], [sflag:$0x5], $0x2800, $0x38;
	[tilespmem:$0x1C480] =	vst v63  }
0x29: {  	_ =	swait.ge [sflag:s16], $0x2800  }
0x2a: {  	[sflag:s16] =	ssyncset.done $0x0  }
.LBB2_5:
0x2b: {  	[sflag:s16] =	ssyncadd.s32 $0xFFFFD800  }
0x2c: {  	s25 =	simm.s32 $0x0;
	s26 =	simm.s32 $0x0;
	[bflag:$0x0] =	sbarrier.arrive $0xFFFF  }
.LBB2_6:
0x2d: {  	s0 =	sadd.s32 s11, s26  }
0x2e: {  	s0 =	sshll.u32 s0, $0x7  }
0x2f: {  	s28 =	sadd.s32 s4, s0  }
0x30: {  	[tilespmem:s25], [sflag:$0x5] =	stream.linear.gather [hbm4b:s28+s25], $0x400, $0x38;
	[tilespmem:$0x1C480] =	vst v63  }
0x31: {  	_ =	swait.ge [sflag:s16], $0x400  }
0x32: {  	[sflag:s16] =	ssyncset.done $0x0  }
0x33: {  	s28 =	sadd.s32 s6, s0;
	[sflag:s16] =	ssyncadd.s32 $0xFFFFFC00  }
0x34: {  	[tilespmem:s17], [sflag:$0x5] =	stream.linear.gather [hbm4b:s28+s25], $0x400, $0x38;
	[tilespmem:$0x1C480] =	vst v63  }
0x35: {  	_ =	swait.ge [sflag:s16], $0x400  }
0x36: {  	[sflag:s16] =	ssyncset.done $0x0  }
0x37: {  	s0 =	sadd.s32 s7, s0;
	[sflag:s16] =	ssyncadd.s32 $0xFFFFFC00  }
0x38: {  	[tilespmem:s18], [sflag:$0x5] =	stream.linear.gather [hbm4b:s0+s25], $0x400, $0x38;
	[tilespmem:$0x1C480] =	vst v63  }
0x39: {  	_ =	swait.ge [sflag:s16], $0x400  }
0x3a: {  	[sflag:s16] =	ssyncset.done $0x0  }
0x3b: {  	s28 =	simm.s32 $0x0;
	[sflag:s16] =	ssyncadd.s32 $0xFFFFFC00  }
0x3c: {  	[tilespmem:s15], [sflag:$0x1] =	stream.indirect.gather [hbm4b:s1+s19], $0x80, s25, s19, $0xb8;
	[tilespmem:$0x1C480] =	vst v63  }
.LBB2_7:
0x3d: {  	s0 =	sshll.u32 s28, $0x1;
	s30 =	simm.s32 $0x0  }
0x3e: {  	s0 =	sshll.u32 s0, $0x7;
	v2 =	vmov s30  }
0x3f: {  	_ =	swait.ge [sflag:s20], $0x4000;
	v1 =	vmov s0;
	v2 =	vand.u32 $0x7E, v2  }
0x40: {  	p1 =	seq.s32 s28, $0x0;
	[sflag:s20] =	ssyncset.done $0x0;
	v2 =	vor.u32 v1, v2  }
0x41: {  	s29 =	simm.s32 @!p1 $0x4;
	[sflag:s20] =	ssyncadd.s32 $0xFFFFC000;
	v4 =	vbroadcast v2, $0x0  }
0x42: {  	_ =	swait.ge @!p1 [sflag:s29], $0x4000  }
0x43: {  	s30 =	sshllo.u32 s28, $0x1;
	[sflag:s29] =	ssyncset.done @!p1 $0x0  }
0x44: {  	[sflag:s29] =	ssyncadd.s32 @!p1 $0xFFFFC000;
	s29 =	sshll.u32 s30, $0x7;
	s30 =	simm.s32 $0xC80  }
0x45: {  	[tilespmem:s21], [sflag:$0x2] =	stream.indirect.gather [hbm4b:s1+s19], $0x80, s29, s19, $0xb8;
	[tilespmem:$0x1C480] =	vst v63  }
0x46: {  	v6 =	vld [tilespmem:s30+$0xFFFFFFF0]  }
0x47: {  	v4 =	vld.idx.msk [tilespmem:v4+s18+$0x0], $0xffff  }
0x48: {  	v7 =	vld [tilespmem:s30+$0xFFFFFF80]  }
0x49: {  	v8 =	vld [tilespmem:s30+$0xFFFFFFA0]  }
0x4a: {  	v9 =	vld [tilespmem:s30+$0xFFFFFFB0]  }
0x4b: {  	v5 =	vld [tilespmem:s30+$0xFFFFFFD0]  }
0x4c: {  	s5 =	simm.s32 $0x1;
	v10 =	vld [tilespmem:s30+$0xFFFFFFE0];
	v6 =	vmul.f32 v6, v4  }
0x4d: {  	v13 =	vmov s5;
	v11 =	vld [tilespmem:s30+$0xFFFFFF90];
	v7 =	vmul.f32 v7, v4  }
0x4e: {  	v12 =	vld [tilespmem:s30+$0xFFFFFFC0];
	v8 =	vmul.f32 v8, v4;
	[tilespmem:s30+$0xFFFFFFF0] =	vst v6;
	v6 =	vand.u32 $0x7F, v13  }
0x4f: {  	v9 =	vmul.f32 v9, v4;
	[tilespmem:s30+$0xFFFFFF80] =	vst v7;
	v6 =	vor.u32 v1, v6  }
0x50: {  	v5 =	vmul.f32 v5, v4;
	[tilespmem:s30+$0xFFFFFFA0] =	vst v8;
	v7 =	vbroadcast v6, $0x0  }
0x51: {  	[tilespmem:s30+$0xFFFFFFB0] =	vst v9;
	v8 =	vmul.f32 v10, v4  }
0x52: {  	v2 =	vld [tilespmem:s30+$0x0];
	[tilespmem:s30+$0xFFFFFFD0] =	vst v5;
	v6 =	vmul.f32 v11, v4  }
0x53: {  	v3 =	vld [tilespmem:s30+$0x10];
	v4 =	vmul.f32 v12, v4;
	[tilespmem:s30+$0xFFFFFFE0] =	vst v8  }
0x54: {  	v5 =	vld [tilespmem:s30+$0x50];
	[tilespmem:s30+$0xFFFFFF90] =	vst v6  }
0x55: {  	v6 =	vld [tilespmem:s30+$0x20];
	[tilespmem:s30+$0xFFFFFFC0] =	vst v4  }
0x56: {  	s31 =	simm.s32 $0x2;
	s0 =	simm.s32 $0xC80;
	v4 =	vld.idx.msk [tilespmem:v7+s18+$0x0], $0xffff  }
.LBB2_8:
0x57: {  	p1 =	sne.s32 s31, $0x7E  }
0x58: {  	v7 =	vld [tilespmem:s30+$0x70];
	s0 =	sadd.s32 $0x100, s0;
	s5 =	smov.u32 s31;
	s31 =	sadd.s32 $0x2, s31  }
0x59: {  	v8 =	vld [tilespmem:s30+$0x30]  }
0x5a: {  	v9 =	vld [tilespmem:s30+$0x40]  }
0x5b: {  	v10 =	vld [tilespmem:s30+$0x60];
	_ =	sdelay $0x1  }
0x5c: {  	v2 =	vmul.f32 v2, v4;
	v3 =	vmul.f32 v3, v4  }
0x5d: {  	v11 =	vmov s5;
	v6 =	vmul.f32 v6, v4;
	v8 =	vmul.f32 v8, v4  }
0x5e: {  	v11 =	vand.u32 $0x7E, v11;
	v5 =	vmul.f32 v5, v4;
	[tilespmem:s30+$0x0] =	vst v2;
	v9 =	vmul.f32 v9, v4  }
0x5f: {  	v11 =	vor.u32 v1, v11;
	v2 =	vld [tilespmem:s0+$0x0];
	[tilespmem:s30+$0x20] =	vst v6;
	v6 =	vmul.f32 v10, v4;
	v4 =	vmul.f32 v7, v4  }
0x60: {  	v7 =	vbroadcast v11, $0x0;
	[tilespmem:s30+$0x10] =	vst v3  }
0x61: {  	v3 =	vld [tilespmem:s0+$0x10];
	[tilespmem:s30+$0x50] =	vst v5  }
0x62: {  	v5 =	vld [tilespmem:s0+$0xFFFFFFD0];
	[tilespmem:s30+$0x70] =	vst v4  }
0x63: {  	v4 =	vld [tilespmem:s0+$0xFFFFFFB0];
	[tilespmem:s30+$0x30] =	vst v8  }
0x64: {  	v8 =	vld [tilespmem:s0+$0xFFFFFFE0];
	[tilespmem:s30+$0x60] =	vst v6  }
0x65: {  	v6 =	vld [tilespmem:s0+$0xFFFFFFF0];
	[tilespmem:s30+$0x40] =	vst v9;
	s30 =	smov.u32 s0  }
0x66: {  	v7 =	vld.idx.msk [tilespmem:v7+s18+$0x0], $0xffff  }
0x67: {  	v9 =	vld [tilespmem:s0+$0xFFFFFF80]  }
0x68: {  	v10 =	vld [tilespmem:s0+$0xFFFFFFA0]  }
0x69: {  	v11 =	vld [tilespmem:s0+$0xFFFFFF90]  }
0x6a: {  	v12 =	vld [tilespmem:s0+$0xFFFFFFC0];
	_ =	sdelay $0x1  }
0x6b: {  	s5 =	sadd.s32 $0x1, s5;
	v6 =	vmul.f32 v6, v7;
	v9 =	vmul.f32 v9, v7  }
0x6c: {  	v13 =	vmov s5;
	v8 =	vmul.f32 v8, v7;
	v10 =	vmul.f32 v10, v7  }
0x6d: {  	v4 =	vmul.f32 v4, v7;
	v11 =	vmul.f32 v11, v7;
	[tilespmem:s0+$0xFFFFFFF0] =	vst v6;
	v6 =	vand.u32 $0x7F, v13  }
0x6e: {  	v5 =	vmul.f32 v5, v7;
	[tilespmem:s0+$0xFFFFFF80] =	vst v9;
	v9 =	vmul.f32 v12, v7;
	v6 =	vor.u32 v1, v6  }
0x6f: {  	[tilespmem:s0+$0xFFFFFFA0] =	vst v10;
	v7 =	vbroadcast v6, $0x0  }
0x70: {  	[tilespmem:s0+$0xFFFFFFB0] =	vst v4  }
.Ltmp3:
0x71: {  	[tilespmem:s0+$0xFFFFFFD0] =	vst v5;
	(pc) =	sbr.rel @p1 .LBB2_8-.Ltmp3, $4  }
0x72: {  	[tilespmem:s0+$0xFFFFFF90] =	vst v11  }
0x73: {  	[tilespmem:s0+$0xFFFFFFE0] =	vst v8;
	v6 =	vld [tilespmem:s0+$0x20]  }
0x74: {  	[tilespmem:s0+$0xFFFFFFC0] =	vst v9;
	v5 =	vld [tilespmem:s0+$0x50]  }
0x75: {  	v4 =	vld.idx.msk [tilespmem:v7+s18+$0x0], $0xffff  }
0x76: {  	_ =	sdelay $0x1  }
0x77: {  	v1 =	vld [tilespmem:s30+$0x70];
	_ =	sdelay $0x1  }
0x78: {  	v7 =	vld [tilespmem:s30+$0x30];
	v2 =	vmul.f32 v2, v4  }
0x79: {  	v9 =	vld [tilespmem:s30+$0x40];
	v6 =	vmul.f32 v6, v4  }
0x7a: {  	v8 =	vld [tilespmem:s30+$0x60];
	v3 =	vmul.f32 v3, v4;
	[tilespmem:s30+$0x0] =	vst v2  }
0x7b: {  	v1 =	vmul.f32 v1, v4;
	[tilespmem:s30+$0x20] =	vst v6  }
0x7c: {  	v2 =	vmul.f32 v5, v4;
	[tilespmem:s30+$0x10] =	vst v3  }
0x7d: {  	v3 =	vmul.f32 v7, v4;
	[tilespmem:s30+$0x70] =	vst v1  }
0x7e: {  	v1 =	vmul.f32 v9, v4;
	[tilespmem:s30+$0x50] =	vst v2  }
0x7f: {  	s0 =	sshll.u32 s28, $0xA;
	v2 =	vmul.f32 v8, v4;
	[tilespmem:s30+$0x30] =	vst v3  }
0x80: {  	s5 =	sshrl.u32 s0, $0x2;
	[tilespmem:s30+$0x40] =	vst v1  }
0x81: {  	s5 =	sadd.s32 $0x400, s5;
	[tilespmem:s30+$0x60] =	vst v2;
	s30 =	simm.s32 $0x0  }
0x82: {  	[spmem:s2] =	stream.indirect.scatter.add.f32 [tilespmem:s15], [sflag:$0x3], $0x80, s5, s19, $0xb8;
	[tilespmem:$0x1C480] =	vst v63  }
0x83: {  	v2 =	vmov s30;
	_ =	swait.ge [sflag:s22], $0x4000  }
0x84: {  	p1 =	seq.s32 s28, $0x3;
	v1 =	vmov s29;
	v2 =	vand.u32 $0x7E, v2;
	[sflag:s22] =	ssyncset.done $0x0  }
0x85: {  	s5 =	simm.s32 @!p1 $0x3;
	v2 =	vor.u32 v1, v2;
	[sflag:s22] =	ssyncadd.s32 $0xFFFFC000  }
0x86: {  	s0 =	sshrl.u32 @!p1 s0, $0x2;
	v4 =	vbroadcast v2, $0x0;
	_ =	swait.ge @!p1 [sflag:s5], $0x4000  }
0x87: {  	s0 =	sadd.s32 @!p1 $0x100, s0;
	[sflag:s5] =	ssyncset.done @!p1 $0x0  }
0x88: {  	s30 =	simm.s32 @!p1 $0xC00;
	[sflag:s5] =	ssyncadd.s32 @!p1 $0xFFFFC000;
	s5 =	simm.s32 @!p1 $0x80  }
0x89: {  	[tilespmem:s30], [sflag:$0x1] =	stream.indirect.gather @!p1 [hbm4b:s1+s5], $0x80, s0, s5, $0xb8;
	[tilespmem:$0x1C480] =	vst v63  }
0x8a: {  	s30 =	simm.s32 $0x4C80  }
0x8b: {  	v6 =	vld [tilespmem:s30+$0xFFFFFFF0]  }
0x8c: {  	v4 =	vld.idx.msk [tilespmem:v4+s18+$0x0], $0xffff  }
0x8d: {  	v7 =	vld [tilespmem:s30+$0xFFFFFF80]  }
0x8e: {  	v8 =	vld [tilespmem:s30+$0xFFFFFFA0]  }
0x8f: {  	v63 =	vld [tilespmem:s30+$0xFFFFFFB0]  }
0x90: {  	v5 =	vld [tilespmem:s30+$0xFFFFFFD0]  }
0x91: {  	s5 =	simm.s32 $0x1;
	v10 =	vld [tilespmem:s30+$0xFFFFFFE0];
	v6 =	vmul.f32 v6, v4  }
0x92: {  	v11 =	vld [tilespmem:s30+$0xFFFFFF90];
	v13 =	vmov s5;
	v7 =	vmul.f32 v7, v4  }
0x93: {  	v12 =	vld [tilespmem:s30+$0xFFFFFFC0];
	v8 =	vmul.f32 v8, v4;
	[tilespmem:s30+$0xFFFFFFF0] =	vst v6;
	v6 =	vand.u32 $0x7F, v13  }
0x94: {  	v9 =	vmul.f32 v63, v4;
	[tilespmem:s30+$0xFFFFFF80] =	vst v7;
	v6 =	vor.u32 v1, v6  }
0x95: {  	v5 =	vmul.f32 v5, v4;
	[tilespmem:s30+$0xFFFFFFA0] =	vst v8;
	v7 =	vbroadcast v6, $0x0  }
0x96: {  	[tilespmem:s30+$0xFFFFFFB0] =	vst v9;
	v8 =	vmul.f32 v10, v4  }
0x97: {  	v2 =	vld [tilespmem:s30+$0x0];
	[tilespmem:s30+$0xFFFFFFD0] =	vst v5;
	v6 =	vmul.f32 v11, v4  }
0x98: {  	v3 =	vld [tilespmem:s30+$0x10];
	v4 =	vmul.f32 v12, v4;
	[tilespmem:s30+$0xFFFFFFE0] =	vst v8  }
0x99: {  	v5 =	vld [tilespmem:s30+$0x50];
	[tilespmem:s30+$0xFFFFFF90] =	vst v6  }
0x9a: {  	v6 =	vld [tilespmem:s30+$0x20];
	[tilespmem:s30+$0xFFFFFFC0] =	vst v4  }
0x9b: {  	s31 =	simm.s32 $0x2;
	s0 =	simm.s32 $0x4C80;
	v4 =	vld.idx.msk [tilespmem:v7+s18+$0x0], $0xffff  }
.LBB2_10:
0x9c: {  	p1 =	sne.s32 s31, $0x7E  }
0x9d: {  	v7 =	vld [tilespmem:s30+$0x70];
	s0 =	sadd.s32 $0x100, s0;
	s5 =	smov.u32 s31;
	s31 =	sadd.s32 $0x2, s31  }
0x9e: {  	v8 =	vld [tilespmem:s30+$0x30]  }
0x9f: {  	v9 =	vld [tilespmem:s30+$0x40]  }
0xa0: {  	v10 =	vld [tilespmem:s30+$0x60];
	_ =	sdelay $0x1  }
0xa1: {  	v2 =	vmul.f32 v2, v4;
	v3 =	vmul.f32 v3, v4  }
0xa2: {  	v11 =	vmov s5;
	v6 =	vmul.f32 v6, v4;
	v8 =	vmul.f32 v8, v4  }
0xa3: {  	v11 =	vand.u32 $0x7E, v11;
	v5 =	vmul.f32 v5, v4;
	[tilespmem:s30+$0x0] =	vst v2;
	v9 =	vmul.f32 v9, v4  }
0xa4: {  	v11 =	vor.u32 v1, v11;
	v2 =	vld [tilespmem:s0+$0x0];
	[tilespmem:s30+$0x20] =	vst v6;
	v6 =	vmul.f32 v10, v4;
	v4 =	vmul.f32 v7, v4  }
0xa5: {  	v7 =	vbroadcast v11, $0x0;
	[tilespmem:s30+$0x10] =	vst v3  }
0xa6: {  	v3 =	vld [tilespmem:s0+$0x10];
	[tilespmem:s30+$0x50] =	vst v5  }
0xa7: {  	v5 =	vld [tilespmem:s0+$0xFFFFFFD0];
	[tilespmem:s30+$0x70] =	vst v4  }
0xa8: {  	v4 =	vld [tilespmem:s0+$0xFFFFFFB0];
	[tilespmem:s30+$0x30] =	vst v8  }
0xa9: {  	v8 =	vld [tilespmem:s0+$0xFFFFFFE0];
	[tilespmem:s30+$0x60] =	vst v6  }
0xaa: {  	v6 =	vld [tilespmem:s0+$0xFFFFFFF0];
	[tilespmem:s30+$0x40] =	vst v9;
	s30 =	smov.u32 s0  }
0xab: {  	v7 =	vld.idx.msk [tilespmem:v7+s18+$0x0], $0xffff  }
0xac: {  	v9 =	vld [tilespmem:s0+$0xFFFFFF80]  }
0xad: {  	v10 =	vld [tilespmem:s0+$0xFFFFFFA0]  }
0xae: {  	v11 =	vld [tilespmem:s0+$0xFFFFFF90]  }
0xaf: {  	v12 =	vld [tilespmem:s0+$0xFFFFFFC0];
	_ =	sdelay $0x1  }
0xb0: {  	s5 =	sadd.s32 $0x1, s5;
	v6 =	vmul.f32 v6, v7;
	v9 =	vmul.f32 v9, v7  }
0xb1: {  	v13 =	vmov s5;
	v8 =	vmul.f32 v8, v7;
	v10 =	vmul.f32 v10, v7  }
0xb2: {  	v4 =	vmul.f32 v4, v7;
	v11 =	vmul.f32 v11, v7;
	[tilespmem:s0+$0xFFFFFFF0] =	vst v6;
	v6 =	vand.u32 $0x7F, v13  }
0xb3: {  	v5 =	vmul.f32 v5, v7;
	[tilespmem:s0+$0xFFFFFF80] =	vst v9;
	v9 =	vmul.f32 v12, v7;
	v6 =	vor.u32 v1, v6  }
0xb4: {  	[tilespmem:s0+$0xFFFFFFA0] =	vst v10;
	v7 =	vbroadcast v6, $0x0  }
0xb5: {  	[tilespmem:s0+$0xFFFFFFB0] =	vst v4  }
.Ltmp4:
0xb6: {  	[tilespmem:s0+$0xFFFFFFD0] =	vst v5;
	(pc) =	sbr.rel @p1 .LBB2_10-.Ltmp4, $4  }
0xb7: {  	[tilespmem:s0+$0xFFFFFF90] =	vst v11  }
0xb8: {  	[tilespmem:s0+$0xFFFFFFE0] =	vst v8;
	v6 =	vld [tilespmem:s0+$0x20]  }
0xb9: {  	[tilespmem:s0+$0xFFFFFFC0] =	vst v9;
	v5 =	vld [tilespmem:s0+$0x50]  }
0xba: {  	v4 =	vld.idx.msk [tilespmem:v7+s18+$0x0], $0xffff  }
0xbb: {  	_ =	sdelay $0x1  }
0xbc: {  	v1 =	vld [tilespmem:s30+$0x70];
	_ =	sdelay $0x1  }
0xbd: {  	v7 =	vld [tilespmem:s30+$0x30];
	v2 =	vmul.f32 v2, v4  }
0xbe: {  	v9 =	vld [tilespmem:s30+$0x40];
	v6 =	vmul.f32 v6, v4  }
0xbf: {  	v8 =	vld [tilespmem:s30+$0x60];
	v3 =	vmul.f32 v3, v4;
	[tilespmem:s30+$0x0] =	vst v2  }
0xc0: {  	v1 =	vmul.f32 v1, v4;
	[tilespmem:s30+$0x20] =	vst v6  }
0xc1: {  	s28 =	sadd.s32 $0x1, s28;
	v2 =	vmul.f32 v5, v4;
	[tilespmem:s30+$0x10] =	vst v3  }
0xc2: {  	p1 =	sne.s32 s28, $0x4;
	v3 =	vmul.f32 v7, v4;
	[tilespmem:s30+$0x70] =	vst v1  }
.Ltmp5:
0xc3: {  	v1 =	vmul.f32 v9, v4;
	[tilespmem:s30+$0x50] =	vst v2;
	(pc) =	sbr.rel @p1 .LBB2_7-.Ltmp5, $4  }
0xc4: {  	v2 =	vmul.f32 v8, v4;
	[tilespmem:s30+$0x30] =	vst v3  }
0xc5: {  	[tilespmem:s30+$0x40] =	vst v1  }
0xc6: {  	s0 =	sadd.s32 $0x400, s29;
	[tilespmem:s30+$0x60] =	vst v2  }
0xc7: {  	[spmem:s2] =	stream.indirect.scatter.add.f32 [tilespmem:s21], [sflag:$0x4], $0x80, s0, s19, $0xb8;
	[tilespmem:$0x1C480] =	vst v63  }
0xc8: {  	s26 =	sadd.s32 $0x1, s26  }
0xc9: {  	_ =	swait.ge [sflag:s23], $0x4000;
	p1 =	sne.s32 s26, s9  }
.Ltmp6:
0xca: {  	[sflag:s23] =	ssyncset.done $0x0;
	(pc) =	sbr.rel @p1 .LBB2_6-.Ltmp6, $4  }
0xcb: {  	[sflag:s23] =	ssyncadd.s32 $0xFFFFC000  }
0xcc: {  	_ =	swait.ge [sflag:s10], $0x4000  }
0xcd: {  	[sflag:s10] =	ssyncset.done $0x0  }
0xce: {  	[sflag:s10] =	ssyncadd.s32 $0xFFFFC000  }
0xcf: {  	[bflag:$0x0] =	sbarrier.arrive $0xFFFF  }
0xd0: {  	[tilespmem:s15], [sflag:$0x5] =	stream.linear.gather [spmem:s13], $0x2800, $0x38;
	[tilespmem:$0x1C480] =	vst v63  }
0xd1: {  	_ =	swait.ge [sflag:s16], $0x2800  }
.Ltmp7:
0xd2: {  	[sflag:s16] =	ssyncset.done $0x0;
	(pc) =	sbr.rel @!p0 .LBB2_15-.Ltmp7, $4  }
0xd3: {  	[sflag:s16] =	ssyncadd.s32 $0xFFFFD800  }
0xd4: {  	[hbm4b:s14+s3] =	stream.linear.scatter [tilespmem:s15], [sflag:$0x5], $0x2800, $0x38;
	[tilespmem:$0x1C480] =	vst v63  }
0xd5: {  	s0 =	sadd.s32 $0xFFFFFFFF, s8;
	_ =	swait.ge [sflag:s16], $0x2800  }
0xd6: {  	s25 =	smov.u32 s13;
	s26 =	smov.u32 s14;
	[sflag:s16] =	ssyncset.done $0x0  }
.LBB2_14:
0xd7: {  	[sflag:s16] =	ssyncadd.s32 $0xFFFFD800;
	s25 =	sadd.s32 $0x28000, s25;
	s26 =	sadd.s32 $0x5000, s26  }
0xd8: {  	[tilespmem:s15], [sflag:$0x5] =	stream.linear.gather [spmem:s25], $0x2800, $0x38;
	[tilespmem:$0x1C480] =	vst v63  }
0xd9: {  	p0 =	sne.s32 s0, $0x1;
	s0 =	sadd.s32 $0xFFFFFFFF, s0;
	_ =	swait.ge [sflag:s16], $0x2800  }
.Ltmp8:
0xda: {  	[sflag:s16] =	ssyncset.done $0x0;
	(pc) =	sbr.rel @p0 .LBB2_14-.Ltmp8, $4  }
0xdb: {  	[sflag:s16] =	ssyncadd.s32 $0xFFFFD800  }
0xdc: {  	[hbm4b:s26+s3] =	stream.linear.scatter [tilespmem:s15], [sflag:$0x5], $0x2800, $0x38;
	[tilespmem:$0x1C480] =	vst v63  }
0xdd: {  	_ =	swait.ge [sflag:s16], $0x2800  }
0xde: {  	[sflag:s16] =	ssyncset.done $0x0  }
.LBB2_15:
0xdf: {  	s24 =	sadd.s32 $0x1, s24  }
0xe0: {  	p0 =	sne.s32 s24, s12  }
.Ltmp9:
0xe1: {  	_ = 	snop;
	(pc) =	sbr.rel @p0 .LBB2_1-.Ltmp9, $2  }
0xe2: {  	_ =	sdelay $0x2  }
0xe3: {  	[sflag:s16] =	ssyncadd.s32 $0xFFFFD800  }
0xe4: {  	_ =	sfence.sel $0x180000  }
0xe5: {  	[bflag:$0x0] =	sbarrier.arrive $0xFFFF  }
0xe6: {  	_ =	strace $0x9000004A  }
0xe7: {  	s0 =	stileid.u32;
	[bflag:$0x2] =	sbarrier.arrive $0xFFFF  }
0xe8: {  	p0 =	sne.s32 s0, $0x0;
	s0 =	rddreg [dreg:$0x3]  }
0xe9: {  	s0 =	sadd.s32 @!p0 $0x100000, s0  }
0xea: {  	[sflag:s0] =	ssyncadd.tile.s32 @!p0 $0x1;
	_ =	shalt  }
.Lfunc_end2:
_tile_overlayer_lowered:
.L_overlay_start_2:
0xeb: {  	(tag) =	ssettag $0x2  }
0xec: {  	s0 =	rddreg [dreg:$0x0];
	s2 =	stileid.u32  }
0xed: {  	s1 =	rddreg [dreg:$0x1];
	p0 =	sne.s32 s2, $0x0  }
0xee: {  	s3 =	rddreg [dreg:$0x2];
	[bflag:$0x3] =	sbarrier.arrive $0xFFFF;
	s2 =	simm.s32 @!p0 $0x1C05  }
0xef: {  	[timem:s3], [sflag:s2] =	dma.local @!p0 [hbm:s0], s1  }
0xf0: {  	s0 =	simm.s32 @!p0 $0x5  }
0xf1: {  	_ =	swait.ge @!p0 [sflag:s0], s1  }
0xf2: {  	s1 =	ssub.s32 @!p0 $0x0, s1;
	[sflag:s0] =	ssyncset.done @!p0 $0x0  }
0xf3: {  	[sflag:s0] =	ssyncadd.s32 @!p0 s1  }
0xf4: {  	[bflag:$0x3] =	sbarrier.arrive $0xFFFF  }
0xf5: {  	_ =	shalt  }

</sc_bundles>
